<compile_context>
chip_gen: v7x
topology: tpu7x:2x2x1
jax: 0.10.2.dev20260603
libtpu: 0.0.44.dev20260713+nightly
codegen_flags: <defaults>
</compile_context>

<pallas_src>
import functools

import jax
import jax.numpy as jnp
from jax import lax
from jax.experimental import pallas as pl
from jax.experimental.pallas import tpu as pltpu
from jax.experimental.pallas import tpu_sc as plsc

NC = 2
NS = 16
NW = NC * NS

BATCH = 1024
SEQ = 200
EMBED = 128
LANES = 16
SPW = BATCH // NW
U = 80
UPW = SPW * SEQ // U
NBUF = 5
D = 3


def _emb_body(idx_hbm, tok_hbm, pos_hbm, out_hbm, pos_v, idx_v, *rest):
    bufs = rest[:NBUF]
    gsems = rest[NBUF:2 * NBUF]
    wsems = rest[2 * NBUF:3 * NBUF]

    wid = lax.axis_index("s") * NC + lax.axis_index("c")

    pltpu.sync_copy(pos_hbm.at[pl.ds(0, SEQ)], pos_v)
    pltpu.sync_copy(idx_hbm.at[pl.ds(wid * UPW, UPW)], idx_v)

    def fire_gather(u, r):
        pltpu.async_copy(tok_hbm.at[idx_v.at[u]], bufs[r], gsems[r])

    def wait_gather(r):
        pltpu.make_async_copy(tok_hbm.at[pl.ds(0, U)], bufs[r], gsems[r]).wait()

    def fire_writeout(u, r):
        base = wid * SPW * SEQ + u * U
        pltpu.async_copy(bufs[r], out_hbm.at[pl.ds(base, U)], wsems[r])

    def wait_writeout(r):
        pltpu.make_async_copy(bufs[r], out_hbm.at[pl.ds(0, U)], wsems[r]).wait()

    def add_pos(u, r):
        del u
        p0 = (r * U) % SEQ
        n1 = min(SEQ - p0, U)
        buf = bufs[r]

        def body1(i, c):
            for j in range(EMBED // LANES):
                sl = pl.ds(j * LANES, LANES)
                buf[i, sl] = buf[i, sl] + pos_v[p0 + i, sl]
            return c
        lax.fori_loop(0, n1, body1, 0)

        if n1 < U:
            def body2(i, c):
                for j in range(EMBED // LANES):
                    sl = pl.ds(j * LANES, LANES)
                    buf[i, sl] = buf[i, sl] + pos_v[p0 - SEQ + i, sl]
                return c
            lax.fori_loop(n1, U, body2, 0)

    def stage(u, r, wait_prev=True, fire_next=True):
        if fire_next:
            nr = (r + D) % NBUF
            if wait_prev:
                wait_writeout(nr)
            fire_gather(u + D, nr)
        wait_gather(r)
        add_pos(u, r)
        fire_writeout(u, r)

    for u in range(D):
        fire_gather(u, u % NBUF)
    A = NBUF - D
    for u in range(A):
        stage(u, u % NBUF, wait_prev=False)

    nit = (UPW - D - A) // NBUF
    tail = (UPW - D - A) - nit * NBUF

    def ring_body(g, c):
        u0 = A + g * NBUF
        for k in range(NBUF):
            stage(u0 + k, (A + k) % NBUF)
        return c

    lax.fori_loop(0, nit, ring_body, 0)

    for k in range(tail):
        u = A + nit * NBUF + k
        stage(u, u % NBUF)
    for u in range(UPW - D, UPW):
        stage(u, u % NBUF, fire_next=False)

    for r in range(NBUF):
        wait_writeout(r)


def kernel(input, tok_table, pos_table):
    idx = input.astype(jnp.int32).reshape(BATCH * SEQ // U, U)

    mesh = plsc.VectorSubcoreMesh(
        core_axis_name="c", subcore_axis_name="s", num_cores=NC, num_subcores=NS
    )
    emb = functools.partial(
        pl.kernel,
        out_type=jax.ShapeDtypeStruct((BATCH * SEQ, EMBED), jnp.float32),
        mesh=mesh,
        scratch_types=(
            [
                pltpu.VMEM((SEQ, EMBED), jnp.float32),
                pltpu.VMEM((UPW, U), jnp.int32),
            ]
            + [pltpu.VMEM((U, EMBED), jnp.float32) for _ in range(NBUF)]
            + [pltpu.SemaphoreType.DMA for _ in range(2 * NBUF)]
        ),
    )(_emb_body)
    out = emb(idx, tok_table, pos_table)
    return out.reshape(BATCH, SEQ, EMBED)

# --- scband reference (transcript-rebuilt; emitter-appended) ---
"""Pipeline reference for scband-input-embedding-82824149336273 (READ-ONLY COPY).

The authoritative reference and input builder live on the scoring server;
editing this copy changes nothing except your own understanding.
"""

import jax, jax.numpy as jnp
import numpy as np

VOCAB = 100000
EMBED = 128
BATCH = 1024
SEQ = 200

def setup_inputs(seed: int = 0) -> dict:
    key = jax.random.key(seed)
    k_idx, k_tok, k_pos = jax.random.split(key, 3)
    input_ids = jax.random.randint(k_idx, (BATCH, SEQ), 0, VOCAB, dtype=jnp.int64 if jax.config.jax_enable_x64 else jnp.int32)
    tok_table = jax.random.normal(k_tok, (VOCAB, EMBED), dtype=jnp.float32)
    pos_table = jax.random.normal(k_pos, (VOCAB, EMBED), dtype=jnp.float32)
    return {"input": input_ids, "tok_table": tok_table, "pos_table": pos_table}

def reference(input, tok_table, pos_table):
    # first_embedding = fisrtEmbedding(input)
    first_embedding = jnp.take(tok_table, input, axis=0)  # [B, L, D]
    batch_size, seq_len = input.shape
    # positions_vector = arange(seq_len) expanded to [B, L]
    positions_vector = jnp.broadcast_to(jnp.arange(seq_len), (batch_size, seq_len))
    positional_encoding = jnp.take(pos_table, positions_vector, axis=0)  # [B, L, D]
    # dropout in eval mode = identity (deterministic reference)
    return first_embedding + positional_encoding

if __name__ == "__main__":
    import jax
    _d = setup_inputs()
    print(jax.jit(kernel)(*tuple(_d.values())))

</pallas_src>

<mosaic_0001>
#map = affine_map<(d0, d1) -> (0, 0)>
module attributes {stable_mosaic.version = 14 : i64} {
  func.func @_emb_body(%arg0: i32, %arg1: i32, %arg2: memref<2560x80xi32, #tpu.memory_space<hbm>>, %arg3: memref<100000x128xf32, #tpu.memory_space<hbm>>, %arg4: memref<100000x128xf32, #tpu.memory_space<hbm>>, %arg5: memref<204800x128xf32, #tpu.memory_space<hbm>>, %arg6: memref<200x128xf32, #tpu.memory_space<vmem>>, %arg7: memref<80x80xi32, #tpu.memory_space<vmem>>, %arg8: memref<80x128xf32, #tpu.memory_space<vmem>>, %arg9: memref<80x128xf32, #tpu.memory_space<vmem>>, %arg10: memref<80x128xf32, #tpu.memory_space<vmem>>, %arg11: memref<80x128xf32, #tpu.memory_space<vmem>>, %arg12: memref<80x128xf32, #tpu.memory_space<vmem>>, %arg13: memref<!tpu.dma_semaphore, #tpu.memory_space<semaphore_mem>>, %arg14: memref<!tpu.dma_semaphore, #tpu.memory_space<semaphore_mem>>, %arg15: memref<!tpu.dma_semaphore, #tpu.memory_space<semaphore_mem>>, %arg16: memref<!tpu.dma_semaphore, #tpu.memory_space<semaphore_mem>>, %arg17: memref<!tpu.dma_semaphore, #tpu.memory_space<semaphore_mem>>, %arg18: memref<!tpu.dma_semaphore, #tpu.memory_space<semaphore_mem>>, %arg19: memref<!tpu.dma_semaphore, #tpu.memory_space<semaphore_mem>>, %arg20: memref<!tpu.dma_semaphore, #tpu.memory_space<semaphore_mem>>, %arg21: memref<!tpu.dma_semaphore, #tpu.memory_space<semaphore_mem>>, %arg22: memref<!tpu.dma_semaphore, #tpu.memory_space<semaphore_mem>>) attributes {dimension_semantics = [#tpu.dimension_semantics<core_parallel>, #tpu.dimension_semantics<subcore_parallel>], iteration_bounds = array<i64: 2, 16>, scalar_prefetch = 0 : i64, scratch_operands = 17 : i64, tpu.core_type = #tpu.core_type<sc_vector_subcore>, window_params = [{transform_indices = #map}, {transform_indices = #map}, {transform_indices = #map}, {transform_indices = #map}]} {
    %mul3A = arith.constant 2 : i32
    %mul3A_0 = arith.muli %arg1, %mul3A : i32
    %add3A = arith.addi %mul3A_0, %arg0 : i32
    "tpu.region"() ({
      %run_scoped3A = tpu.sem_alloc : memref<!tpu.dma_semaphore, #tpu.memory_space<semaphore_mem>>
      %dma_start3A_187 = arith.constant 0 : i32
      %dma_start3A_188 = arith.constant 0 : i32
      %dma_start3A_189 = tpu.memref_slice %arg4[%dma_start3A_187, %dma_start3A_188] : memref<100000x128xf32, #tpu.memory_space<hbm>> -> memref<200x128xf32, #tpu.memory_space<hbm>>
      %dma_start3A_190 = arith.constant 0 : i32
      %dma_start3A_191 = arith.constant 0 : i32
      %dma_start3A_192 = tpu.memref_slice %arg4[%dma_start3A_190, %dma_start3A_191] : memref<100000x128xf32, #tpu.memory_space<hbm>> -> memref<200x128xf32, #tpu.memory_space<hbm>>
      tpu.enqueue_dma source(%dma_start3A_192 : memref<200x128xf32, #tpu.memory_space<hbm>>) target(%arg6 : memref<200x128xf32, #tpu.memory_space<vmem>>) target_semaphore(%run_scoped3A : memref<!tpu.dma_semaphore, #tpu.memory_space<semaphore_mem>>)
      %dma_wait3A_193 = arith.constant 0 : i32
      %dma_wait3A_194 = arith.constant 0 : i32
      %dma_wait3A_195 = tpu.memref_slice %arg4[%dma_wait3A_193, %dma_wait3A_194] : memref<100000x128xf32, #tpu.memory_space<hbm>> -> memref<200x128xf32, #tpu.memory_space<hbm>>
      %dma_wait3A_196 = arith.constant 0 : i32
      %dma_wait3A_197 = arith.constant 0 : i32
      %dma_wait3A_198 = tpu.memref_slice %arg4[%dma_wait3A_196, %dma_wait3A_197] : memref<100000x128xf32, #tpu.memory_space<hbm>> -> memref<200x128xf32, #tpu.memory_space<hbm>>
      tpu.wait_dma2 semaphore(%run_scoped3A : memref<!tpu.dma_semaphore, #tpu.memory_space<semaphore_mem>>) src(%dma_wait3A_198 : memref<200x128xf32, #tpu.memory_space<hbm>>) dst(%arg6 : memref<200x128xf32, #tpu.memory_space<vmem>>)
      tpu.yield
    }) : () -> ()
    %mul3A_1 = arith.constant 80 : i32
    %mul3A_2 = arith.muli %add3A, %mul3A_1 : i32
    "tpu.region"() ({
      %run_scoped3A = tpu.sem_alloc : memref<!tpu.dma_semaphore, #tpu.memory_space<semaphore_mem>>
      %dma_start3A_187 = arith.constant 0 : i32
      %dma_start3A_188 = tpu.memref_slice %arg2[%mul3A_2, %dma_start3A_187] : memref<2560x80xi32, #tpu.memory_space<hbm>> -> memref<80x80xi32, #tpu.memory_space<hbm>>
      %dma_start3A_189 = arith.constant 0 : i32
      %dma_start3A_190 = tpu.memref_slice %arg2[%mul3A_2, %dma_start3A_189] : memref<2560x80xi32, #tpu.memory_space<hbm>> -> memref<80x80xi32, #tpu.memory_space<hbm>>
      tpu.enqueue_dma source(%dma_start3A_190 : memref<80x80xi32, #tpu.memory_space<hbm>>) target(%arg7 : memref<80x80xi32, #tpu.memory_space<vmem>>) target_semaphore(%run_scoped3A : memref<!tpu.dma_semaphore, #tpu.memory_space<semaphore_mem>>)
      %dma_wait3A_191 = arith.constant 0 : i32
      %dma_wait3A_192 = tpu.memref_slice %arg2[%mul3A_2, %dma_wait3A_191] : memref<2560x80xi32, #tpu.memory_space<hbm>> -> memref<80x80xi32, #tpu.memory_space<hbm>>
      %dma_wait3A_193 = arith.constant 0 : i32
      %dma_wait3A_194 = tpu.memref_slice %arg2[%mul3A_2, %dma_wait3A_193] : memref<2560x80xi32, #tpu.memory_space<hbm>> -> memref<80x80xi32, #tpu.memory_space<hbm>>
      tpu.wait_dma2 semaphore(%run_scoped3A : memref<!tpu.dma_semaphore, #tpu.memory_space<semaphore_mem>>) src(%dma_wait3A_194 : memref<80x80xi32, #tpu.memory_space<hbm>>) dst(%arg7 : memref<80x80xi32, #tpu.memory_space<vmem>>)
      tpu.yield
    }) : () -> ()
    %dma_start3A = arith.constant 0 : i32
    %dma_start3A_3 = arith.constant 0 : i32
    %dma_start3A_4 = tpu.memref_slice %arg7[%dma_start3A, %dma_start3A_3] : memref<80x80xi32, #tpu.memory_space<vmem>> -> memref<1x80xi32, #tpu.memory_space<vmem>>
    %dma_start3A_5 = tpu.memref_squeeze %dma_start3A_4 : memref<1x80xi32, #tpu.memory_space<vmem>> -> memref<80xi32, #tpu.memory_space<vmem>>
    %dma_start3A_6 = arith.constant 0 : i32
    %dma_start3A_7 = arith.constant 0 : i32
    %dma_start3A_8 = tpu.memref_slice %arg3[%dma_start3A_6, %dma_start3A_7] : memref<100000x128xf32, #tpu.memory_space<hbm>> -> memref<100000x128xf32, #tpu.memory_space<hbm>>
    tpu.enqueue_indirect_dma source(%dma_start3A_8 : memref<100000x128xf32, #tpu.memory_space<hbm>>) target(%arg8 : memref<80x128xf32, #tpu.memory_space<vmem>>) offsets(%dma_start3A_5 : memref<80xi32, #tpu.memory_space<vmem>>) semaphore(%arg13 : memref<!tpu.dma_semaphore, #tpu.memory_space<semaphore_mem>>)
    %dma_start3A_9 = arith.constant 1 : i32
    %dma_start3A_10 = arith.constant 0 : i32
    %dma_start3A_11 = tpu.memref_slice %arg7[%dma_start3A_9, %dma_start3A_10] : memref<80x80xi32, #tpu.memory_space<vmem>> -> memref<1x80xi32, #tpu.memory_space<vmem>>
    %dma_start3A_12 = tpu.memref_squeeze %dma_start3A_11 : memref<1x80xi32, #tpu.memory_space<vmem>> -> memref<80xi32, #tpu.memory_space<vmem>>
    %dma_start3A_13 = arith.constant 0 : i32
    %dma_start3A_14 = arith.constant 0 : i32
    %dma_start3A_15 = tpu.memref_slice %arg3[%dma_start3A_13, %dma_start3A_14] : memref<100000x128xf32, #tpu.memory_space<hbm>> -> memref<100000x128xf32, #tpu.memory_space<hbm>>
    tpu.enqueue_indirect_dma source(%dma_start3A_15 : memref<100000x128xf32, #tpu.memory_space<hbm>>) target(%arg9 : memref<80x128xf32, #tpu.memory_space<vmem>>) offsets(%dma_start3A_12 : memref<80xi32, #tpu.memory_space<vmem>>) semaphore(%arg14 : memref<!tpu.dma_semaphore, #tpu.memory_space<semaphore_mem>>)
    %dma_start3A_16 = arith.constant 2 : i32
    %dma_start3A_17 = arith.constant 0 : i32
    %dma_start3A_18 = tpu.memref_slice %arg7[%dma_start3A_16, %dma_start3A_17] : memref<80x80xi32, #tpu.memory_space<vmem>> -> memref<1x80xi32, #tpu.memory_space<vmem>>
    %dma_start3A_19 = tpu.memref_squeeze %dma_start3A_18 : memref<1x80xi32, #tpu.memory_space<vmem>> -> memref<80xi32, #tpu.memory_space<vmem>>
    %dma_start3A_20 = arith.constant 0 : i32
    %dma_start3A_21 = arith.constant 0 : i32
    %dma_start3A_22 = tpu.memref_slice %arg3[%dma_start3A_20, %dma_start3A_21] : memref<100000x128xf32, #tpu.memory_space<hbm>> -> memref<100000x128xf32, #tpu.memory_space<hbm>>
    tpu.enqueue_indirect_dma source(%dma_start3A_22 : memref<100000x128xf32, #tpu.memory_space<hbm>>) target(%arg10 : memref<80x128xf32, #tpu.memory_space<vmem>>) offsets(%dma_start3A_19 : memref<80xi32, #tpu.memory_space<vmem>>) semaphore(%arg15 : memref<!tpu.dma_semaphore, #tpu.memory_space<semaphore_mem>>)
    %dma_start3A_23 = arith.constant 3 : i32
    %dma_start3A_24 = arith.constant 0 : i32
    %dma_start3A_25 = tpu.memref_slice %arg7[%dma_start3A_23, %dma_start3A_24] : memref<80x80xi32, #tpu.memory_space<vmem>> -> memref<1x80xi32, #tpu.memory_space<vmem>>
    %dma_start3A_26 = tpu.memref_squeeze %dma_start3A_25 : memref<1x80xi32, #tpu.memory_space<vmem>> -> memref<80xi32, #tpu.memory_space<vmem>>
    %dma_start3A_27 = arith.constant 0 : i32
    %dma_start3A_28 = arith.constant 0 : i32
    %dma_start3A_29 = tpu.memref_slice %arg3[%dma_start3A_27, %dma_start3A_28] : memref<100000x128xf32, #tpu.memory_space<hbm>> -> memref<100000x128xf32, #tpu.memory_space<hbm>>
    tpu.enqueue_indirect_dma source(%dma_start3A_29 : memref<100000x128xf32, #tpu.memory_space<hbm>>) target(%arg11 : memref<80x128xf32, #tpu.memory_space<vmem>>) offsets(%dma_start3A_26 : memref<80xi32, #tpu.memory_space<vmem>>) semaphore(%arg16 : memref<!tpu.dma_semaphore, #tpu.memory_space<semaphore_mem>>)
    %dma_wait3A = arith.constant 0 : i32
    %dma_wait3A_30 = arith.constant 0 : i32
    %dma_wait3A_31 = tpu.memref_slice %arg3[%dma_wait3A, %dma_wait3A_30] : memref<100000x128xf32, #tpu.memory_space<hbm>> -> memref<80x128xf32, #tpu.memory_space<hbm>>
    %dma_wait3A_32 = arith.constant 0 : i32
    %dma_wait3A_33 = arith.constant 0 : i32
    %dma_wait3A_34 = tpu.memref_slice %arg3[%dma_wait3A_32, %dma_wait3A_33] : memref<100000x128xf32, #tpu.memory_space<hbm>> -> memref<80x128xf32, #tpu.memory_space<hbm>>
    tpu.wait_dma2 semaphore(%arg13 : memref<!tpu.dma_semaphore, #tpu.memory_space<semaphore_mem>>) src(%dma_wait3A_34 : memref<80x128xf32, #tpu.memory_space<hbm>>) dst(%arg8 : memref<80x128xf32, #tpu.memory_space<vmem>>)
    %scan3A = arith.constant 0 : i32
    %scan3A_35 = arith.constant 0 : i32
    %scan3A_36 = arith.constant 80 : i32
    %scan3A_37 = arith.addi %scan3A_35, %scan3A_36 : i32
    %scan3A_38 = arith.constant 1 : i32
    scf.for %scan3A_187 = %scan3A_35 to %scan3A_37 step %scan3A_38  : i32 {
      %get3A = arith.index_cast %scan3A_187 : i32 to index
      %get3A_188 = arith.constant 0 : index
      %get3A_189 = tpu.vector_load %arg8[%get3A, %get3A_188] {strides = array<i32>} : memref<80x128xf32, #tpu.memory_space<vmem>>, vector<1x16xf32>,
      %get3A_190 = vector.shape_cast %get3A_189 : vector<1x16xf32> to vector<16xf32>
      %add3A_191 = arith.constant 0 : i32
      %add3A_192 = arith.addi %add3A_191, %scan3A_187 : i32
      %get3A_193 = arith.index_cast %add3A_192 : i32 to index
      %get3A_194 = arith.constant 0 : index
      %get3A_195 = tpu.vector_load %arg6[%get3A_193, %get3A_194] {strides = array<i32>} : memref<200x128xf32, #tpu.memory_space<vmem>>, vector<1x16xf32>,
      %get3A_196 = vector.shape_cast %get3A_195 : vector<1x16xf32> to vector<16xf32>
      %add3A_197 = arith.addf %get3A_190, %get3A_196 : vector<16xf32>
      %swap3A = arith.index_cast %scan3A_187 : i32 to index
      %swap3A_198 = arith.constant 0 : index
      %swap3A_199 = tpu.vector_load %arg8[%swap3A, %swap3A_198] {strides = array<i32>} : memref<80x128xf32, #tpu.memory_space<vmem>>, vector<1x16xf32>,
      %swap3A_200 = vector.shape_cast %swap3A_199 : vector<1x16xf32> to vector<16xf32>
      %swap3A_201 = vector.shape_cast %add3A_197 : vector<16xf32> to vector<1x16xf32>
      tpu.vector_store %arg8[%swap3A, %swap3A_198], %swap3A_201 {strides = array<i32>} : memref<80x128xf32, #tpu.memory_space<vmem>>, vector<1x16xf32>,
      %get3A_202 = arith.index_cast %scan3A_187 : i32 to index
      %get3A_203 = arith.constant 16 : index
      %get3A_204 = tpu.vector_load %arg8[%get3A_202, %get3A_203] {strides = array<i32>} : memref<80x128xf32, #tpu.memory_space<vmem>>, vector<1x16xf32>,
      %get3A_205 = vector.shape_cast %get3A_204 : vector<1x16xf32> to vector<16xf32>
      %add3A_206 = arith.constant 0 : i32
      %add3A_207 = arith.addi %add3A_206, %scan3A_187 : i32
      %get3A_208 = arith.index_cast %add3A_207 : i32 to index
      %get3A_209 = arith.constant 16 : index
      %get3A_210 = tpu.vector_load %arg6[%get3A_208, %get3A_209] {strides = array<i32>} : memref<200x128xf32, #tpu.memory_space<vmem>>, vector<1x16xf32>,
      %get3A_211 = vector.shape_cast %get3A_210 : vector<1x16xf32> to vector<16xf32>
      %add3A_212 = arith.addf %get3A_205, %get3A_211 : vector<16xf32>
      %swap3A_213 = arith.index_cast %scan3A_187 : i32 to index
      %swap3A_214 = arith.constant 16 : index
      %swap3A_215 = tpu.vector_load %arg8[%swap3A_213, %swap3A_214] {strides = array<i32>} : memref<80x128xf32, #tpu.memory_space<vmem>>, vector<1x16xf32>,
      %swap3A_216 = vector.shape_cast %swap3A_215 : vector<1x16xf32> to vector<16xf32>
      %swap3A_217 = vector.shape_cast %add3A_212 : vector<16xf32> to vector<1x16xf32>
      tpu.vector_store %arg8[%swap3A_213, %swap3A_214], %swap3A_217 {strides = array<i32>} : memref<80x128xf32, #tpu.memory_space<vmem>>, vector<1x16xf32>,
      %get3A_218 = arith.index_cast %scan3A_187 : i32 to index
      %get3A_219 = arith.constant 32 : index
      %get3A_220 = tpu.vector_load %arg8[%get3A_218, %get3A_219] {strides = array<i32>} : memref<80x128xf32, #tpu.memory_space<vmem>>, vector<1x16xf32>,
      %get3A_221 = vector.shape_cast %get3A_220 : vector<1x16xf32> to vector<16xf32>
      %add3A_222 = arith.constant 0 : i32
      %add3A_223 = arith.addi %add3A_222, %scan3A_187 : i32
      %get3A_224 = arith.index_cast %add3A_223 : i32 to index
      %get3A_225 = arith.constant 32 : index
      %get3A_226 = tpu.vector_load %arg6[%get3A_224, %get3A_225] {strides = array<i32>} : memref<200x128xf32, #tpu.memory_space<vmem>>, vector<1x16xf32>,
      %get3A_227 = vector.shape_cast %get3A_226 : vector<1x16xf32> to vector<16xf32>
      %add3A_228 = arith.addf %get3A_221, %get3A_227 : vector<16xf32>
      %swap3A_229 = arith.index_cast %scan3A_187 : i32 to index
      %swap3A_230 = arith.constant 32 : index
      %swap3A_231 = tpu.vector_load %arg8[%swap3A_229, %swap3A_230] {strides = array<i32>} : memref<80x128xf32, #tpu.memory_space<vmem>>, vector<1x16xf32>,
      %swap3A_232 = vector.shape_cast %swap3A_231 : vector<1x16xf32> to vector<16xf32>
      %swap3A_233 = vector.shape_cast %add3A_228 : vector<16xf32> to vector<1x16xf32>
      tpu.vector_store %arg8[%swap3A_229, %swap3A_230], %swap3A_233 {strides = array<i32>} : memref<80x128xf32, #tpu.memory_space<vmem>>, vector<1x16xf32>,
      %get3A_234 = arith.index_cast %scan3A_187 : i32 to index
      %get3A_235 = arith.constant 48 : index
      %get3A_236 = tpu.vector_load %arg8[%get3A_234, %get3A_235] {strides = array<i32>} : memref<80x128xf32, #tpu.memory_space<vmem>>, vector<1x16xf32>,
      %get3A_237 = vector.shape_cast %get3A_236 : vector<1x16xf32> to vector<16xf32>
      %add3A_238 = arith.constant 0 : i32
      %add3A_239 = arith.addi %add3A_238, %scan3A_187 : i32
      %get3A_240 = arith.index_cast %add3A_239 : i32 to index
      %get3A_241 = arith.constant 48 : index
      %get3A_242 = tpu.vector_load %arg6[%get3A_240, %get3A_241] {strides = array<i32>} : memref<200x128xf32, #tpu.memory_space<vmem>>, vector<1x16xf32>,
      %get3A_243 = vector.shape_cast %get3A_242 : vector<1x16xf32> to vector<16xf32>
      %add3A_244 = arith.addf %get3A_237, %get3A_243 : vector<16xf32>
      %swap3A_245 = arith.index_cast %scan3A_187 : i32 to index
      %swap3A_246 = arith.constant 48 : index
      %swap3A_247 = tpu.vector_load %arg8[%swap3A_245, %swap3A_246] {strides = array<i32>} : memref<80x128xf32, #tpu.memory_space<vmem>>, vector<1x16xf32>,
      %swap3A_248 = vector.shape_cast %swap3A_247 : vector<1x16xf32> to vector<16xf32>
      %swap3A_249 = vector.shape_cast %add3A_244 : vector<16xf32> to vector<1x16xf32>
      tpu.vector_store %arg8[%swap3A_245, %swap3A_246], %swap3A_249 {strides = array<i32>} : memref<80x128xf32, #tpu.memory_space<vmem>>, vector<1x16xf32>,
      %get3A_250 = arith.index_cast %scan3A_187 : i32 to index
      %get3A_251 = arith.constant 64 : index
      %get3A_252 = tpu.vector_load %arg8[%get3A_250, %get3A_251] {strides = array<i32>} : memref<80x128xf32, #tpu.memory_space<vmem>>, vector<1x16xf32>,
      %get3A_253 = vector.shape_cast %get3A_252 : vector<1x16xf32> to vector<16xf32>
      %add3A_254 = arith.constant 0 : i32
      %add3A_255 = arith.addi %add3A_254, %scan3A_187 : i32
      %get3A_256 = arith.index_cast %add3A_255 : i32 to index
      %get3A_257 = arith.constant 64 : index
      %get3A_258 = tpu.vector_load %arg6[%get3A_256, %get3A_257] {strides = array<i32>} : memref<200x128xf32, #tpu.memory_space<vmem>>, vector<1x16xf32>,
      %get3A_259 = vector.shape_cast %get3A_258 : vector<1x16xf32> to vector<16xf32>
      %add3A_260 = arith.addf %get3A_253, %get3A_259 : vector<16xf32>
      %swap3A_261 = arith.index_cast %scan3A_187 : i32 to index
      %swap3A_262 = arith.constant 64 : index
      %swap3A_263 = tpu.vector_load %arg8[%swap3A_261, %swap3A_262] {strides = array<i32>} : memref<80x128xf32, #tpu.memory_space<vmem>>, vector<1x16xf32>,
      %swap3A_264 = vector.shape_cast %swap3A_263 : vector<1x16xf32> to vector<16xf32>
      %swap3A_265 = vector.shape_cast %add3A_260 : vector<16xf32> to vector<1x16xf32>
      tpu.vector_store %arg8[%swap3A_261, %swap3A_262], %swap3A_265 {strides = array<i32>} : memref<80x128xf32, #tpu.memory_space<vmem>>, vector<1x16xf32>,
      %get3A_266 = arith.index_cast %scan3A_187 : i32 to index
      %get3A_267 = arith.constant 80 : index
      %get3A_268 = tpu.vector_load %arg8[%get3A_266, %get3A_267] {strides = array<i32>} : memref<80x128xf32, #tpu.memory_space<vmem>>, vector<1x16xf32>,
      %get3A_269 = vector.shape_cast %get3A_268 : vector<1x16xf32> to vector<16xf32>
      %add3A_270 = arith.constant 0 : i32
      %add3A_271 = arith.addi %add3A_270, %scan3A_187 : i32
      %get3A_272 = arith.index_cast %add3A_271 : i32 to index
      %get3A_273 = arith.constant 80 : index
      %get3A_274 = tpu.vector_load %arg6[%get3A_272, %get3A_273] {strides = array<i32>} : memref<200x128xf32, #tpu.memory_space<vmem>>, vector<1x16xf32>,
      %get3A_275 = vector.shape_cast %get3A_274 : vector<1x16xf32> to vector<16xf32>
      %add3A_276 = arith.addf %get3A_269, %get3A_275 : vector<16xf32>
      %swap3A_277 = arith.index_cast %scan3A_187 : i32 to index
      %swap3A_278 = arith.constant 80 : index
      %swap3A_279 = tpu.vector_load %arg8[%swap3A_277, %swap3A_278] {strides = array<i32>} : memref<80x128xf32, #tpu.memory_space<vmem>>, vector<1x16xf32>,
      %swap3A_280 = vector.shape_cast %swap3A_279 : vector<1x16xf32> to vector<16xf32>
      %swap3A_281 = vector.shape_cast %add3A_276 : vector<16xf32> to vector<1x16xf32>
      tpu.vector_store %arg8[%swap3A_277, %swap3A_278], %swap3A_281 {strides = array<i32>} : memref<80x128xf32, #tpu.memory_space<vmem>>, vector<1x16xf32>,
      %get3A_282 = arith.index_cast %scan3A_187 : i32 to index
      %get3A_283 = arith.constant 96 : index
      %get3A_284 = tpu.vector_load %arg8[%get3A_282, %get3A_283] {strides = array<i32>} : memref<80x128xf32, #tpu.memory_space<vmem>>, vector<1x16xf32>,
      %get3A_285 = vector.shape_cast %get3A_284 : vector<1x16xf32> to vector<16xf32>
      %add3A_286 = arith.constant 0 : i32
      %add3A_287 = arith.addi %add3A_286, %scan3A_187 : i32
      %get3A_288 = arith.index_cast %add3A_287 : i32 to index
      %get3A_289 = arith.constant 96 : index
      %get3A_290 = tpu.vector_load %arg6[%get3A_288, %get3A_289] {strides = array<i32>} : memref<200x128xf32, #tpu.memory_space<vmem>>, vector<1x16xf32>,
      %get3A_291 = vector.shape_cast %get3A_290 : vector<1x16xf32> to vector<16xf32>
      %add3A_292 = arith.addf %get3A_285, %get3A_291 : vector<16xf32>
      %swap3A_293 = arith.index_cast %scan3A_187 : i32 to index
      %swap3A_294 = arith.constant 96 : index
      %swap3A_295 = tpu.vector_load %arg8[%swap3A_293, %swap3A_294] {strides = array<i32>} : memref<80x128xf32, #tpu.memory_space<vmem>>, vector<1x16xf32>,
      %swap3A_296 = vector.shape_cast %swap3A_295 : vector<1x16xf32> to vector<16xf32>
      %swap3A_297 = vector.shape_cast %add3A_292 : vector<16xf32> to vector<1x16xf32>
      tpu.vector_store %arg8[%swap3A_293, %swap3A_294], %swap3A_297 {strides = array<i32>} : memref<80x128xf32, #tpu.memory_space<vmem>>, vector<1x16xf32>,
      %get3A_298 = arith.index_cast %scan3A_187 : i32 to index
      %get3A_299 = arith.constant 112 : index
      %get3A_300 = tpu.vector_load %arg8[%get3A_298, %get3A_299] {strides = array<i32>} : memref<80x128xf32, #tpu.memory_space<vmem>>, vector<1x16xf32>,
      %get3A_301 = vector.shape_cast %get3A_300 : vector<1x16xf32> to vector<16xf32>
      %add3A_302 = arith.constant 0 : i32
      %add3A_303 = arith.addi %add3A_302, %scan3A_187 : i32
      %get3A_304 = arith.index_cast %add3A_303 : i32 to index
      %get3A_305 = arith.constant 112 : index
      %get3A_306 = tpu.vector_load %arg6[%get3A_304, %get3A_305] {strides = array<i32>} : memref<200x128xf32, #tpu.memory_space<vmem>>, vector<1x16xf32>,
      %get3A_307 = vector.shape_cast %get3A_306 : vector<1x16xf32> to vector<16xf32>
      %add3A_308 = arith.addf %get3A_301, %get3A_307 : vector<16xf32>
      %swap3A_309 = arith.index_cast %scan3A_187 : i32 to index
      %swap3A_310 = arith.constant 112 : index
      %swap3A_311 = tpu.vector_load %arg8[%swap3A_309, %swap3A_310] {strides = array<i32>} : memref<80x128xf32, #tpu.memory_space<vmem>>, vector<1x16xf32>,
      %swap3A_312 = vector.shape_cast %swap3A_311 : vector<1x16xf32> to vector<16xf32>
      %swap3A_313 = vector.shape_cast %add3A_308 : vector<16xf32> to vector<1x16xf32>
      tpu.vector_store %arg8[%swap3A_309, %swap3A_310], %swap3A_313 {strides = array<i32>} : memref<80x128xf32, #tpu.memory_space<vmem>>, vector<1x16xf32>,
    }
    %scan3A_39 = arith.constant 80 : i32
    %mul3A_40 = arith.constant 32 : i32
    %mul3A_41 = arith.muli %add3A, %mul3A_40 : i32
    %mul3A_42 = arith.constant 200 : i32
    %mul3A_43 = arith.muli %mul3A_41, %mul3A_42 : i32
    %add3A_44 = arith.constant 0 : i32
    %add3A_45 = arith.addi %mul3A_43, %add3A_44 : i32
    %dma_start3A_46 = arith.constant 0 : i32
    %dma_start3A_47 = tpu.memref_slice %arg5[%add3A_45, %dma_start3A_46] : memref<204800x128xf32, #tpu.memory_space<hbm>> -> memref<80x128xf32, #tpu.memory_space<hbm>>
    %dma_start3A_48 = arith.constant 0 : i32
    %dma_start3A_49 = tpu.memref_slice %arg5[%add3A_45, %dma_start3A_48] : memref<204800x128xf32, #tpu.memory_space<hbm>> -> memref<80x128xf32, #tpu.memory_space<hbm>>
    tpu.enqueue_dma source(%arg8 : memref<80x128xf32, #tpu.memory_space<vmem>>) target(%dma_start3A_49 : memref<80x128xf32, #tpu.memory_space<hbm>>) target_semaphore(%arg18 : memref<!tpu.dma_semaphore, #tpu.memory_space<semaphore_mem>>)
    %dma_start3A_50 = arith.constant 4 : i32
    %dma_start3A_51 = arith.constant 0 : i32
    %dma_start3A_52 = tpu.memref_slice %arg7[%dma_start3A_50, %dma_start3A_51] : memref<80x80xi32, #tpu.memory_space<vmem>> -> memref<1x80xi32, #tpu.memory_space<vmem>>
    %dma_start3A_53 = tpu.memref_squeeze %dma_start3A_52 : memref<1x80xi32, #tpu.memory_space<vmem>> -> memref<80xi32, #tpu.memory_space<vmem>>
    %dma_start3A_54 = arith.constant 0 : i32
    %dma_start3A_55 = arith.constant 0 : i32
    %dma_start3A_56 = tpu.memref_slice %arg3[%dma_start3A_54, %dma_start3A_55] : memref<100000x128xf32, #tpu.memory_space<hbm>> -> memref<100000x128xf32, #tpu.memory_space<hbm>>
    tpu.enqueue_indirect_dma source(%dma_start3A_56 : memref<100000x128xf32, #tpu.memory_space<hbm>>) target(%arg12 : memref<80x128xf32, #tpu.memory_space<vmem>>) offsets(%dma_start3A_53 : memref<80xi32, #tpu.memory_space<vmem>>) semaphore(%arg17 : memref<!tpu.dma_semaphore, #tpu.memory_space<semaphore_mem>>)
    %dma_wait3A_57 = arith.constant 0 : i32
    %dma_wait3A_58 = arith.constant 0 : i32
    %dma_wait3A_59 = tpu.memref_slice %arg3[%dma_wait3A_57, %dma_wait3A_58] : memref<100000x128xf32, #tpu.memory_space<hbm>> -> memref<80x128xf32, #tpu.memory_space<hbm>>
    %dma_wait3A_60 = arith.constant 0 : i32
    %dma_wait3A_61 = arith.constant 0 : i32
    %dma_wait3A_62 = tpu.memref_slice %arg3[%dma_wait3A_60, %dma_wait3A_61] : memref<100000x128xf32, #tpu.memory_space<hbm>> -> memref<80x128xf32, #tpu.memory_space<hbm>>
    tpu.wait_dma2 semaphore(%arg14 : memref<!tpu.dma_semaphore, #tpu.memory_space<semaphore_mem>>) src(%dma_wait3A_62 : memref<80x128xf32, #tpu.memory_space<hbm>>) dst(%arg9 : memref<80x128xf32, #tpu.memory_space<vmem>>)
    %scan3A_63 = arith.constant 0 : i32
    %scan3A_64 = arith.constant 0 : i32
    %scan3A_65 = arith.constant 80 : i32
    %scan3A_66 = arith.addi %scan3A_64, %scan3A_65 : i32
    %scan3A_67 = arith.constant 1 : i32
    scf.for %scan3A_187 = %scan3A_64 to %scan3A_66 step %scan3A_67  : i32 {
      %get3A = arith.index_cast %scan3A_187 : i32 to index
      %get3A_188 = arith.constant 0 : index
      %get3A_189 = tpu.vector_load %arg9[%get3A, %get3A_188] {strides = array<i32>} : memref<80x128xf32, #tpu.memory_space<vmem>>, vector<1x16xf32>,
      %get3A_190 = vector.shape_cast %get3A_189 : vector<1x16xf32> to vector<16xf32>
      %add3A_191 = arith.constant 80 : i32
      %add3A_192 = arith.addi %add3A_191, %scan3A_187 : i32
      %get3A_193 = arith.index_cast %add3A_192 : i32 to index
      %get3A_194 = arith.constant 0 : index
      %get3A_195 = tpu.vector_load %arg6[%get3A_193, %get3A_194] {strides = array<i32>} : memref<200x128xf32, #tpu.memory_space<vmem>>, vector<1x16xf32>,
      %get3A_196 = vector.shape_cast %get3A_195 : vector<1x16xf32> to vector<16xf32>
      %add3A_197 = arith.addf %get3A_190, %get3A_196 : vector<16xf32>
      %swap3A = arith.index_cast %scan3A_187 : i32 to index
      %swap3A_198 = arith.constant 0 : index
      %swap3A_199 = tpu.vector_load %arg9[%swap3A, %swap3A_198] {strides = array<i32>} : memref<80x128xf32, #tpu.memory_space<vmem>>, vector<1x16xf32>,
      %swap3A_200 = vector.shape_cast %swap3A_199 : vector<1x16xf32> to vector<16xf32>
      %swap3A_201 = vector.shape_cast %add3A_197 : vector<16xf32> to vector<1x16xf32>
      tpu.vector_store %arg9[%swap3A, %swap3A_198], %swap3A_201 {strides = array<i32>} : memref<80x128xf32, #tpu.memory_space<vmem>>, vector<1x16xf32>,
      %get3A_202 = arith.index_cast %scan3A_187 : i32 to index
      %get3A_203 = arith.constant 16 : index
      %get3A_204 = tpu.vector_load %arg9[%get3A_202, %get3A_203] {strides = array<i32>} : memref<80x128xf32, #tpu.memory_space<vmem>>, vector<1x16xf32>,
      %get3A_205 = vector.shape_cast %get3A_204 : vector<1x16xf32> to vector<16xf32>
      %add3A_206 = arith.constant 80 : i32
      %add3A_207 = arith.addi %add3A_206, %scan3A_187 : i32
      %get3A_208 = arith.index_cast %add3A_207 : i32 to index
      %get3A_209 = arith.constant 16 : index
      %get3A_210 = tpu.vector_load %arg6[%get3A_208, %get3A_209] {strides = array<i32>} : memref<200x128xf32, #tpu.memory_space<vmem>>, vector<1x16xf32>,
      %get3A_211 = vector.shape_cast %get3A_210 : vector<1x16xf32> to vector<16xf32>
      %add3A_212 = arith.addf %get3A_205, %get3A_211 : vector<16xf32>
      %swap3A_213 = arith.index_cast %scan3A_187 : i32 to index
      %swap3A_214 = arith.constant 16 : index
      %swap3A_215 = tpu.vector_load %arg9[%swap3A_213, %swap3A_214] {strides = array<i32>} : memref<80x128xf32, #tpu.memory_space<vmem>>, vector<1x16xf32>,
      %swap3A_216 = vector.shape_cast %swap3A_215 : vector<1x16xf32> to vector<16xf32>
      %swap3A_217 = vector.shape_cast %add3A_212 : vector<16xf32> to vector<1x16xf32>
      tpu.vector_store %arg9[%swap3A_213, %swap3A_214], %swap3A_217 {strides = array<i32>} : memref<80x128xf32, #tpu.memory_space<vmem>>, vector<1x16xf32>,
      %get3A_218 = arith.index_cast %scan3A_187 : i32 to index
      %get3A_219 = arith.constant 32 : index
      %get3A_220 = tpu.vector_load %arg9[%get3A_218, %get3A_219] {strides = array<i32>} : memref<80x128xf32, #tpu.memory_space<vmem>>, vector<1x16xf32>,
      %get3A_221 = vector.shape_cast %get3A_220 : vector<1x16xf32> to vector<16xf32>
      %add3A_222 = arith.constant 80 : i32
      %add3A_223 = arith.addi %add3A_222, %scan3A_187 : i32
      %get3A_224 = arith.index_cast %add3A_223 : i32 to index
      %get3A_225 = arith.constant 32 : index
      %get3A_226 = tpu.vector_load %arg6[%get3A_224, %get3A_225] {strides = array<i32>} : memref<200x128xf32, #tpu.memory_space<vmem>>, vector<1x16xf32>,
      %get3A_227 = vector.shape_cast %get3A_226 : vector<1x16xf32> to vector<16xf32>
      %add3A_228 = arith.addf %get3A_221, %get3A_227 : vector<16xf32>
      %swap3A_229 = arith.index_cast %scan3A_187 : i32 to index
      %swap3A_230 = arith.constant 32 : index
      %swap3A_231 = tpu.vector_load %arg9[%swap3A_229, %swap3A_230] {strides = array<i32>} : memref<80x128xf32, #tpu.memory_space<vmem>>, vector<1x16xf32>,
      %swap3A_232 = vector.shape_cast %swap3A_231 : vector<1x16xf32> to vector<16xf32>
      %swap3A_233 = vector.shape_cast %add3A_228 : vector<16xf32> to vector<1x16xf32>
      tpu.vector_store %arg9[%swap3A_229, %swap3A_230], %swap3A_233 {strides = array<i32>} : memref<80x128xf32, #tpu.memory_space<vmem>>, vector<1x16xf32>,
      %get3A_234 = arith.index_cast %scan3A_187 : i32 to index
      %get3A_235 = arith.constant 48 : index
      %get3A_236 = tpu.vector_load %arg9[%get3A_234, %get3A_235] {strides = array<i32>} : memref<80x128xf32, #tpu.memory_space<vmem>>, vector<1x16xf32>,
      %get3A_237 = vector.shape_cast %get3A_236 : vector<1x16xf32> to vector<16xf32>
      %add3A_238 = arith.constant 80 : i32
      %add3A_239 = arith.addi %add3A_238, %scan3A_187 : i32
      %get3A_240 = arith.index_cast %add3A_239 : i32 to index
      %get3A_241 = arith.constant 48 : index
      %get3A_242 = tpu.vector_load %arg6[%get3A_240, %get3A_241] {strides = array<i32>} : memref<200x128xf32, #tpu.memory_space<vmem>>, vector<1x16xf32>,
      %get3A_243 = vector.shape_cast %get3A_242 : vector<1x16xf32> to vector<16xf32>
      %add3A_244 = arith.addf %get3A_237, %get3A_243 : vector<16xf32>
      %swap3A_245 = arith.index_cast %scan3A_187 : i32 to index
      %swap3A_246 = arith.constant 48 : index
      %swap3A_247 = tpu.vector_load %arg9[%swap3A_245, %swap3A_246] {strides = array<i32>} : memref<80x128xf32, #tpu.memory_space<vmem>>, vector<1x16xf32>,
      %swap3A_248 = vector.shape_cast %swap3A_247 : vector<1x16xf32> to vector<16xf32>
      %swap3A_249 = vector.shape_cast %add3A_244 : vector<16xf32> to vector<1x16xf32>
      tpu.vector_store %arg9[%swap3A_245, %swap3A_246], %swap3A_249 {strides = array<i32>} : memref<80x128xf32, #tpu.memory_space<vmem>>, vector<1x16xf32>,
      %get3A_250 = arith.index_cast %scan3A_187 : i32 to index
      %get3A_251 = arith.constant 64 : index
      %get3A_252 = tpu.vector_load %arg9[%get3A_250, %get3A_251] {strides = array<i32>} : memref<80x128xf32, #tpu.memory_space<vmem>>, vector<1x16xf32>,
      %get3A_253 = vector.shape_cast %get3A_252 : vector<1x16xf32> to vector<16xf32>
      %add3A_254 = arith.constant 80 : i32
      %add3A_255 = arith.addi %add3A_254, %scan3A_187 : i32
      %get3A_256 = arith.index_cast %add3A_255 : i32 to index
      %get3A_257 = arith.constant 64 : index
      %get3A_258 = tpu.vector_load %arg6[%get3A_256, %get3A_257] {strides = array<i32>} : memref<200x128xf32, #tpu.memory_space<vmem>>, vector<1x16xf32>,
      %get3A_259 = vector.shape_cast %get3A_258 : vector<1x16xf32> to vector<16xf32>
      %add3A_260 = arith.addf %get3A_253, %get3A_259 : vector<16xf32>
      %swap3A_261 = arith.index_cast %scan3A_187 : i32 to index
      %swap3A_262 = arith.constant 64 : index
      %swap3A_263 = tpu.vector_load %arg9[%swap3A_261, %swap3A_262] {strides = array<i32>} : memref<80x128xf32, #tpu.memory_space<vmem>>, vector<1x16xf32>,
      %swap3A_264 = vector.shape_cast %swap3A_263 : vector<1x16xf32> to vector<16xf32>
      %swap3A_265 = vector.shape_cast %add3A_260 : vector<16xf32> to vector<1x16xf32>
      tpu.vector_store %arg9[%swap3A_261, %swap3A_262], %swap3A_265 {strides = array<i32>} : memref<80x128xf32, #tpu.memory_space<vmem>>, vector<1x16xf32>,
      %get3A_266 = arith.index_cast %scan3A_187 : i32 to index
      %get3A_267 = arith.constant 80 : index
      %get3A_268 = tpu.vector_load %arg9[%get3A_266, %get3A_267] {strides = array<i32>} : memref<80x128xf32, #tpu.memory_space<vmem>>, vector<1x16xf32>,
      %get3A_269 = vector.shape_cast %get3A_268 : vector<1x16xf32> to vector<16xf32>
      %add3A_270 = arith.constant 80 : i32
      %add3A_271 = arith.addi %add3A_270, %scan3A_187 : i32
      %get3A_272 = arith.index_cast %add3A_271 : i32 to index
      %get3A_273 = arith.constant 80 : index
      %get3A_274 = tpu.vector_load %arg6[%get3A_272, %get3A_273] {strides = array<i32>} : memref<200x128xf32, #tpu.memory_space<vmem>>, vector<1x16xf32>,
      %get3A_275 = vector.shape_cast %get3A_274 : vector<1x16xf32> to vector<16xf32>
      %add3A_276 = arith.addf %get3A_269, %get3A_275 : vector<16xf32>
      %swap3A_277 = arith.index_cast %scan3A_187 : i32 to index
      %swap3A_278 = arith.constant 80 : index
      %swap3A_279 = tpu.vector_load %arg9[%swap3A_277, %swap3A_278] {strides = array<i32>} : memref<80x128xf32, #tpu.memory_space<vmem>>, vector<1x16xf32>,
      %swap3A_280 = vector.shape_cast %swap3A_279 : vector<1x16xf32> to vector<16xf32>
      %swap3A_281 = vector.shape_cast %add3A_276 : vector<16xf32> to vector<1x16xf32>
      tpu.vector_store %arg9[%swap3A_277, %swap3A_278], %swap3A_281 {strides = array<i32>} : memref<80x128xf32, #tpu.memory_space<vmem>>, vector<1x16xf32>,
      %get3A_282 = arith.index_cast %scan3A_187 : i32 to index
      %get3A_283 = arith.constant 96 : index
      %get3A_284 = tpu.vector_load %arg9[%get3A_282, %get3A_283] {strides = array<i32>} : memref<80x128xf32, #tpu.memory_space<vmem>>, vector<1x16xf32>,
      %get3A_285 = vector.shape_cast %get3A_284 : vector<1x16xf32> to vector<16xf32>
      %add3A_286 = arith.constant 80 : i32
      %add3A_287 = arith.addi %add3A_286, %scan3A_187 : i32
      %get3A_288 = arith.index_cast %add3A_287 : i32 to index
      %get3A_289 = arith.constant 96 : index
      %get3A_290 = tpu.vector_load %arg6[%get3A_288, %get3A_289] {strides = array<i32>} : memref<200x128xf32, #tpu.memory_space<vmem>>, vector<1x16xf32>,
      %get3A_291 = vector.shape_cast %get3A_290 : vector<1x16xf32> to vector<16xf32>
      %add3A_292 = arith.addf %get3A_285, %get3A_291 : vector<16xf32>
      %swap3A_293 = arith.index_cast %scan3A_187 : i32 to index
      %swap3A_294 = arith.constant 96 : index
      %swap3A_295 = tpu.vector_load %arg9[%swap3A_293, %swap3A_294] {strides = array<i32>} : memref<80x128xf32, #tpu.memory_space<vmem>>, vector<1x16xf32>,
      %swap3A_296 = vector.shape_cast %swap3A_295 : vector<1x16xf32> to vector<16xf32>
      %swap3A_297 = vector.shape_cast %add3A_292 : vector<16xf32> to vector<1x16xf32>
      tpu.vector_store %arg9[%swap3A_293, %swap3A_294], %swap3A_297 {strides = array<i32>} : memref<80x128xf32, #tpu.memory_space<vmem>>, vector<1x16xf32>,
      %get3A_298 = arith.index_cast %scan3A_187 : i32 to index
      %get3A_299 = arith.constant 112 : index
      %get3A_300 = tpu.vector_load %arg9[%get3A_298, %get3A_299] {strides = array<i32>} : memref<80x128xf32, #tpu.memory_space<vmem>>, vector<1x16xf32>,
      %get3A_301 = vector.shape_cast %get3A_300 : vector<1x16xf32> to vector<16xf32>
      %add3A_302 = arith.constant 80 : i32
      %add3A_303 = arith.addi %add3A_302, %scan3A_187 : i32
      %get3A_304 = arith.index_cast %add3A_303 : i32 to index
      %get3A_305 = arith.constant 112 : index
      %get3A_306 = tpu.vector_load %arg6[%get3A_304, %get3A_305] {strides = array<i32>} : memref<200x128xf32, #tpu.memory_space<vmem>>, vector<1x16xf32>,
      %get3A_307 = vector.shape_cast %get3A_306 : vector<1x16xf32> to vector<16xf32>
      %add3A_308 = arith.addf %get3A_301, %get3A_307 : vector<16xf32>
      %swap3A_309 = arith.index_cast %scan3A_187 : i32 to index
      %swap3A_310 = arith.constant 112 : index
      %swap3A_311 = tpu.vector_load %arg9[%swap3A_309, %swap3A_310] {strides = array<i32>} : memref<80x128xf32, #tpu.memory_space<vmem>>, vector<1x16xf32>,
      %swap3A_312 = vector.shape_cast %swap3A_311 : vector<1x16xf32> to vector<16xf32>
      %swap3A_313 = vector.shape_cast %add3A_308 : vector<16xf32> to vector<1x16xf32>
      tpu.vector_store %arg9[%swap3A_309, %swap3A_310], %swap3A_313 {strides = array<i32>} : memref<80x128xf32, #tpu.memory_space<vmem>>, vector<1x16xf32>,
    }
    %scan3A_68 = arith.constant 80 : i32
    %mul3A_69 = arith.constant 32 : i32
    %mul3A_70 = arith.muli %add3A, %mul3A_69 : i32
    %mul3A_71 = arith.constant 200 : i32
    %mul3A_72 = arith.muli %mul3A_70, %mul3A_71 : i32
    %add3A_73 = arith.constant 80 : i32
    %add3A_74 = arith.addi %mul3A_72, %add3A_73 : i32
    %dma_start3A_75 = arith.constant 0 : i32
    %dma_start3A_76 = tpu.memref_slice %arg5[%add3A_74, %dma_start3A_75] : memref<204800x128xf32, #tpu.memory_space<hbm>> -> memref<80x128xf32, #tpu.memory_space<hbm>>
    %dma_start3A_77 = arith.constant 0 : i32
    %dma_start3A_78 = tpu.memref_slice %arg5[%add3A_74, %dma_start3A_77] : memref<204800x128xf32, #tpu.memory_space<hbm>> -> memref<80x128xf32, #tpu.memory_space<hbm>>
    tpu.enqueue_dma source(%arg9 : memref<80x128xf32, #tpu.memory_space<vmem>>) target(%dma_start3A_78 : memref<80x128xf32, #tpu.memory_space<hbm>>) target_semaphore(%arg19 : memref<!tpu.dma_semaphore, #tpu.memory_space<semaphore_mem>>)
    %scan3A_79 = arith.constant 0 : i32
    %scan3A_80 = arith.constant 0 : i32
    %scan3A_81 = arith.constant 15 : i32
    %scan3A_82 = arith.addi %scan3A_80, %scan3A_81 : i32
    %scan3A_83 = arith.constant 1 : i32
    scf.for %scan3A_187 = %scan3A_80 to %scan3A_82 step %scan3A_83  : i32 {
      %mul3A_188 = arith.constant 5 : i32
      %mul3A_189 = arith.muli %scan3A_187, %mul3A_188 : i32
      %add3A_190 = arith.constant 2 : i32
      %add3A_191 = arith.addi %add3A_190, %mul3A_189 : i32
      %add3A_192 = arith.constant 0 : i32
      %add3A_193 = arith.addi %add3A_191, %add3A_192 : i32
      %dma_wait3A_194 = arith.constant 0 : i32
      %dma_wait3A_195 = arith.constant 0 : i32
      %dma_wait3A_196 = tpu.memref_slice %arg5[%dma_wait3A_194, %dma_wait3A_195] : memref<204800x128xf32, #tpu.memory_space<hbm>> -> memref<80x128xf32, #tpu.memory_space<hbm>>
      %dma_wait3A_197 = arith.constant 0 : i32
      %dma_wait3A_198 = arith.constant 0 : i32
      %dma_wait3A_199 = tpu.memref_slice %arg5[%dma_wait3A_197, %dma_wait3A_198] : memref<204800x128xf32, #tpu.memory_space<hbm>> -> memref<80x128xf32, #tpu.memory_space<hbm>>
      tpu.wait_dma2 semaphore(%arg18 : memref<!tpu.dma_semaphore, #tpu.memory_space<semaphore_mem>>) src(%arg8 : memref<80x128xf32, #tpu.memory_space<vmem>>) dst(%dma_wait3A_199 : memref<80x128xf32, #tpu.memory_space<hbm>>)
      %add3A_200 = arith.constant 3 : i32
      %add3A_201 = arith.addi %add3A_193, %add3A_200 : i32
      %dma_start3A_202 = arith.constant 0 : i32
      %dma_start3A_203 = tpu.memref_slice %arg7[%add3A_201, %dma_start3A_202] : memref<80x80xi32, #tpu.memory_space<vmem>> -> memref<1x80xi32, #tpu.memory_space<vmem>>
      %dma_start3A_204 = tpu.memref_squeeze %dma_start3A_203 : memref<1x80xi32, #tpu.memory_space<vmem>> -> memref<80xi32, #tpu.memory_space<vmem>>
      %dma_start3A_205 = arith.constant 0 : i32
      %dma_start3A_206 = arith.constant 0 : i32
      %dma_start3A_207 = tpu.memref_slice %arg3[%dma_start3A_205, %dma_start3A_206] : memref<100000x128xf32, #tpu.memory_space<hbm>> -> memref<100000x128xf32, #tpu.memory_space<hbm>>
      tpu.enqueue_indirect_dma source(%dma_start3A_207 : memref<100000x128xf32, #tpu.memory_space<hbm>>) target(%arg8 : memref<80x128xf32, #tpu.memory_space<vmem>>) offsets(%dma_start3A_204 : memref<80xi32, #tpu.memory_space<vmem>>) semaphore(%arg13 : memref<!tpu.dma_semaphore, #tpu.memory_space<semaphore_mem>>)
      %dma_wait3A_208 = arith.constant 0 : i32
      %dma_wait3A_209 = arith.constant 0 : i32
      %dma_wait3A_210 = tpu.memref_slice %arg3[%dma_wait3A_208, %dma_wait3A_209] : memref<100000x128xf32, #tpu.memory_space<hbm>> -> memref<80x128xf32, #tpu.memory_space<hbm>>
      %dma_wait3A_211 = arith.constant 0 : i32
      %dma_wait3A_212 = arith.constant 0 : i32
      %dma_wait3A_213 = tpu.memref_slice %arg3[%dma_wait3A_211, %dma_wait3A_212] : memref<100000x128xf32, #tpu.memory_space<hbm>> -> memref<80x128xf32, #tpu.memory_space<hbm>>
      tpu.wait_dma2 semaphore(%arg15 : memref<!tpu.dma_semaphore, #tpu.memory_space<semaphore_mem>>) src(%dma_wait3A_213 : memref<80x128xf32, #tpu.memory_space<hbm>>) dst(%arg10 : memref<80x128xf32, #tpu.memory_space<vmem>>)
      %scan3A_214 = arith.constant 0 : i32
      %scan3A_215 = arith.constant 0 : i32
      %scan3A_216 = arith.constant 40 : i32
      %scan3A_217 = arith.addi %scan3A_215, %scan3A_216 : i32
      %scan3A_218 = arith.constant 1 : i32
      scf.for %scan3A_393 = %scan3A_215 to %scan3A_217 step %scan3A_218  : i32 {
        %get3A = arith.index_cast %scan3A_393 : i32 to index
        %get3A_394 = arith.constant 0 : index
        %get3A_395 = tpu.vector_load %arg10[%get3A, %get3A_394] {strides = array<i32>} : memref<80x128xf32, #tpu.memory_space<vmem>>, vector<1x16xf32>,
        %get3A_396 = vector.shape_cast %get3A_395 : vector<1x16xf32> to vector<16xf32>
        %add3A_397 = arith.constant 160 : i32
        %add3A_398 = arith.addi %add3A_397, %scan3A_393 : i32
        %get3A_399 = arith.index_cast %add3A_398 : i32 to index
        %get3A_400 = arith.constant 0 : index
        %get3A_401 = tpu.vector_load %arg6[%get3A_399, %get3A_400] {strides = array<i32>} : memref<200x128xf32, #tpu.memory_space<vmem>>, vector<1x16xf32>,
        %get3A_402 = vector.shape_cast %get3A_401 : vector<1x16xf32> to vector<16xf32>
        %add3A_403 = arith.addf %get3A_396, %get3A_402 : vector<16xf32>
        %swap3A = arith.index_cast %scan3A_393 : i32 to index
        %swap3A_404 = arith.constant 0 : index
        %swap3A_405 = tpu.vector_load %arg10[%swap3A, %swap3A_404] {strides = array<i32>} : memref<80x128xf32, #tpu.memory_space<vmem>>, vector<1x16xf32>,
        %swap3A_406 = vector.shape_cast %swap3A_405 : vector<1x16xf32> to vector<16xf32>
        %swap3A_407 = vector.shape_cast %add3A_403 : vector<16xf32> to vector<1x16xf32>
        tpu.vector_store %arg10[%swap3A, %swap3A_404], %swap3A_407 {strides = array<i32>} : memref<80x128xf32, #tpu.memory_space<vmem>>, vector<1x16xf32>,
        %get3A_408 = arith.index_cast %scan3A_393 : i32 to index
        %get3A_409 = arith.constant 16 : index
        %get3A_410 = tpu.vector_load %arg10[%get3A_408, %get3A_409] {strides = array<i32>} : memref<80x128xf32, #tpu.memory_space<vmem>>, vector<1x16xf32>,
        %get3A_411 = vector.shape_cast %get3A_410 : vector<1x16xf32> to vector<16xf32>
        %add3A_412 = arith.constant 160 : i32
        %add3A_413 = arith.addi %add3A_412, %scan3A_393 : i32
        %get3A_414 = arith.index_cast %add3A_413 : i32 to index
        %get3A_415 = arith.constant 16 : index
        %get3A_416 = tpu.vector_load %arg6[%get3A_414, %get3A_415] {strides = array<i32>} : memref<200x128xf32, #tpu.memory_space<vmem>>, vector<1x16xf32>,
        %get3A_417 = vector.shape_cast %get3A_416 : vector<1x16xf32> to vector<16xf32>
        %add3A_418 = arith.addf %get3A_411, %get3A_417 : vector<16xf32>
        %swap3A_419 = arith.index_cast %scan3A_393 : i32 to index
        %swap3A_420 = arith.constant 16 : index
        %swap3A_421 = tpu.vector_load %arg10[%swap3A_419, %swap3A_420] {strides = array<i32>} : memref<80x128xf32, #tpu.memory_space<vmem>>, vector<1x16xf32>,
        %swap3A_422 = vector.shape_cast %swap3A_421 : vector<1x16xf32> to vector<16xf32>
        %swap3A_423 = vector.shape_cast %add3A_418 : vector<16xf32> to vector<1x16xf32>
        tpu.vector_store %arg10[%swap3A_419, %swap3A_420], %swap3A_423 {strides = array<i32>} : memref<80x128xf32, #tpu.memory_space<vmem>>, vector<1x16xf32>,
        %get3A_424 = arith.index_cast %scan3A_393 : i32 to index
        %get3A_425 = arith.constant 32 : index
        %get3A_426 = tpu.vector_load %arg10[%get3A_424, %get3A_425] {strides = array<i32>} : memref<80x128xf32, #tpu.memory_space<vmem>>, vector<1x16xf32>,
        %get3A_427 = vector.shape_cast %get3A_426 : vector<1x16xf32> to vector<16xf32>
        %add3A_428 = arith.constant 160 : i32
        %add3A_429 = arith.addi %add3A_428, %scan3A_393 : i32
        %get3A_430 = arith.index_cast %add3A_429 : i32 to index
        %get3A_431 = arith.constant 32 : index
        %get3A_432 = tpu.vector_load %arg6[%get3A_430, %get3A_431] {strides = array<i32>} : memref<200x128xf32, #tpu.memory_space<vmem>>, vector<1x16xf32>,
        %get3A_433 = vector.shape_cast %get3A_432 : vector<1x16xf32> to vector<16xf32>
        %add3A_434 = arith.addf %get3A_427, %get3A_433 : vector<16xf32>
        %swap3A_435 = arith.index_cast %scan3A_393 : i32 to index
        %swap3A_436 = arith.constant 32 : index
        %swap3A_437 = tpu.vector_load %arg10[%swap3A_435, %swap3A_436] {strides = array<i32>} : memref<80x128xf32, #tpu.memory_space<vmem>>, vector<1x16xf32>,
        %swap3A_438 = vector.shape_cast %swap3A_437 : vector<1x16xf32> to vector<16xf32>
        %swap3A_439 = vector.shape_cast %add3A_434 : vector<16xf32> to vector<1x16xf32>
        tpu.vector_store %arg10[%swap3A_435, %swap3A_436], %swap3A_439 {strides = array<i32>} : memref<80x128xf32, #tpu.memory_space<vmem>>, vector<1x16xf32>,
        %get3A_440 = arith.index_cast %scan3A_393 : i32 to index
        %get3A_441 = arith.constant 48 : index
        %get3A_442 = tpu.vector_load %arg10[%get3A_440, %get3A_441] {strides = array<i32>} : memref<80x128xf32, #tpu.memory_space<vmem>>, vector<1x16xf32>,
        %get3A_443 = vector.shape_cast %get3A_442 : vector<1x16xf32> to vector<16xf32>
        %add3A_444 = arith.constant 160 : i32
        %add3A_445 = arith.addi %add3A_444, %scan3A_393 : i32
        %get3A_446 = arith.index_cast %add3A_445 : i32 to index
        %get3A_447 = arith.constant 48 : index
        %get3A_448 = tpu.vector_load %arg6[%get3A_446, %get3A_447] {strides = array<i32>} : memref<200x128xf32, #tpu.memory_space<vmem>>, vector<1x16xf32>,
        %get3A_449 = vector.shape_cast %get3A_448 : vector<1x16xf32> to vector<16xf32>
        %add3A_450 = arith.addf %get3A_443, %get3A_449 : vector<16xf32>
        %swap3A_451 = arith.index_cast %scan3A_393 : i32 to index
        %swap3A_452 = arith.constant 48 : index
        %swap3A_453 = tpu.vector_load %arg10[%swap3A_451, %swap3A_452] {strides = array<i32>} : memref<80x128xf32, #tpu.memory_space<vmem>>, vector<1x16xf32>,
        %swap3A_454 = vector.shape_cast %swap3A_453 : vector<1x16xf32> to vector<16xf32>
        %swap3A_455 = vector.shape_cast %add3A_450 : vector<16xf32> to vector<1x16xf32>
        tpu.vector_store %arg10[%swap3A_451, %swap3A_452], %swap3A_455 {strides = array<i32>} : memref<80x128xf32, #tpu.memory_space<vmem>>, vector<1x16xf32>,
        %get3A_456 = arith.index_cast %scan3A_393 : i32 to index
        %get3A_457 = arith.constant 64 : index
        %get3A_458 = tpu.vector_load %arg10[%get3A_456, %get3A_457] {strides = array<i32>} : memref<80x128xf32, #tpu.memory_space<vmem>>, vector<1x16xf32>,
        %get3A_459 = vector.shape_cast %get3A_458 : vector<1x16xf32> to vector<16xf32>
        %add3A_460 = arith.constant 160 : i32
        %add3A_461 = arith.addi %add3A_460, %scan3A_393 : i32
        %get3A_462 = arith.index_cast %add3A_461 : i32 to index
        %get3A_463 = arith.constant 64 : index
        %get3A_464 = tpu.vector_load %arg6[%get3A_462, %get3A_463] {strides = array<i32>} : memref<200x128xf32, #tpu.memory_space<vmem>>, vector<1x16xf32>,
        %get3A_465 = vector.shape_cast %get3A_464 : vector<1x16xf32> to vector<16xf32>
        %add3A_466 = arith.addf %get3A_459, %get3A_465 : vector<16xf32>
        %swap3A_467 = arith.index_cast %scan3A_393 : i32 to index
        %swap3A_468 = arith.constant 64 : index
        %swap3A_469 = tpu.vector_load %arg10[%swap3A_467, %swap3A_468] {strides = array<i32>} : memref<80x128xf32, #tpu.memory_space<vmem>>, vector<1x16xf32>,
        %swap3A_470 = vector.shape_cast %swap3A_469 : vector<1x16xf32> to vector<16xf32>
        %swap3A_471 = vector.shape_cast %add3A_466 : vector<16xf32> to vector<1x16xf32>
        tpu.vector_store %arg10[%swap3A_467, %swap3A_468], %swap3A_471 {strides = array<i32>} : memref<80x128xf32, #tpu.memory_space<vmem>>, vector<1x16xf32>,
        %get3A_472 = arith.index_cast %scan3A_393 : i32 to index
        %get3A_473 = arith.constant 80 : index
        %get3A_474 = tpu.vector_load %arg10[%get3A_472, %get3A_473] {strides = array<i32>} : memref<80x128xf32, #tpu.memory_space<vmem>>, vector<1x16xf32>,
        %get3A_475 = vector.shape_cast %get3A_474 : vector<1x16xf32> to vector<16xf32>
        %add3A_476 = arith.constant 160 : i32
        %add3A_477 = arith.addi %add3A_476, %scan3A_393 : i32
        %get3A_478 = arith.index_cast %add3A_477 : i32 to index
        %get3A_479 = arith.constant 80 : index
        %get3A_480 = tpu.vector_load %arg6[%get3A_478, %get3A_479] {strides = array<i32>} : memref<200x128xf32, #tpu.memory_space<vmem>>, vector<1x16xf32>,
        %get3A_481 = vector.shape_cast %get3A_480 : vector<1x16xf32> to vector<16xf32>
        %add3A_482 = arith.addf %get3A_475, %get3A_481 : vector<16xf32>
        %swap3A_483 = arith.index_cast %scan3A_393 : i32 to index
        %swap3A_484 = arith.constant 80 : index
        %swap3A_485 = tpu.vector_load %arg10[%swap3A_483, %swap3A_484] {strides = array<i32>} : memref<80x128xf32, #tpu.memory_space<vmem>>, vector<1x16xf32>,
        %swap3A_486 = vector.shape_cast %swap3A_485 : vector<1x16xf32> to vector<16xf32>
        %swap3A_487 = vector.shape_cast %add3A_482 : vector<16xf32> to vector<1x16xf32>
        tpu.vector_store %arg10[%swap3A_483, %swap3A_484], %swap3A_487 {strides = array<i32>} : memref<80x128xf32, #tpu.memory_space<vmem>>, vector<1x16xf32>,
        %get3A_488 = arith.index_cast %scan3A_393 : i32 to index
        %get3A_489 = arith.constant 96 : index
        %get3A_490 = tpu.vector_load %arg10[%get3A_488, %get3A_489] {strides = array<i32>} : memref<80x128xf32, #tpu.memory_space<vmem>>, vector<1x16xf32>,
        %get3A_491 = vector.shape_cast %get3A_490 : vector<1x16xf32> to vector<16xf32>
        %add3A_492 = arith.constant 160 : i32
        %add3A_493 = arith.addi %add3A_492, %scan3A_393 : i32
        %get3A_494 = arith.index_cast %add3A_493 : i32 to index
        %get3A_495 = arith.constant 96 : index
        %get3A_496 = tpu.vector_load %arg6[%get3A_494, %get3A_495] {strides = array<i32>} : memref<200x128xf32, #tpu.memory_space<vmem>>, vector<1x16xf32>,
        %get3A_497 = vector.shape_cast %get3A_496 : vector<1x16xf32> to vector<16xf32>
        %add3A_498 = arith.addf %get3A_491, %get3A_497 : vector<16xf32>
        %swap3A_499 = arith.index_cast %scan3A_393 : i32 to index
        %swap3A_500 = arith.constant 96 : index
        %swap3A_501 = tpu.vector_load %arg10[%swap3A_499, %swap3A_500] {strides = array<i32>} : memref<80x128xf32, #tpu.memory_space<vmem>>, vector<1x16xf32>,
        %swap3A_502 = vector.shape_cast %swap3A_501 : vector<1x16xf32> to vector<16xf32>
        %swap3A_503 = vector.shape_cast %add3A_498 : vector<16xf32> to vector<1x16xf32>
        tpu.vector_store %arg10[%swap3A_499, %swap3A_500], %swap3A_503 {strides = array<i32>} : memref<80x128xf32, #tpu.memory_space<vmem>>, vector<1x16xf32>,
        %get3A_504 = arith.index_cast %scan3A_393 : i32 to index
        %get3A_505 = arith.constant 112 : index
        %get3A_506 = tpu.vector_load %arg10[%get3A_504, %get3A_505] {strides = array<i32>} : memref<80x128xf32, #tpu.memory_space<vmem>>, vector<1x16xf32>,
        %get3A_507 = vector.shape_cast %get3A_506 : vector<1x16xf32> to vector<16xf32>
        %add3A_508 = arith.constant 160 : i32
        %add3A_509 = arith.addi %add3A_508, %scan3A_393 : i32
        %get3A_510 = arith.index_cast %add3A_509 : i32 to index
        %get3A_511 = arith.constant 112 : index
        %get3A_512 = tpu.vector_load %arg6[%get3A_510, %get3A_511] {strides = array<i32>} : memref<200x128xf32, #tpu.memory_space<vmem>>, vector<1x16xf32>,
        %get3A_513 = vector.shape_cast %get3A_512 : vector<1x16xf32> to vector<16xf32>
        %add3A_514 = arith.addf %get3A_507, %get3A_513 : vector<16xf32>
        %swap3A_515 = arith.index_cast %scan3A_393 : i32 to index
        %swap3A_516 = arith.constant 112 : index
        %swap3A_517 = tpu.vector_load %arg10[%swap3A_515, %swap3A_516] {strides = array<i32>} : memref<80x128xf32, #tpu.memory_space<vmem>>, vector<1x16xf32>,
        %swap3A_518 = vector.shape_cast %swap3A_517 : vector<1x16xf32> to vector<16xf32>
        %swap3A_519 = vector.shape_cast %add3A_514 : vector<16xf32> to vector<1x16xf32>
        tpu.vector_store %arg10[%swap3A_515, %swap3A_516], %swap3A_519 {strides = array<i32>} : memref<80x128xf32, #tpu.memory_space<vmem>>, vector<1x16xf32>,
      }
      %scan3A_219 = arith.constant 40 : i32
      %scan3A_220 = arith.constant 0 : i32
      %scan3A_221 = arith.constant 40 : i32
      %scan3A_222 = arith.constant 40 : i32
      %scan3A_223 = arith.addi %scan3A_221, %scan3A_222 : i32
      %scan3A_224 = arith.constant 1 : i32
      scf.for %scan3A_393 = %scan3A_221 to %scan3A_223 step %scan3A_224  : i32 {
        %get3A = arith.index_cast %scan3A_393 : i32 to index
        %get3A_394 = arith.constant 0 : index
        %get3A_395 = tpu.vector_load %arg10[%get3A, %get3A_394] {strides = array<i32>} : memref<80x128xf32, #tpu.memory_space<vmem>>, vector<1x16xf32>,
        %get3A_396 = vector.shape_cast %get3A_395 : vector<1x16xf32> to vector<16xf32>
        %add3A_397 = arith.constant -40 : i32
        %add3A_398 = arith.addi %add3A_397, %scan3A_393 : i32
        %get3A_399 = arith.index_cast %add3A_398 : i32 to index
        %get3A_400 = arith.constant 0 : index
        %get3A_401 = tpu.vector_load %arg6[%get3A_399, %get3A_400] {strides = array<i32>} : memref<200x128xf32, #tpu.memory_space<vmem>>, vector<1x16xf32>,
        %get3A_402 = vector.shape_cast %get3A_401 : vector<1x16xf32> to vector<16xf32>
        %add3A_403 = arith.addf %get3A_396, %get3A_402 : vector<16xf32>
        %swap3A = arith.index_cast %scan3A_393 : i32 to index
        %swap3A_404 = arith.constant 0 : index
        %swap3A_405 = tpu.vector_load %arg10[%swap3A, %swap3A_404] {strides = array<i32>} : memref<80x128xf32, #tpu.memory_space<vmem>>, vector<1x16xf32>,
        %swap3A_406 = vector.shape_cast %swap3A_405 : vector<1x16xf32> to vector<16xf32>
        %swap3A_407 = vector.shape_cast %add3A_403 : vector<16xf32> to vector<1x16xf32>
        tpu.vector_store %arg10[%swap3A, %swap3A_404], %swap3A_407 {strides = array<i32>} : memref<80x128xf32, #tpu.memory_space<vmem>>, vector<1x16xf32>,
        %get3A_408 = arith.index_cast %scan3A_393 : i32 to index
        %get3A_409 = arith.constant 16 : index
        %get3A_410 = tpu.vector_load %arg10[%get3A_408, %get3A_409] {strides = array<i32>} : memref<80x128xf32, #tpu.memory_space<vmem>>, vector<1x16xf32>,
        %get3A_411 = vector.shape_cast %get3A_410 : vector<1x16xf32> to vector<16xf32>
        %add3A_412 = arith.constant -40 : i32
        %add3A_413 = arith.addi %add3A_412, %scan3A_393 : i32
        %get3A_414 = arith.index_cast %add3A_413 : i32 to index
        %get3A_415 = arith.constant 16 : index
        %get3A_416 = tpu.vector_load %arg6[%get3A_414, %get3A_415] {strides = array<i32>} : memref<200x128xf32, #tpu.memory_space<vmem>>, vector<1x16xf32>,
        %get3A_417 = vector.shape_cast %get3A_416 : vector<1x16xf32> to vector<16xf32>
        %add3A_418 = arith.addf %get3A_411, %get3A_417 : vector<16xf32>
        %swap3A_419 = arith.index_cast %scan3A_393 : i32 to index
        %swap3A_420 = arith.constant 16 : index
        %swap3A_421 = tpu.vector_load %arg10[%swap3A_419, %swap3A_420] {strides = array<i32>} : memref<80x128xf32, #tpu.memory_space<vmem>>, vector<1x16xf32>,
        %swap3A_422 = vector.shape_cast %swap3A_421 : vector<1x16xf32> to vector<16xf32>
        %swap3A_423 = vector.shape_cast %add3A_418 : vector<16xf32> to vector<1x16xf32>
        tpu.vector_store %arg10[%swap3A_419, %swap3A_420], %swap3A_423 {strides = array<i32>} : memref<80x128xf32, #tpu.memory_space<vmem>>, vector<1x16xf32>,
        %get3A_424 = arith.index_cast %scan3A_393 : i32 to index
        %get3A_425 = arith.constant 32 : index
        %get3A_426 = tpu.vector_load %arg10[%get3A_424, %get3A_425] {strides = array<i32>} : memref<80x128xf32, #tpu.memory_space<vmem>>, vector<1x16xf32>,
        %get3A_427 = vector.shape_cast %get3A_426 : vector<1x16xf32> to vector<16xf32>
        %add3A_428 = arith.constant -40 : i32
        %add3A_429 = arith.addi %add3A_428, %scan3A_393 : i32
        %get3A_430 = arith.index_cast %add3A_429 : i32 to index
        %get3A_431 = arith.constant 32 : index
        %get3A_432 = tpu.vector_load %arg6[%get3A_430, %get3A_431] {strides = array<i32>} : memref<200x128xf32, #tpu.memory_space<vmem>>, vector<1x16xf32>,
        %get3A_433 = vector.shape_cast %get3A_432 : vector<1x16xf32> to vector<16xf32>
        %add3A_434 = arith.addf %get3A_427, %get3A_433 : vector<16xf32>
        %swap3A_435 = arith.index_cast %scan3A_393 : i32 to index
        %swap3A_436 = arith.constant 32 : index
        %swap3A_437 = tpu.vector_load %arg10[%swap3A_435, %swap3A_436] {strides = array<i32>} : memref<80x128xf32, #tpu.memory_space<vmem>>, vector<1x16xf32>,
        %swap3A_438 = vector.shape_cast %swap3A_437 : vector<1x16xf32> to vector<16xf32>
        %swap3A_439 = vector.shape_cast %add3A_434 : vector<16xf32> to vector<1x16xf32>
        tpu.vector_store %arg10[%swap3A_435, %swap3A_436], %swap3A_439 {strides = array<i32>} : memref<80x128xf32, #tpu.memory_space<vmem>>, vector<1x16xf32>,
        %get3A_440 = arith.index_cast %scan3A_393 : i32 to index
        %get3A_441 = arith.constant 48 : index
        %get3A_442 = tpu.vector_load %arg10[%get3A_440, %get3A_441] {strides = array<i32>} : memref<80x128xf32, #tpu.memory_space<vmem>>, vector<1x16xf32>,
        %get3A_443 = vector.shape_cast %get3A_442 : vector<1x16xf32> to vector<16xf32>
        %add3A_444 = arith.constant -40 : i32
        %add3A_445 = arith.addi %add3A_444, %scan3A_393 : i32
        %get3A_446 = arith.index_cast %add3A_445 : i32 to index
        %get3A_447 = arith.constant 48 : index
        %get3A_448 = tpu.vector_load %arg6[%get3A_446, %get3A_447] {strides = array<i32>} : memref<200x128xf32, #tpu.memory_space<vmem>>, vector<1x16xf32>,
        %get3A_449 = vector.shape_cast %get3A_448 : vector<1x16xf32> to vector<16xf32>
        %add3A_450 = arith.addf %get3A_443, %get3A_449 : vector<16xf32>
        %swap3A_451 = arith.index_cast %scan3A_393 : i32 to index
        %swap3A_452 = arith.constant 48 : index
        %swap3A_453 = tpu.vector_load %arg10[%swap3A_451, %swap3A_452] {strides = array<i32>} : memref<80x128xf32, #tpu.memory_space<vmem>>, vector<1x16xf32>,
        %swap3A_454 = vector.shape_cast %swap3A_453 : vector<1x16xf32> to vector<16xf32>
        %swap3A_455 = vector.shape_cast %add3A_450 : vector<16xf32> to vector<1x16xf32>
        tpu.vector_store %arg10[%swap3A_451, %swap3A_452], %swap3A_455 {strides = array<i32>} : memref<80x128xf32, #tpu.memory_space<vmem>>, vector<1x16xf32>,
        %get3A_456 = arith.index_cast %scan3A_393 : i32 to index
        %get3A_457 = arith.constant 64 : index
        %get3A_458 = tpu.vector_load %arg10[%get3A_456, %get3A_457] {strides = array<i32>} : memref<80x128xf32, #tpu.memory_space<vmem>>, vector<1x16xf32>,
        %get3A_459 = vector.shape_cast %get3A_458 : vector<1x16xf32> to vector<16xf32>
        %add3A_460 = arith.constant -40 : i32
        %add3A_461 = arith.addi %add3A_460, %scan3A_393 : i32
        %get3A_462 = arith.index_cast %add3A_461 : i32 to index
        %get3A_463 = arith.constant 64 : index
        %get3A_464 = tpu.vector_load %arg6[%get3A_462, %get3A_463] {strides = array<i32>} : memref<200x128xf32, #tpu.memory_space<vmem>>, vector<1x16xf32>,
        %get3A_465 = vector.shape_cast %get3A_464 : vector<1x16xf32> to vector<16xf32>
        %add3A_466 = arith.addf %get3A_459, %get3A_465 : vector<16xf32>
        %swap3A_467 = arith.index_cast %scan3A_393 : i32 to index
        %swap3A_468 = arith.constant 64 : index
        %swap3A_469 = tpu.vector_load %arg10[%swap3A_467, %swap3A_468] {strides = array<i32>} : memref<80x128xf32, #tpu.memory_space<vmem>>, vector<1x16xf32>,
        %swap3A_470 = vector.shape_cast %swap3A_469 : vector<1x16xf32> to vector<16xf32>
        %swap3A_471 = vector.shape_cast %add3A_466 : vector<16xf32> to vector<1x16xf32>
        tpu.vector_store %arg10[%swap3A_467, %swap3A_468], %swap3A_471 {strides = array<i32>} : memref<80x128xf32, #tpu.memory_space<vmem>>, vector<1x16xf32>,
        %get3A_472 = arith.index_cast %scan3A_393 : i32 to index
        %get3A_473 = arith.constant 80 : index
        %get3A_474 = tpu.vector_load %arg10[%get3A_472, %get3A_473] {strides = array<i32>} : memref<80x128xf32, #tpu.memory_space<vmem>>, vector<1x16xf32>,
        %get3A_475 = vector.shape_cast %get3A_474 : vector<1x16xf32> to vector<16xf32>
        %add3A_476 = arith.constant -40 : i32
        %add3A_477 = arith.addi %add3A_476, %scan3A_393 : i32
        %get3A_478 = arith.index_cast %add3A_477 : i32 to index
        %get3A_479 = arith.constant 80 : index
        %get3A_480 = tpu.vector_load %arg6[%get3A_478, %get3A_479] {strides = array<i32>} : memref<200x128xf32, #tpu.memory_space<vmem>>, vector<1x16xf32>,
        %get3A_481 = vector.shape_cast %get3A_480 : vector<1x16xf32> to vector<16xf32>
        %add3A_482 = arith.addf %get3A_475, %get3A_481 : vector<16xf32>
        %swap3A_483 = arith.index_cast %scan3A_393 : i32 to index
        %swap3A_484 = arith.constant 80 : index
        %swap3A_485 = tpu.vector_load %arg10[%swap3A_483, %swap3A_484] {strides = array<i32>} : memref<80x128xf32, #tpu.memory_space<vmem>>, vector<1x16xf32>,
        %swap3A_486 = vector.shape_cast %swap3A_485 : vector<1x16xf32> to vector<16xf32>
        %swap3A_487 = vector.shape_cast %add3A_482 : vector<16xf32> to vector<1x16xf32>
        tpu.vector_store %arg10[%swap3A_483, %swap3A_484], %swap3A_487 {strides = array<i32>} : memref<80x128xf32, #tpu.memory_space<vmem>>, vector<1x16xf32>,
        %get3A_488 = arith.index_cast %scan3A_393 : i32 to index
        %get3A_489 = arith.constant 96 : index
        %get3A_490 = tpu.vector_load %arg10[%get3A_488, %get3A_489] {strides = array<i32>} : memref<80x128xf32, #tpu.memory_space<vmem>>, vector<1x16xf32>,
        %get3A_491 = vector.shape_cast %get3A_490 : vector<1x16xf32> to vector<16xf32>
        %add3A_492 = arith.constant -40 : i32
        %add3A_493 = arith.addi %add3A_492, %scan3A_393 : i32
        %get3A_494 = arith.index_cast %add3A_493 : i32 to index
        %get3A_495 = arith.constant 96 : index
        %get3A_496 = tpu.vector_load %arg6[%get3A_494, %get3A_495] {strides = array<i32>} : memref<200x128xf32, #tpu.memory_space<vmem>>, vector<1x16xf32>,
        %get3A_497 = vector.shape_cast %get3A_496 : vector<1x16xf32> to vector<16xf32>
        %add3A_498 = arith.addf %get3A_491, %get3A_497 : vector<16xf32>
        %swap3A_499 = arith.index_cast %scan3A_393 : i32 to index
        %swap3A_500 = arith.constant 96 : index
        %swap3A_501 = tpu.vector_load %arg10[%swap3A_499, %swap3A_500] {strides = array<i32>} : memref<80x128xf32, #tpu.memory_space<vmem>>, vector<1x16xf32>,
        %swap3A_502 = vector.shape_cast %swap3A_501 : vector<1x16xf32> to vector<16xf32>
        %swap3A_503 = vector.shape_cast %add3A_498 : vector<16xf32> to vector<1x16xf32>
        tpu.vector_store %arg10[%swap3A_499, %swap3A_500], %swap3A_503 {strides = array<i32>} : memref<80x128xf32, #tpu.memory_space<vmem>>, vector<1x16xf32>,
        %get3A_504 = arith.index_cast %scan3A_393 : i32 to index
        %get3A_505 = arith.constant 112 : index
        %get3A_506 = tpu.vector_load %arg10[%get3A_504, %get3A_505] {strides = array<i32>} : memref<80x128xf32, #tpu.memory_space<vmem>>, vector<1x16xf32>,
        %get3A_507 = vector.shape_cast %get3A_506 : vector<1x16xf32> to vector<16xf32>
        %add3A_508 = arith.constant -40 : i32
        %add3A_509 = arith.addi %add3A_508, %scan3A_393 : i32
        %get3A_510 = arith.index_cast %add3A_509 : i32 to index
        %get3A_511 = arith.constant 112 : index
        %get3A_512 = tpu.vector_load %arg6[%get3A_510, %get3A_511] {strides = array<i32>} : memref<200x128xf32, #tpu.memory_space<vmem>>, vector<1x16xf32>,
        %get3A_513 = vector.shape_cast %get3A_512 : vector<1x16xf32> to vector<16xf32>
        %add3A_514 = arith.addf %get3A_507, %get3A_513 : vector<16xf32>
        %swap3A_515 = arith.index_cast %scan3A_393 : i32 to index
        %swap3A_516 = arith.constant 112 : index
        %swap3A_517 = tpu.vector_load %arg10[%swap3A_515, %swap3A_516] {strides = array<i32>} : memref<80x128xf32, #tpu.memory_space<vmem>>, vector<1x16xf32>,
        %swap3A_518 = vector.shape_cast %swap3A_517 : vector<1x16xf32> to vector<16xf32>
        %swap3A_519 = vector.shape_cast %add3A_514 : vector<16xf32> to vector<1x16xf32>
        tpu.vector_store %arg10[%swap3A_515, %swap3A_516], %swap3A_519 {strides = array<i32>} : memref<80x128xf32, #tpu.memory_space<vmem>>, vector<1x16xf32>,
      }
      %scan3A_225 = arith.constant 40 : i32
      %mul3A_226 = arith.constant 32 : i32
      %mul3A_227 = arith.muli %add3A, %mul3A_226 : i32
      %mul3A_228 = arith.constant 200 : i32
      %mul3A_229 = arith.muli %mul3A_227, %mul3A_228 : i32
      %mul3A_230 = arith.constant 80 : i32
      %mul3A_231 = arith.muli %add3A_193, %mul3A_230 : i32
      %add3A_232 = arith.addi %mul3A_229, %mul3A_231 : i32
      %dma_start3A_233 = arith.constant 0 : i32
      %dma_start3A_234 = tpu.memref_slice %arg5[%add3A_232, %dma_start3A_233] : memref<204800x128xf32, #tpu.memory_space<hbm>> -> memref<80x128xf32, #tpu.memory_space<hbm>>
      %dma_start3A_235 = arith.constant 0 : i32
      %dma_start3A_236 = tpu.memref_slice %arg5[%add3A_232, %dma_start3A_235] : memref<204800x128xf32, #tpu.memory_space<hbm>> -> memref<80x128xf32, #tpu.memory_space<hbm>>
      tpu.enqueue_dma source(%arg10 : memref<80x128xf32, #tpu.memory_space<vmem>>) target(%dma_start3A_236 : memref<80x128xf32, #tpu.memory_space<hbm>>) target_semaphore(%arg20 : memref<!tpu.dma_semaphore, #tpu.memory_space<semaphore_mem>>)
      %add3A_237 = arith.constant 1 : i32
      %add3A_238 = arith.addi %add3A_191, %add3A_237 : i32
      %dma_wait3A_239 = arith.constant 0 : i32
      %dma_wait3A_240 = arith.constant 0 : i32
      %dma_wait3A_241 = tpu.memref_slice %arg5[%dma_wait3A_239, %dma_wait3A_240] : memref<204800x128xf32, #tpu.memory_space<hbm>> -> memref<80x128xf32, #tpu.memory_space<hbm>>
      %dma_wait3A_242 = arith.constant 0 : i32
      %dma_wait3A_243 = arith.constant 0 : i32
      %dma_wait3A_244 = tpu.memref_slice %arg5[%dma_wait3A_242, %dma_wait3A_243] : memref<204800x128xf32, #tpu.memory_space<hbm>> -> memref<80x128xf32, #tpu.memory_space<hbm>>
      tpu.wait_dma2 semaphore(%arg19 : memref<!tpu.dma_semaphore, #tpu.memory_space<semaphore_mem>>) src(%arg9 : memref<80x128xf32, #tpu.memory_space<vmem>>) dst(%dma_wait3A_244 : memref<80x128xf32, #tpu.memory_space<hbm>>)
      %add3A_245 = arith.constant 3 : i32
      %add3A_246 = arith.addi %add3A_238, %add3A_245 : i32
      %dma_start3A_247 = arith.constant 0 : i32
      %dma_start3A_248 = tpu.memref_slice %arg7[%add3A_246, %dma_start3A_247] : memref<80x80xi32, #tpu.memory_space<vmem>> -> memref<1x80xi32, #tpu.memory_space<vmem>>
      %dma_start3A_249 = tpu.memref_squeeze %dma_start3A_248 : memref<1x80xi32, #tpu.memory_space<vmem>> -> memref<80xi32, #tpu.memory_space<vmem>>
      %dma_start3A_250 = arith.constant 0 : i32
      %dma_start3A_251 = arith.constant 0 : i32
      %dma_start3A_252 = tpu.memref_slice %arg3[%dma_start3A_250, %dma_start3A_251] : memref<100000x128xf32, #tpu.memory_space<hbm>> -> memref<100000x128xf32, #tpu.memory_space<hbm>>
      tpu.enqueue_indirect_dma source(%dma_start3A_252 : memref<100000x128xf32, #tpu.memory_space<hbm>>) target(%arg9 : memref<80x128xf32, #tpu.memory_space<vmem>>) offsets(%dma_start3A_249 : memref<80xi32, #tpu.memory_space<vmem>>) semaphore(%arg14 : memref<!tpu.dma_semaphore, #tpu.memory_space<semaphore_mem>>)
      %dma_wait3A_253 = arith.constant 0 : i32
      %dma_wait3A_254 = arith.constant 0 : i32
      %dma_wait3A_255 = tpu.memref_slice %arg3[%dma_wait3A_253, %dma_wait3A_254] : memref<100000x128xf32, #tpu.memory_space<hbm>> -> memref<80x128xf32, #tpu.memory_space<hbm>>
      %dma_wait3A_256 = arith.constant 0 : i32
      %dma_wait3A_257 = arith.constant 0 : i32
      %dma_wait3A_258 = tpu.memref_slice %arg3[%dma_wait3A_256, %dma_wait3A_257] : memref<100000x128xf32, #tpu.memory_space<hbm>> -> memref<80x128xf32, #tpu.memory_space<hbm>>
      tpu.wait_dma2 semaphore(%arg16 : memref<!tpu.dma_semaphore, #tpu.memory_space<semaphore_mem>>) src(%dma_wait3A_258 : memref<80x128xf32, #tpu.memory_space<hbm>>) dst(%arg11 : memref<80x128xf32, #tpu.memory_space<vmem>>)
      %scan3A_259 = arith.constant 0 : i32
      %scan3A_260 = arith.constant 0 : i32
      %scan3A_261 = arith.constant 80 : i32
      %scan3A_262 = arith.addi %scan3A_260, %scan3A_261 : i32
      %scan3A_263 = arith.constant 1 : i32
      scf.for %scan3A_393 = %scan3A_260 to %scan3A_262 step %scan3A_263  : i32 {
        %get3A = arith.index_cast %scan3A_393 : i32 to index
        %get3A_394 = arith.constant 0 : index
        %get3A_395 = tpu.vector_load %arg11[%get3A, %get3A_394] {strides = array<i32>} : memref<80x128xf32, #tpu.memory_space<vmem>>, vector<1x16xf32>,
        %get3A_396 = vector.shape_cast %get3A_395 : vector<1x16xf32> to vector<16xf32>
        %add3A_397 = arith.constant 40 : i32
        %add3A_398 = arith.addi %add3A_397, %scan3A_393 : i32
        %get3A_399 = arith.index_cast %add3A_398 : i32 to index
        %get3A_400 = arith.constant 0 : index
        %get3A_401 = tpu.vector_load %arg6[%get3A_399, %get3A_400] {strides = array<i32>} : memref<200x128xf32, #tpu.memory_space<vmem>>, vector<1x16xf32>,
        %get3A_402 = vector.shape_cast %get3A_401 : vector<1x16xf32> to vector<16xf32>
        %add3A_403 = arith.addf %get3A_396, %get3A_402 : vector<16xf32>
        %swap3A = arith.index_cast %scan3A_393 : i32 to index
        %swap3A_404 = arith.constant 0 : index
        %swap3A_405 = tpu.vector_load %arg11[%swap3A, %swap3A_404] {strides = array<i32>} : memref<80x128xf32, #tpu.memory_space<vmem>>, vector<1x16xf32>,
        %swap3A_406 = vector.shape_cast %swap3A_405 : vector<1x16xf32> to vector<16xf32>
        %swap3A_407 = vector.shape_cast %add3A_403 : vector<16xf32> to vector<1x16xf32>
        tpu.vector_store %arg11[%swap3A, %swap3A_404], %swap3A_407 {strides = array<i32>} : memref<80x128xf32, #tpu.memory_space<vmem>>, vector<1x16xf32>,
        %get3A_408 = arith.index_cast %scan3A_393 : i32 to index
        %get3A_409 = arith.constant 16 : index
        %get3A_410 = tpu.vector_load %arg11[%get3A_408, %get3A_409] {strides = array<i32>} : memref<80x128xf32, #tpu.memory_space<vmem>>, vector<1x16xf32>,
        %get3A_411 = vector.shape_cast %get3A_410 : vector<1x16xf32> to vector<16xf32>
        %add3A_412 = arith.constant 40 : i32
        %add3A_413 = arith.addi %add3A_412, %scan3A_393 : i32
        %get3A_414 = arith.index_cast %add3A_413 : i32 to index
        %get3A_415 = arith.constant 16 : index
        %get3A_416 = tpu.vector_load %arg6[%get3A_414, %get3A_415] {strides = array<i32>} : memref<200x128xf32, #tpu.memory_space<vmem>>, vector<1x16xf32>,
        %get3A_417 = vector.shape_cast %get3A_416 : vector<1x16xf32> to vector<16xf32>
        %add3A_418 = arith.addf %get3A_411, %get3A_417 : vector<16xf32>
        %swap3A_419 = arith.index_cast %scan3A_393 : i32 to index
        %swap3A_420 = arith.constant 16 : index
        %swap3A_421 = tpu.vector_load %arg11[%swap3A_419, %swap3A_420] {strides = array<i32>} : memref<80x128xf32, #tpu.memory_space<vmem>>, vector<1x16xf32>,
        %swap3A_422 = vector.shape_cast %swap3A_421 : vector<1x16xf32> to vector<16xf32>
        %swap3A_423 = vector.shape_cast %add3A_418 : vector<16xf32> to vector<1x16xf32>
        tpu.vector_store %arg11[%swap3A_419, %swap3A_420], %swap3A_423 {strides = array<i32>} : memref<80x128xf32, #tpu.memory_space<vmem>>, vector<1x16xf32>,
        %get3A_424 = arith.index_cast %scan3A_393 : i32 to index
        %get3A_425 = arith.constant 32 : index
        %get3A_426 = tpu.vector_load %arg11[%get3A_424, %get3A_425] {strides = array<i32>} : memref<80x128xf32, #tpu.memory_space<vmem>>, vector<1x16xf32>,
        %get3A_427 = vector.shape_cast %get3A_426 : vector<1x16xf32> to vector<16xf32>
        %add3A_428 = arith.constant 40 : i32
        %add3A_429 = arith.addi %add3A_428, %scan3A_393 : i32
        %get3A_430 = arith.index_cast %add3A_429 : i32 to index
        %get3A_431 = arith.constant 32 : index
        %get3A_432 = tpu.vector_load %arg6[%get3A_430, %get3A_431] {strides = array<i32>} : memref<200x128xf32, #tpu.memory_space<vmem>>, vector<1x16xf32>,
        %get3A_433 = vector.shape_cast %get3A_432 : vector<1x16xf32> to vector<16xf32>
        %add3A_434 = arith.addf %get3A_427, %get3A_433 : vector<16xf32>
        %swap3A_435 = arith.index_cast %scan3A_393 : i32 to index
        %swap3A_436 = arith.constant 32 : index
        %swap3A_437 = tpu.vector_load %arg11[%swap3A_435, %swap3A_436] {strides = array<i32>} : memref<80x128xf32, #tpu.memory_space<vmem>>, vector<1x16xf32>,
        %swap3A_438 = vector.shape_cast %swap3A_437 : vector<1x16xf32> to vector<16xf32>
        %swap3A_439 = vector.shape_cast %add3A_434 : vector<16xf32> to vector<1x16xf32>
        tpu.vector_store %arg11[%swap3A_435, %swap3A_436], %swap3A_439 {strides = array<i32>} : memref<80x128xf32, #tpu.memory_space<vmem>>, vector<1x16xf32>,
        %get3A_440 = arith.index_cast %scan3A_393 : i32 to index
        %get3A_441 = arith.constant 48 : index
        %get3A_442 = tpu.vector_load %arg11[%get3A_440, %get3A_441] {strides = array<i32>} : memref<80x128xf32, #tpu.memory_space<vmem>>, vector<1x16xf32>,
        %get3A_443 = vector.shape_cast %get3A_442 : vector<1x16xf32> to vector<16xf32>
        %add3A_444 = arith.constant 40 : i32
        %add3A_445 = arith.addi %add3A_444, %scan3A_393 : i32
        %get3A_446 = arith.index_cast %add3A_445 : i32 to index
        %get3A_447 = arith.constant 48 : index
        %get3A_448 = tpu.vector_load %arg6[%get3A_446, %get3A_447] {strides = array<i32>} : memref<200x128xf32, #tpu.memory_space<vmem>>, vector<1x16xf32>,
        %get3A_449 = vector.shape_cast %get3A_448 : vector<1x16xf32> to vector<16xf32>
        %add3A_450 = arith.addf %get3A_443, %get3A_449 : vector<16xf32>
        %swap3A_451 = arith.index_cast %scan3A_393 : i32 to index
        %swap3A_452 = arith.constant 48 : index
        %swap3A_453 = tpu.vector_load %arg11[%swap3A_451, %swap3A_452] {strides = array<i32>} : memref<80x128xf32, #tpu.memory_space<vmem>>, vector<1x16xf32>,
        %swap3A_454 = vector.shape_cast %swap3A_453 : vector<1x16xf32> to vector<16xf32>
        %swap3A_455 = vector.shape_cast %add3A_450 : vector<16xf32> to vector<1x16xf32>
        tpu.vector_store %arg11[%swap3A_451, %swap3A_452], %swap3A_455 {strides = array<i32>} : memref<80x128xf32, #tpu.memory_space<vmem>>, vector<1x16xf32>,
        %get3A_456 = arith.index_cast %scan3A_393 : i32 to index
        %get3A_457 = arith.constant 64 : index
        %get3A_458 = tpu.vector_load %arg11[%get3A_456, %get3A_457] {strides = array<i32>} : memref<80x128xf32, #tpu.memory_space<vmem>>, vector<1x16xf32>,
        %get3A_459 = vector.shape_cast %get3A_458 : vector<1x16xf32> to vector<16xf32>
        %add3A_460 = arith.constant 40 : i32
        %add3A_461 = arith.addi %add3A_460, %scan3A_393 : i32
        %get3A_462 = arith.index_cast %add3A_461 : i32 to index
        %get3A_463 = arith.constant 64 : index
        %get3A_464 = tpu.vector_load %arg6[%get3A_462, %get3A_463] {strides = array<i32>} : memref<200x128xf32, #tpu.memory_space<vmem>>, vector<1x16xf32>,
        %get3A_465 = vector.shape_cast %get3A_464 : vector<1x16xf32> to vector<16xf32>
        %add3A_466 = arith.addf %get3A_459, %get3A_465 : vector<16xf32>
        %swap3A_467 = arith.index_cast %scan3A_393 : i32 to index
        %swap3A_468 = arith.constant 64 : index
        %swap3A_469 = tpu.vector_load %arg11[%swap3A_467, %swap3A_468] {strides = array<i32>} : memref<80x128xf32, #tpu.memory_space<vmem>>, vector<1x16xf32>,
        %swap3A_470 = vector.shape_cast %swap3A_469 : vector<1x16xf32> to vector<16xf32>
        %swap3A_471 = vector.shape_cast %add3A_466 : vector<16xf32> to vector<1x16xf32>
        tpu.vector_store %arg11[%swap3A_467, %swap3A_468], %swap3A_471 {strides = array<i32>} : memref<80x128xf32, #tpu.memory_space<vmem>>, vector<1x16xf32>,
        %get3A_472 = arith.index_cast %scan3A_393 : i32 to index
        %get3A_473 = arith.constant 80 : index
        %get3A_474 = tpu.vector_load %arg11[%get3A_472, %get3A_473] {strides = array<i32>} : memref<80x128xf32, #tpu.memory_space<vmem>>, vector<1x16xf32>,
        %get3A_475 = vector.shape_cast %get3A_474 : vector<1x16xf32> to vector<16xf32>
        %add3A_476 = arith.constant 40 : i32
        %add3A_477 = arith.addi %add3A_476, %scan3A_393 : i32
        %get3A_478 = arith.index_cast %add3A_477 : i32 to index
        %get3A_479 = arith.constant 80 : index
        %get3A_480 = tpu.vector_load %arg6[%get3A_478, %get3A_479] {strides = array<i32>} : memref<200x128xf32, #tpu.memory_space<vmem>>, vector<1x16xf32>,
        %get3A_481 = vector.shape_cast %get3A_480 : vector<1x16xf32> to vector<16xf32>
        %add3A_482 = arith.addf %get3A_475, %get3A_481 : vector<16xf32>
        %swap3A_483 = arith.index_cast %scan3A_393 : i32 to index
        %swap3A_484 = arith.constant 80 : index
        %swap3A_485 = tpu.vector_load %arg11[%swap3A_483, %swap3A_484] {strides = array<i32>} : memref<80x128xf32, #tpu.memory_space<vmem>>, vector<1x16xf32>,
        %swap3A_486 = vector.shape_cast %swap3A_485 : vector<1x16xf32> to vector<16xf32>
        %swap3A_487 = vector.shape_cast %add3A_482 : vector<16xf32> to vector<1x16xf32>
        tpu.vector_store %arg11[%swap3A_483, %swap3A_484], %swap3A_487 {strides = array<i32>} : memref<80x128xf32, #tpu.memory_space<vmem>>, vector<1x16xf32>,
        %get3A_488 = arith.index_cast %scan3A_393 : i32 to index
        %get3A_489 = arith.constant 96 : index
        %get3A_490 = tpu.vector_load %arg11[%get3A_488, %get3A_489] {strides = array<i32>} : memref<80x128xf32, #tpu.memory_space<vmem>>, vector<1x16xf32>,
        %get3A_491 = vector.shape_cast %get3A_490 : vector<1x16xf32> to vector<16xf32>
        %add3A_492 = arith.constant 40 : i32
        %add3A_493 = arith.addi %add3A_492, %scan3A_393 : i32
        %get3A_494 = arith.index_cast %add3A_493 : i32 to index
        %get3A_495 = arith.constant 96 : index
        %get3A_496 = tpu.vector_load %arg6[%get3A_494, %get3A_495] {strides = array<i32>} : memref<200x128xf32, #tpu.memory_space<vmem>>, vector<1x16xf32>,
        %get3A_497 = vector.shape_cast %get3A_496 : vector<1x16xf32> to vector<16xf32>
        %add3A_498 = arith.addf %get3A_491, %get3A_497 : vector<16xf32>
        %swap3A_499 = arith.index_cast %scan3A_393 : i32 to index
        %swap3A_500 = arith.constant 96 : index
        %swap3A_501 = tpu.vector_load %arg11[%swap3A_499, %swap3A_500] {strides = array<i32>} : memref<80x128xf32, #tpu.memory_space<vmem>>, vector<1x16xf32>,
        %swap3A_502 = vector.shape_cast %swap3A_501 : vector<1x16xf32> to vector<16xf32>
        %swap3A_503 = vector.shape_cast %add3A_498 : vector<16xf32> to vector<1x16xf32>
        tpu.vector_store %arg11[%swap3A_499, %swap3A_500], %swap3A_503 {strides = array<i32>} : memref<80x128xf32, #tpu.memory_space<vmem>>, vector<1x16xf32>,
        %get3A_504 = arith.index_cast %scan3A_393 : i32 to index
        %get3A_505 = arith.constant 112 : index
        %get3A_506 = tpu.vector_load %arg11[%get3A_504, %get3A_505] {strides = array<i32>} : memref<80x128xf32, #tpu.memory_space<vmem>>, vector<1x16xf32>,
        %get3A_507 = vector.shape_cast %get3A_506 : vector<1x16xf32> to vector<16xf32>
        %add3A_508 = arith.constant 40 : i32
        %add3A_509 = arith.addi %add3A_508, %scan3A_393 : i32
        %get3A_510 = arith.index_cast %add3A_509 : i32 to index
        %get3A_511 = arith.constant 112 : index
        %get3A_512 = tpu.vector_load %arg6[%get3A_510, %get3A_511] {strides = array<i32>} : memref<200x128xf32, #tpu.memory_space<vmem>>, vector<1x16xf32>,
        %get3A_513 = vector.shape_cast %get3A_512 : vector<1x16xf32> to vector<16xf32>
        %add3A_514 = arith.addf %get3A_507, %get3A_513 : vector<16xf32>
        %swap3A_515 = arith.index_cast %scan3A_393 : i32 to index
        %swap3A_516 = arith.constant 112 : index
        %swap3A_517 = tpu.vector_load %arg11[%swap3A_515, %swap3A_516] {strides = array<i32>} : memref<80x128xf32, #tpu.memory_space<vmem>>, vector<1x16xf32>,
        %swap3A_518 = vector.shape_cast %swap3A_517 : vector<1x16xf32> to vector<16xf32>
        %swap3A_519 = vector.shape_cast %add3A_514 : vector<16xf32> to vector<1x16xf32>
        tpu.vector_store %arg11[%swap3A_515, %swap3A_516], %swap3A_519 {strides = array<i32>} : memref<80x128xf32, #tpu.memory_space<vmem>>, vector<1x16xf32>,
      }
      %scan3A_264 = arith.constant 80 : i32
      %mul3A_265 = arith.constant 32 : i32
      %mul3A_266 = arith.muli %add3A, %mul3A_265 : i32
      %mul3A_267 = arith.constant 200 : i32
      %mul3A_268 = arith.muli %mul3A_266, %mul3A_267 : i32
      %mul3A_269 = arith.constant 80 : i32
      %mul3A_270 = arith.muli %add3A_238, %mul3A_269 : i32
      %add3A_271 = arith.addi %mul3A_268, %mul3A_270 : i32
      %dma_start3A_272 = arith.constant 0 : i32
      %dma_start3A_273 = tpu.memref_slice %arg5[%add3A_271, %dma_start3A_272] : memref<204800x128xf32, #tpu.memory_space<hbm>> -> memref<80x128xf32, #tpu.memory_space<hbm>>
      %dma_start3A_274 = arith.constant 0 : i32
      %dma_start3A_275 = tpu.memref_slice %arg5[%add3A_271, %dma_start3A_274] : memref<204800x128xf32, #tpu.memory_space<hbm>> -> memref<80x128xf32, #tpu.memory_space<hbm>>
      tpu.enqueue_dma source(%arg11 : memref<80x128xf32, #tpu.memory_space<vmem>>) target(%dma_start3A_275 : memref<80x128xf32, #tpu.memory_space<hbm>>) target_semaphore(%arg21 : memref<!tpu.dma_semaphore, #tpu.memory_space<semaphore_mem>>)
      %add3A_276 = arith.constant 2 : i32
      %add3A_277 = arith.addi %add3A_191, %add3A_276 : i32
      %dma_wait3A_278 = arith.constant 0 : i32
      %dma_wait3A_279 = arith.constant 0 : i32
      %dma_wait3A_280 = tpu.memref_slice %arg5[%dma_wait3A_278, %dma_wait3A_279] : memref<204800x128xf32, #tpu.memory_space<hbm>> -> memref<80x128xf32, #tpu.memory_space<hbm>>
      %dma_wait3A_281 = arith.constant 0 : i32
      %dma_wait3A_282 = arith.constant 0 : i32
      %dma_wait3A_283 = tpu.memref_slice %arg5[%dma_wait3A_281, %dma_wait3A_282] : memref<204800x128xf32, #tpu.memory_space<hbm>> -> memref<80x128xf32, #tpu.memory_space<hbm>>
      tpu.wait_dma2 semaphore(%arg20 : memref<!tpu.dma_semaphore, #tpu.memory_space<semaphore_mem>>) src(%arg10 : memref<80x128xf32, #tpu.memory_space<vmem>>) dst(%dma_wait3A_283 : memref<80x128xf32, #tpu.memory_space<hbm>>)
      %add3A_284 = arith.constant 3 : i32
      %add3A_285 = arith.addi %add3A_277, %add3A_284 : i32
      %dma_start3A_286 = arith.constant 0 : i32
      %dma_start3A_287 = tpu.memref_slice %arg7[%add3A_285, %dma_start3A_286] : memref<80x80xi32, #tpu.memory_space<vmem>> -> memref<1x80xi32, #tpu.memory_space<vmem>>
      %dma_start3A_288 = tpu.memref_squeeze %dma_start3A_287 : memref<1x80xi32, #tpu.memory_space<vmem>> -> memref<80xi32, #tpu.memory_space<vmem>>
      %dma_start3A_289 = arith.constant 0 : i32
      %dma_start3A_290 = arith.constant 0 : i32
      %dma_start3A_291 = tpu.memref_slice %arg3[%dma_start3A_289, %dma_start3A_290] : memref<100000x128xf32, #tpu.memory_space<hbm>> -> memref<100000x128xf32, #tpu.memory_space<hbm>>
      tpu.enqueue_indirect_dma source(%dma_start3A_291 : memref<100000x128xf32, #tpu.memory_space<hbm>>) target(%arg10 : memref<80x128xf32, #tpu.memory_space<vmem>>) offsets(%dma_start3A_288 : memref<80xi32, #tpu.memory_space<vmem>>) semaphore(%arg15 : memref<!tpu.dma_semaphore, #tpu.memory_space<semaphore_mem>>)
      %dma_wait3A_292 = arith.constant 0 : i32
      %dma_wait3A_293 = arith.constant 0 : i32
      %dma_wait3A_294 = tpu.memref_slice %arg3[%dma_wait3A_292, %dma_wait3A_293] : memref<100000x128xf32, #tpu.memory_space<hbm>> -> memref<80x128xf32, #tpu.memory_space<hbm>>
      %dma_wait3A_295 = arith.constant 0 : i32
      %dma_wait3A_296 = arith.constant 0 : i32
      %dma_wait3A_297 = tpu.memref_slice %arg3[%dma_wait3A_295, %dma_wait3A_296] : memref<100000x128xf32, #tpu.memory_space<hbm>> -> memref<80x128xf32, #tpu.memory_space<hbm>>
      tpu.wait_dma2 semaphore(%arg17 : memref<!tpu.dma_semaphore, #tpu.memory_space<semaphore_mem>>) src(%dma_wait3A_297 : memref<80x128xf32, #tpu.memory_space<hbm>>) dst(%arg12 : memref<80x128xf32, #tpu.memory_space<vmem>>)
      %scan3A_298 = arith.constant 0 : i32
      %scan3A_299 = arith.constant 0 : i32
      %scan3A_300 = arith.constant 80 : i32
      %scan3A_301 = arith.addi %scan3A_299, %scan3A_300 : i32
      %scan3A_302 = arith.constant 1 : i32
      scf.for %scan3A_393 = %scan3A_299 to %scan3A_301 step %scan3A_302  : i32 {
        %get3A = arith.index_cast %scan3A_393 : i32 to index
        %get3A_394 = arith.constant 0 : index
        %get3A_395 = tpu.vector_load %arg12[%get3A, %get3A_394] {strides = array<i32>} : memref<80x128xf32, #tpu.memory_space<vmem>>, vector<1x16xf32>,
        %get3A_396 = vector.shape_cast %get3A_395 : vector<1x16xf32> to vector<16xf32>
        %add3A_397 = arith.constant 120 : i32
        %add3A_398 = arith.addi %add3A_397, %scan3A_393 : i32
        %get3A_399 = arith.index_cast %add3A_398 : i32 to index
        %get3A_400 = arith.constant 0 : index
        %get3A_401 = tpu.vector_load %arg6[%get3A_399, %get3A_400] {strides = array<i32>} : memref<200x128xf32, #tpu.memory_space<vmem>>, vector<1x16xf32>,
        %get3A_402 = vector.shape_cast %get3A_401 : vector<1x16xf32> to vector<16xf32>
        %add3A_403 = arith.addf %get3A_396, %get3A_402 : vector<16xf32>
        %swap3A = arith.index_cast %scan3A_393 : i32 to index
        %swap3A_404 = arith.constant 0 : index
        %swap3A_405 = tpu.vector_load %arg12[%swap3A, %swap3A_404] {strides = array<i32>} : memref<80x128xf32, #tpu.memory_space<vmem>>, vector<1x16xf32>,
        %swap3A_406 = vector.shape_cast %swap3A_405 : vector<1x16xf32> to vector<16xf32>
        %swap3A_407 = vector.shape_cast %add3A_403 : vector<16xf32> to vector<1x16xf32>
        tpu.vector_store %arg12[%swap3A, %swap3A_404], %swap3A_407 {strides = array<i32>} : memref<80x128xf32, #tpu.memory_space<vmem>>, vector<1x16xf32>,
        %get3A_408 = arith.index_cast %scan3A_393 : i32 to index
        %get3A_409 = arith.constant 16 : index
        %get3A_410 = tpu.vector_load %arg12[%get3A_408, %get3A_409] {strides = array<i32>} : memref<80x128xf32, #tpu.memory_space<vmem>>, vector<1x16xf32>,
        %get3A_411 = vector.shape_cast %get3A_410 : vector<1x16xf32> to vector<16xf32>
        %add3A_412 = arith.constant 120 : i32
        %add3A_413 = arith.addi %add3A_412, %scan3A_393 : i32
        %get3A_414 = arith.index_cast %add3A_413 : i32 to index
        %get3A_415 = arith.constant 16 : index
        %get3A_416 = tpu.vector_load %arg6[%get3A_414, %get3A_415] {strides = array<i32>} : memref<200x128xf32, #tpu.memory_space<vmem>>, vector<1x16xf32>,
        %get3A_417 = vector.shape_cast %get3A_416 : vector<1x16xf32> to vector<16xf32>
        %add3A_418 = arith.addf %get3A_411, %get3A_417 : vector<16xf32>
        %swap3A_419 = arith.index_cast %scan3A_393 : i32 to index
        %swap3A_420 = arith.constant 16 : index
        %swap3A_421 = tpu.vector_load %arg12[%swap3A_419, %swap3A_420] {strides = array<i32>} : memref<80x128xf32, #tpu.memory_space<vmem>>, vector<1x16xf32>,
        %swap3A_422 = vector.shape_cast %swap3A_421 : vector<1x16xf32> to vector<16xf32>
        %swap3A_423 = vector.shape_cast %add3A_418 : vector<16xf32> to vector<1x16xf32>
        tpu.vector_store %arg12[%swap3A_419, %swap3A_420], %swap3A_423 {strides = array<i32>} : memref<80x128xf32, #tpu.memory_space<vmem>>, vector<1x16xf32>,
        %get3A_424 = arith.index_cast %scan3A_393 : i32 to index
        %get3A_425 = arith.constant 32 : index
        %get3A_426 = tpu.vector_load %arg12[%get3A_424, %get3A_425] {strides = array<i32>} : memref<80x128xf32, #tpu.memory_space<vmem>>, vector<1x16xf32>,
        %get3A_427 = vector.shape_cast %get3A_426 : vector<1x16xf32> to vector<16xf32>
        %add3A_428 = arith.constant 120 : i32
        %add3A_429 = arith.addi %add3A_428, %scan3A_393 : i32
        %get3A_430 = arith.index_cast %add3A_429 : i32 to index
        %get3A_431 = arith.constant 32 : index
        %get3A_432 = tpu.vector_load %arg6[%get3A_430, %get3A_431] {strides = array<i32>} : memref<200x128xf32, #tpu.memory_space<vmem>>, vector<1x16xf32>,
        %get3A_433 = vector.shape_cast %get3A_432 : vector<1x16xf32> to vector<16xf32>
        %add3A_434 = arith.addf %get3A_427, %get3A_433 : vector<16xf32>
        %swap3A_435 = arith.index_cast %scan3A_393 : i32 to index
        %swap3A_436 = arith.constant 32 : index
        %swap3A_437 = tpu.vector_load %arg12[%swap3A_435, %swap3A_436] {strides = array<i32>} : memref<80x128xf32, #tpu.memory_space<vmem>>, vector<1x16xf32>,
        %swap3A_438 = vector.shape_cast %swap3A_437 : vector<1x16xf32> to vector<16xf32>
        %swap3A_439 = vector.shape_cast %add3A_434 : vector<16xf32> to vector<1x16xf32>
        tpu.vector_store %arg12[%swap3A_435, %swap3A_436], %swap3A_439 {strides = array<i32>} : memref<80x128xf32, #tpu.memory_space<vmem>>, vector<1x16xf32>,
        %get3A_440 = arith.index_cast %scan3A_393 : i32 to index
        %get3A_441 = arith.constant 48 : index
        %get3A_442 = tpu.vector_load %arg12[%get3A_440, %get3A_441] {strides = array<i32>} : memref<80x128xf32, #tpu.memory_space<vmem>>, vector<1x16xf32>,
        %get3A_443 = vector.shape_cast %get3A_442 : vector<1x16xf32> to vector<16xf32>
        %add3A_444 = arith.constant 120 : i32
        %add3A_445 = arith.addi %add3A_444, %scan3A_393 : i32
        %get3A_446 = arith.index_cast %add3A_445 : i32 to index
        %get3A_447 = arith.constant 48 : index
        %get3A_448 = tpu.vector_load %arg6[%get3A_446, %get3A_447] {strides = array<i32>} : memref<200x128xf32, #tpu.memory_space<vmem>>, vector<1x16xf32>,
        %get3A_449 = vector.shape_cast %get3A_448 : vector<1x16xf32> to vector<16xf32>
        %add3A_450 = arith.addf %get3A_443, %get3A_449 : vector<16xf32>
        %swap3A_451 = arith.index_cast %scan3A_393 : i32 to index
        %swap3A_452 = arith.constant 48 : index
        %swap3A_453 = tpu.vector_load %arg12[%swap3A_451, %swap3A_452] {strides = array<i32>} : memref<80x128xf32, #tpu.memory_space<vmem>>, vector<1x16xf32>,
        %swap3A_454 = vector.shape_cast %swap3A_453 : vector<1x16xf32> to vector<16xf32>
        %swap3A_455 = vector.shape_cast %add3A_450 : vector<16xf32> to vector<1x16xf32>
        tpu.vector_store %arg12[%swap3A_451, %swap3A_452], %swap3A_455 {strides = array<i32>} : memref<80x128xf32, #tpu.memory_space<vmem>>, vector<1x16xf32>,
        %get3A_456 = arith.index_cast %scan3A_393 : i32 to index
        %get3A_457 = arith.constant 64 : index
        %get3A_458 = tpu.vector_load %arg12[%get3A_456, %get3A_457] {strides = array<i32>} : memref<80x128xf32, #tpu.memory_space<vmem>>, vector<1x16xf32>,
        %get3A_459 = vector.shape_cast %get3A_458 : vector<1x16xf32> to vector<16xf32>
        %add3A_460 = arith.constant 120 : i32
        %add3A_461 = arith.addi %add3A_460, %scan3A_393 : i32
        %get3A_462 = arith.index_cast %add3A_461 : i32 to index
        %get3A_463 = arith.constant 64 : index
        %get3A_464 = tpu.vector_load %arg6[%get3A_462, %get3A_463] {strides = array<i32>} : memref<200x128xf32, #tpu.memory_space<vmem>>, vector<1x16xf32>,
        %get3A_465 = vector.shape_cast %get3A_464 : vector<1x16xf32> to vector<16xf32>
        %add3A_466 = arith.addf %get3A_459, %get3A_465 : vector<16xf32>
        %swap3A_467 = arith.index_cast %scan3A_393 : i32 to index
        %swap3A_468 = arith.constant 64 : index
        %swap3A_469 = tpu.vector_load %arg12[%swap3A_467, %swap3A_468] {strides = array<i32>} : memref<80x128xf32, #tpu.memory_space<vmem>>, vector<1x16xf32>,
        %swap3A_470 = vector.shape_cast %swap3A_469 : vector<1x16xf32> to vector<16xf32>
        %swap3A_471 = vector.shape_cast %add3A_466 : vector<16xf32> to vector<1x16xf32>
        tpu.vector_store %arg12[%swap3A_467, %swap3A_468], %swap3A_471 {strides = array<i32>} : memref<80x128xf32, #tpu.memory_space<vmem>>, vector<1x16xf32>,
        %get3A_472 = arith.index_cast %scan3A_393 : i32 to index
        %get3A_473 = arith.constant 80 : index
        %get3A_474 = tpu.vector_load %arg12[%get3A_472, %get3A_473] {strides = array<i32>} : memref<80x128xf32, #tpu.memory_space<vmem>>, vector<1x16xf32>,
        %get3A_475 = vector.shape_cast %get3A_474 : vector<1x16xf32> to vector<16xf32>
        %add3A_476 = arith.constant 120 : i32
        %add3A_477 = arith.addi %add3A_476, %scan3A_393 : i32
        %get3A_478 = arith.index_cast %add3A_477 : i32 to index
        %get3A_479 = arith.constant 80 : index
        %get3A_480 = tpu.vector_load %arg6[%get3A_478, %get3A_479] {strides = array<i32>} : memref<200x128xf32, #tpu.memory_space<vmem>>, vector<1x16xf32>,
        %get3A_481 = vector.shape_cast %get3A_480 : vector<1x16xf32> to vector<16xf32>
        %add3A_482 = arith.addf %get3A_475, %get3A_481 : vector<16xf32>
        %swap3A_483 = arith.index_cast %scan3A_393 : i32 to index
        %swap3A_484 = arith.constant 80 : index
        %swap3A_485 = tpu.vector_load %arg12[%swap3A_483, %swap3A_484] {strides = array<i32>} : memref<80x128xf32, #tpu.memory_space<vmem>>, vector<1x16xf32>,
        %swap3A_486 = vector.shape_cast %swap3A_485 : vector<1x16xf32> to vector<16xf32>
        %swap3A_487 = vector.shape_cast %add3A_482 : vector<16xf32> to vector<1x16xf32>
        tpu.vector_store %arg12[%swap3A_483, %swap3A_484], %swap3A_487 {strides = array<i32>} : memref<80x128xf32, #tpu.memory_space<vmem>>, vector<1x16xf32>,
        %get3A_488 = arith.index_cast %scan3A_393 : i32 to index
        %get3A_489 = arith.constant 96 : index
        %get3A_490 = tpu.vector_load %arg12[%get3A_488, %get3A_489] {strides = array<i32>} : memref<80x128xf32, #tpu.memory_space<vmem>>, vector<1x16xf32>,
        %get3A_491 = vector.shape_cast %get3A_490 : vector<1x16xf32> to vector<16xf32>
        %add3A_492 = arith.constant 120 : i32
        %add3A_493 = arith.addi %add3A_492, %scan3A_393 : i32
        %get3A_494 = arith.index_cast %add3A_493 : i32 to index
        %get3A_495 = arith.constant 96 : index
        %get3A_496 = tpu.vector_load %arg6[%get3A_494, %get3A_495] {strides = array<i32>} : memref<200x128xf32, #tpu.memory_space<vmem>>, vector<1x16xf32>,
        %get3A_497 = vector.shape_cast %get3A_496 : vector<1x16xf32> to vector<16xf32>
        %add3A_498 = arith.addf %get3A_491, %get3A_497 : vector<16xf32>
        %swap3A_499 = arith.index_cast %scan3A_393 : i32 to index
        %swap3A_500 = arith.constant 96 : index
        %swap3A_501 = tpu.vector_load %arg12[%swap3A_499, %swap3A_500] {strides = array<i32>} : memref<80x128xf32, #tpu.memory_space<vmem>>, vector<1x16xf32>,
        %swap3A_502 = vector.shape_cast %swap3A_501 : vector<1x16xf32> to vector<16xf32>
        %swap3A_503 = vector.shape_cast %add3A_498 : vector<16xf32> to vector<1x16xf32>
        tpu.vector_store %arg12[%swap3A_499, %swap3A_500], %swap3A_503 {strides = array<i32>} : memref<80x128xf32, #tpu.memory_space<vmem>>, vector<1x16xf32>,
        %get3A_504 = arith.index_cast %scan3A_393 : i32 to index
        %get3A_505 = arith.constant 112 : index
        %get3A_506 = tpu.vector_load %arg12[%get3A_504, %get3A_505] {strides = array<i32>} : memref<80x128xf32, #tpu.memory_space<vmem>>, vector<1x16xf32>,
        %get3A_507 = vector.shape_cast %get3A_506 : vector<1x16xf32> to vector<16xf32>
        %add3A_508 = arith.constant 120 : i32
        %add3A_509 = arith.addi %add3A_508, %scan3A_393 : i32
        %get3A_510 = arith.index_cast %add3A_509 : i32 to index
        %get3A_511 = arith.constant 112 : index
        %get3A_512 = tpu.vector_load %arg6[%get3A_510, %get3A_511] {strides = array<i32>} : memref<200x128xf32, #tpu.memory_space<vmem>>, vector<1x16xf32>,
        %get3A_513 = vector.shape_cast %get3A_512 : vector<1x16xf32> to vector<16xf32>
        %add3A_514 = arith.addf %get3A_507, %get3A_513 : vector<16xf32>
        %swap3A_515 = arith.index_cast %scan3A_393 : i32 to index
        %swap3A_516 = arith.constant 112 : index
        %swap3A_517 = tpu.vector_load %arg12[%swap3A_515, %swap3A_516] {strides = array<i32>} : memref<80x128xf32, #tpu.memory_space<vmem>>, vector<1x16xf32>,
        %swap3A_518 = vector.shape_cast %swap3A_517 : vector<1x16xf32> to vector<16xf32>
        %swap3A_519 = vector.shape_cast %add3A_514 : vector<16xf32> to vector<1x16xf32>
        tpu.vector_store %arg12[%swap3A_515, %swap3A_516], %swap3A_519 {strides = array<i32>} : memref<80x128xf32, #tpu.memory_space<vmem>>, vector<1x16xf32>,
      }
      %scan3A_303 = arith.constant 80 : i32
      %mul3A_304 = arith.constant 32 : i32
      %mul3A_305 = arith.muli %add3A, %mul3A_304 : i32
      %mul3A_306 = arith.constant 200 : i32
      %mul3A_307 = arith.muli %mul3A_305, %mul3A_306 : i32
      %mul3A_308 = arith.constant 80 : i32
      %mul3A_309 = arith.muli %add3A_277, %mul3A_308 : i32
      %add3A_310 = arith.addi %mul3A_307, %mul3A_309 : i32
      %dma_start3A_311 = arith.constant 0 : i32
      %dma_start3A_312 = tpu.memref_slice %arg5[%add3A_310, %dma_start3A_311] : memref<204800x128xf32, #tpu.memory_space<hbm>> -> memref<80x128xf32, #tpu.memory_space<hbm>>
      %dma_start3A_313 = arith.constant 0 : i32
      %dma_start3A_314 = tpu.memref_slice %arg5[%add3A_310, %dma_start3A_313] : memref<204800x128xf32, #tpu.memory_space<hbm>> -> memref<80x128xf32, #tpu.memory_space<hbm>>
      tpu.enqueue_dma source(%arg12 : memref<80x128xf32, #tpu.memory_space<vmem>>) target(%dma_start3A_314 : memref<80x128xf32, #tpu.memory_space<hbm>>) target_semaphore(%arg22 : memref<!tpu.dma_semaphore, #tpu.memory_space<semaphore_mem>>)
      %add3A_315 = arith.constant 3 : i32
      %add3A_316 = arith.addi %add3A_191, %add3A_315 : i32
      %dma_wait3A_317 = arith.constant 0 : i32
      %dma_wait3A_318 = arith.constant 0 : i32
      %dma_wait3A_319 = tpu.memref_slice %arg5[%dma_wait3A_317, %dma_wait3A_318] : memref<204800x128xf32, #tpu.memory_space<hbm>> -> memref<80x128xf32, #tpu.memory_space<hbm>>
      %dma_wait3A_320 = arith.constant 0 : i32
      %dma_wait3A_321 = arith.constant 0 : i32
      %dma_wait3A_322 = tpu.memref_slice %arg5[%dma_wait3A_320, %dma_wait3A_321] : memref<204800x128xf32, #tpu.memory_space<hbm>> -> memref<80x128xf32, #tpu.memory_space<hbm>>
      tpu.wait_dma2 semaphore(%arg21 : memref<!tpu.dma_semaphore, #tpu.memory_space<semaphore_mem>>) src(%arg11 : memref<80x128xf32, #tpu.memory_space<vmem>>) dst(%dma_wait3A_322 : memref<80x128xf32, #tpu.memory_space<hbm>>)
      %add3A_323 = arith.constant 3 : i32
      %add3A_324 = arith.addi %add3A_316, %add3A_323 : i32
      %dma_start3A_325 = arith.constant 0 : i32
      %dma_start3A_326 = tpu.memref_slice %arg7[%add3A_324, %dma_start3A_325] : memref<80x80xi32, #tpu.memory_space<vmem>> -> memref<1x80xi32, #tpu.memory_space<vmem>>
      %dma_start3A_327 = tpu.memref_squeeze %dma_start3A_326 : memref<1x80xi32, #tpu.memory_space<vmem>> -> memref<80xi32, #tpu.memory_space<vmem>>
      %dma_start3A_328 = arith.constant 0 : i32
      %dma_start3A_329 = arith.constant 0 : i32
      %dma_start3A_330 = tpu.memref_slice %arg3[%dma_start3A_328, %dma_start3A_329] : memref<100000x128xf32, #tpu.memory_space<hbm>> -> memref<100000x128xf32, #tpu.memory_space<hbm>>
      tpu.enqueue_indirect_dma source(%dma_start3A_330 : memref<100000x128xf32, #tpu.memory_space<hbm>>) target(%arg11 : memref<80x128xf32, #tpu.memory_space<vmem>>) offsets(%dma_start3A_327 : memref<80xi32, #tpu.memory_space<vmem>>) semaphore(%arg16 : memref<!tpu.dma_semaphore, #tpu.memory_space<semaphore_mem>>)
      %dma_wait3A_331 = arith.constant 0 : i32
      %dma_wait3A_332 = arith.constant 0 : i32
      %dma_wait3A_333 = tpu.memref_slice %arg3[%dma_wait3A_331, %dma_wait3A_332] : memref<100000x128xf32, #tpu.memory_space<hbm>> -> memref<80x128xf32, #tpu.memory_space<hbm>>
      %dma_wait3A_334 = arith.constant 0 : i32
      %dma_wait3A_335 = arith.constant 0 : i32
      %dma_wait3A_336 = tpu.memref_slice %arg3[%dma_wait3A_334, %dma_wait3A_335] : memref<100000x128xf32, #tpu.memory_space<hbm>> -> memref<80x128xf32, #tpu.memory_space<hbm>>
      tpu.wait_dma2 semaphore(%arg13 : memref<!tpu.dma_semaphore, #tpu.memory_space<semaphore_mem>>) src(%dma_wait3A_336 : memref<80x128xf32, #tpu.memory_space<hbm>>) dst(%arg8 : memref<80x128xf32, #tpu.memory_space<vmem>>)
      %scan3A_337 = arith.constant 0 : i32
      %scan3A_338 = arith.constant 0 : i32
      %scan3A_339 = arith.constant 80 : i32
      %scan3A_340 = arith.addi %scan3A_338, %scan3A_339 : i32
      %scan3A_341 = arith.constant 1 : i32
      scf.for %scan3A_393 = %scan3A_338 to %scan3A_340 step %scan3A_341  : i32 {
        %get3A = arith.index_cast %scan3A_393 : i32 to index
        %get3A_394 = arith.constant 0 : index
        %get3A_395 = tpu.vector_load %arg8[%get3A, %get3A_394] {strides = array<i32>} : memref<80x128xf32, #tpu.memory_space<vmem>>, vector<1x16xf32>,
        %get3A_396 = vector.shape_cast %get3A_395 : vector<1x16xf32> to vector<16xf32>
        %add3A_397 = arith.constant 0 : i32
        %add3A_398 = arith.addi %add3A_397, %scan3A_393 : i32
        %get3A_399 = arith.index_cast %add3A_398 : i32 to index
        %get3A_400 = arith.constant 0 : index
        %get3A_401 = tpu.vector_load %arg6[%get3A_399, %get3A_400] {strides = array<i32>} : memref<200x128xf32, #tpu.memory_space<vmem>>, vector<1x16xf32>,
        %get3A_402 = vector.shape_cast %get3A_401 : vector<1x16xf32> to vector<16xf32>
        %add3A_403 = arith.addf %get3A_396, %get3A_402 : vector<16xf32>
        %swap3A = arith.index_cast %scan3A_393 : i32 to index
        %swap3A_404 = arith.constant 0 : index
        %swap3A_405 = tpu.vector_load %arg8[%swap3A, %swap3A_404] {strides = array<i32>} : memref<80x128xf32, #tpu.memory_space<vmem>>, vector<1x16xf32>,
        %swap3A_406 = vector.shape_cast %swap3A_405 : vector<1x16xf32> to vector<16xf32>
        %swap3A_407 = vector.shape_cast %add3A_403 : vector<16xf32> to vector<1x16xf32>
        tpu.vector_store %arg8[%swap3A, %swap3A_404], %swap3A_407 {strides = array<i32>} : memref<80x128xf32, #tpu.memory_space<vmem>>, vector<1x16xf32>,
        %get3A_408 = arith.index_cast %scan3A_393 : i32 to index
        %get3A_409 = arith.constant 16 : index
        %get3A_410 = tpu.vector_load %arg8[%get3A_408, %get3A_409] {strides = array<i32>} : memref<80x128xf32, #tpu.memory_space<vmem>>, vector<1x16xf32>,
        %get3A_411 = vector.shape_cast %get3A_410 : vector<1x16xf32> to vector<16xf32>
        %add3A_412 = arith.constant 0 : i32
        %add3A_413 = arith.addi %add3A_412, %scan3A_393 : i32
        %get3A_414 = arith.index_cast %add3A_413 : i32 to index
        %get3A_415 = arith.constant 16 : index
        %get3A_416 = tpu.vector_load %arg6[%get3A_414, %get3A_415] {strides = array<i32>} : memref<200x128xf32, #tpu.memory_space<vmem>>, vector<1x16xf32>,
        %get3A_417 = vector.shape_cast %get3A_416 : vector<1x16xf32> to vector<16xf32>
        %add3A_418 = arith.addf %get3A_411, %get3A_417 : vector<16xf32>
        %swap3A_419 = arith.index_cast %scan3A_393 : i32 to index
        %swap3A_420 = arith.constant 16 : index
        %swap3A_421 = tpu.vector_load %arg8[%swap3A_419, %swap3A_420] {strides = array<i32>} : memref<80x128xf32, #tpu.memory_space<vmem>>, vector<1x16xf32>,
        %swap3A_422 = vector.shape_cast %swap3A_421 : vector<1x16xf32> to vector<16xf32>
        %swap3A_423 = vector.shape_cast %add3A_418 : vector<16xf32> to vector<1x16xf32>
        tpu.vector_store %arg8[%swap3A_419, %swap3A_420], %swap3A_423 {strides = array<i32>} : memref<80x128xf32, #tpu.memory_space<vmem>>, vector<1x16xf32>,
        %get3A_424 = arith.index_cast %scan3A_393 : i32 to index
        %get3A_425 = arith.constant 32 : index
        %get3A_426 = tpu.vector_load %arg8[%get3A_424, %get3A_425] {strides = array<i32>} : memref<80x128xf32, #tpu.memory_space<vmem>>, vector<1x16xf32>,
        %get3A_427 = vector.shape_cast %get3A_426 : vector<1x16xf32> to vector<16xf32>
        %add3A_428 = arith.constant 0 : i32
        %add3A_429 = arith.addi %add3A_428, %scan3A_393 : i32
        %get3A_430 = arith.index_cast %add3A_429 : i32 to index
        %get3A_431 = arith.constant 32 : index
        %get3A_432 = tpu.vector_load %arg6[%get3A_430, %get3A_431] {strides = array<i32>} : memref<200x128xf32, #tpu.memory_space<vmem>>, vector<1x16xf32>,
        %get3A_433 = vector.shape_cast %get3A_432 : vector<1x16xf32> to vector<16xf32>
        %add3A_434 = arith.addf %get3A_427, %get3A_433 : vector<16xf32>
        %swap3A_435 = arith.index_cast %scan3A_393 : i32 to index
        %swap3A_436 = arith.constant 32 : index
        %swap3A_437 = tpu.vector_load %arg8[%swap3A_435, %swap3A_436] {strides = array<i32>} : memref<80x128xf32, #tpu.memory_space<vmem>>, vector<1x16xf32>,
        %swap3A_438 = vector.shape_cast %swap3A_437 : vector<1x16xf32> to vector<16xf32>
        %swap3A_439 = vector.shape_cast %add3A_434 : vector<16xf32> to vector<1x16xf32>
        tpu.vector_store %arg8[%swap3A_435, %swap3A_436], %swap3A_439 {strides = array<i32>} : memref<80x128xf32, #tpu.memory_space<vmem>>, vector<1x16xf32>,
        %get3A_440 = arith.index_cast %scan3A_393 : i32 to index
        %get3A_441 = arith.constant 48 : index
        %get3A_442 = tpu.vector_load %arg8[%get3A_440, %get3A_441] {strides = array<i32>} : memref<80x128xf32, #tpu.memory_space<vmem>>, vector<1x16xf32>,
        %get3A_443 = vector.shape_cast %get3A_442 : vector<1x16xf32> to vector<16xf32>
        %add3A_444 = arith.constant 0 : i32
        %add3A_445 = arith.addi %add3A_444, %scan3A_393 : i32
        %get3A_446 = arith.index_cast %add3A_445 : i32 to index
        %get3A_447 = arith.constant 48 : index
        %get3A_448 = tpu.vector_load %arg6[%get3A_446, %get3A_447] {strides = array<i32>} : memref<200x128xf32, #tpu.memory_space<vmem>>, vector<1x16xf32>,
        %get3A_449 = vector.shape_cast %get3A_448 : vector<1x16xf32> to vector<16xf32>
        %add3A_450 = arith.addf %get3A_443, %get3A_449 : vector<16xf32>
        %swap3A_451 = arith.index_cast %scan3A_393 : i32 to index
        %swap3A_452 = arith.constant 48 : index
        %swap3A_453 = tpu.vector_load %arg8[%swap3A_451, %swap3A_452] {strides = array<i32>} : memref<80x128xf32, #tpu.memory_space<vmem>>, vector<1x16xf32>,
        %swap3A_454 = vector.shape_cast %swap3A_453 : vector<1x16xf32> to vector<16xf32>
        %swap3A_455 = vector.shape_cast %add3A_450 : vector<16xf32> to vector<1x16xf32>
        tpu.vector_store %arg8[%swap3A_451, %swap3A_452], %swap3A_455 {strides = array<i32>} : memref<80x128xf32, #tpu.memory_space<vmem>>, vector<1x16xf32>,
        %get3A_456 = arith.index_cast %scan3A_393 : i32 to index
        %get3A_457 = arith.constant 64 : index
        %get3A_458 = tpu.vector_load %arg8[%get3A_456, %get3A_457] {strides = array<i32>} : memref<80x128xf32, #tpu.memory_space<vmem>>, vector<1x16xf32>,
        %get3A_459 = vector.shape_cast %get3A_458 : vector<1x16xf32> to vector<16xf32>
        %add3A_460 = arith.constant 0 : i32
        %add3A_461 = arith.addi %add3A_460, %scan3A_393 : i32
        %get3A_462 = arith.index_cast %add3A_461 : i32 to index
        %get3A_463 = arith.constant 64 : index
        %get3A_464 = tpu.vector_load %arg6[%get3A_462, %get3A_463] {strides = array<i32>} : memref<200x128xf32, #tpu.memory_space<vmem>>, vector<1x16xf32>,
        %get3A_465 = vector.shape_cast %get3A_464 : vector<1x16xf32> to vector<16xf32>
        %add3A_466 = arith.addf %get3A_459, %get3A_465 : vector<16xf32>
        %swap3A_467 = arith.index_cast %scan3A_393 : i32 to index
        %swap3A_468 = arith.constant 64 : index
        %swap3A_469 = tpu.vector_load %arg8[%swap3A_467, %swap3A_468] {strides = array<i32>} : memref<80x128xf32, #tpu.memory_space<vmem>>, vector<1x16xf32>,
        %swap3A_470 = vector.shape_cast %swap3A_469 : vector<1x16xf32> to vector<16xf32>
        %swap3A_471 = vector.shape_cast %add3A_466 : vector<16xf32> to vector<1x16xf32>
        tpu.vector_store %arg8[%swap3A_467, %swap3A_468], %swap3A_471 {strides = array<i32>} : memref<80x128xf32, #tpu.memory_space<vmem>>, vector<1x16xf32>,
        %get3A_472 = arith.index_cast %scan3A_393 : i32 to index
        %get3A_473 = arith.constant 80 : index
        %get3A_474 = tpu.vector_load %arg8[%get3A_472, %get3A_473] {strides = array<i32>} : memref<80x128xf32, #tpu.memory_space<vmem>>, vector<1x16xf32>,
        %get3A_475 = vector.shape_cast %get3A_474 : vector<1x16xf32> to vector<16xf32>
        %add3A_476 = arith.constant 0 : i32
        %add3A_477 = arith.addi %add3A_476, %scan3A_393 : i32
        %get3A_478 = arith.index_cast %add3A_477 : i32 to index
        %get3A_479 = arith.constant 80 : index
        %get3A_480 = tpu.vector_load %arg6[%get3A_478, %get3A_479] {strides = array<i32>} : memref<200x128xf32, #tpu.memory_space<vmem>>, vector<1x16xf32>,
        %get3A_481 = vector.shape_cast %get3A_480 : vector<1x16xf32> to vector<16xf32>
        %add3A_482 = arith.addf %get3A_475, %get3A_481 : vector<16xf32>
        %swap3A_483 = arith.index_cast %scan3A_393 : i32 to index
        %swap3A_484 = arith.constant 80 : index
        %swap3A_485 = tpu.vector_load %arg8[%swap3A_483, %swap3A_484] {strides = array<i32>} : memref<80x128xf32, #tpu.memory_space<vmem>>, vector<1x16xf32>,
        %swap3A_486 = vector.shape_cast %swap3A_485 : vector<1x16xf32> to vector<16xf32>
        %swap3A_487 = vector.shape_cast %add3A_482 : vector<16xf32> to vector<1x16xf32>
        tpu.vector_store %arg8[%swap3A_483, %swap3A_484], %swap3A_487 {strides = array<i32>} : memref<80x128xf32, #tpu.memory_space<vmem>>, vector<1x16xf32>,
        %get3A_488 = arith.index_cast %scan3A_393 : i32 to index
        %get3A_489 = arith.constant 96 : index
        %get3A_490 = tpu.vector_load %arg8[%get3A_488, %get3A_489] {strides = array<i32>} : memref<80x128xf32, #tpu.memory_space<vmem>>, vector<1x16xf32>,
        %get3A_491 = vector.shape_cast %get3A_490 : vector<1x16xf32> to vector<16xf32>
        %add3A_492 = arith.constant 0 : i32
        %add3A_493 = arith.addi %add3A_492, %scan3A_393 : i32
        %get3A_494 = arith.index_cast %add3A_493 : i32 to index
        %get3A_495 = arith.constant 96 : index
        %get3A_496 = tpu.vector_load %arg6[%get3A_494, %get3A_495] {strides = array<i32>} : memref<200x128xf32, #tpu.memory_space<vmem>>, vector<1x16xf32>,
        %get3A_497 = vector.shape_cast %get3A_496 : vector<1x16xf32> to vector<16xf32>
        %add3A_498 = arith.addf %get3A_491, %get3A_497 : vector<16xf32>
        %swap3A_499 = arith.index_cast %scan3A_393 : i32 to index
        %swap3A_500 = arith.constant 96 : index
        %swap3A_501 = tpu.vector_load %arg8[%swap3A_499, %swap3A_500] {strides = array<i32>} : memref<80x128xf32, #tpu.memory_space<vmem>>, vector<1x16xf32>,
        %swap3A_502 = vector.shape_cast %swap3A_501 : vector<1x16xf32> to vector<16xf32>
        %swap3A_503 = vector.shape_cast %add3A_498 : vector<16xf32> to vector<1x16xf32>
        tpu.vector_store %arg8[%swap3A_499, %swap3A_500], %swap3A_503 {strides = array<i32>} : memref<80x128xf32, #tpu.memory_space<vmem>>, vector<1x16xf32>,
        %get3A_504 = arith.index_cast %scan3A_393 : i32 to index
        %get3A_505 = arith.constant 112 : index
        %get3A_506 = tpu.vector_load %arg8[%get3A_504, %get3A_505] {strides = array<i32>} : memref<80x128xf32, #tpu.memory_space<vmem>>, vector<1x16xf32>,
        %get3A_507 = vector.shape_cast %get3A_506 : vector<1x16xf32> to vector<16xf32>
        %add3A_508 = arith.constant 0 : i32
        %add3A_509 = arith.addi %add3A_508, %scan3A_393 : i32
        %get3A_510 = arith.index_cast %add3A_509 : i32 to index
        %get3A_511 = arith.constant 112 : index
        %get3A_512 = tpu.vector_load %arg6[%get3A_510, %get3A_511] {strides = array<i32>} : memref<200x128xf32, #tpu.memory_space<vmem>>, vector<1x16xf32>,
        %get3A_513 = vector.shape_cast %get3A_512 : vector<1x16xf32> to vector<16xf32>
        %add3A_514 = arith.addf %get3A_507, %get3A_513 : vector<16xf32>
        %swap3A_515 = arith.index_cast %scan3A_393 : i32 to index
        %swap3A_516 = arith.constant 112 : index
        %swap3A_517 = tpu.vector_load %arg8[%swap3A_515, %swap3A_516] {strides = array<i32>} : memref<80x128xf32, #tpu.memory_space<vmem>>, vector<1x16xf32>,
        %swap3A_518 = vector.shape_cast %swap3A_517 : vector<1x16xf32> to vector<16xf32>
        %swap3A_519 = vector.shape_cast %add3A_514 : vector<16xf32> to vector<1x16xf32>
        tpu.vector_store %arg8[%swap3A_515, %swap3A_516], %swap3A_519 {strides = array<i32>} : memref<80x128xf32, #tpu.memory_space<vmem>>, vector<1x16xf32>,
      }
      %scan3A_342 = arith.constant 80 : i32
      %mul3A_343 = arith.constant 32 : i32
      %mul3A_344 = arith.muli %add3A, %mul3A_343 : i32
      %mul3A_345 = arith.constant 200 : i32
      %mul3A_346 = arith.muli %mul3A_344, %mul3A_345 : i32
      %mul3A_347 = arith.constant 80 : i32
      %mul3A_348 = arith.muli %add3A_316, %mul3A_347 : i32
      %add3A_349 = arith.addi %mul3A_346, %mul3A_348 : i32
      %dma_start3A_350 = arith.constant 0 : i32
      %dma_start3A_351 = tpu.memref_slice %arg5[%add3A_349, %dma_start3A_350] : memref<204800x128xf32, #tpu.memory_space<hbm>> -> memref<80x128xf32, #tpu.memory_space<hbm>>
      %dma_start3A_352 = arith.constant 0 : i32
      %dma_start3A_353 = tpu.memref_slice %arg5[%add3A_349, %dma_start3A_352] : memref<204800x128xf32, #tpu.memory_space<hbm>> -> memref<80x128xf32, #tpu.memory_space<hbm>>
      tpu.enqueue_dma source(%arg8 : memref<80x128xf32, #tpu.memory_space<vmem>>) target(%dma_start3A_353 : memref<80x128xf32, #tpu.memory_space<hbm>>) target_semaphore(%arg18 : memref<!tpu.dma_semaphore, #tpu.memory_space<semaphore_mem>>)
      %add3A_354 = arith.constant 4 : i32
      %add3A_355 = arith.addi %add3A_191, %add3A_354 : i32
      %dma_wait3A_356 = arith.constant 0 : i32
      %dma_wait3A_357 = arith.constant 0 : i32
      %dma_wait3A_358 = tpu.memref_slice %arg5[%dma_wait3A_356, %dma_wait3A_357] : memref<204800x128xf32, #tpu.memory_space<hbm>> -> memref<80x128xf32, #tpu.memory_space<hbm>>
      %dma_wait3A_359 = arith.constant 0 : i32
      %dma_wait3A_360 = arith.constant 0 : i32
      %dma_wait3A_361 = tpu.memref_slice %arg5[%dma_wait3A_359, %dma_wait3A_360] : memref<204800x128xf32, #tpu.memory_space<hbm>> -> memref<80x128xf32, #tpu.memory_space<hbm>>
      tpu.wait_dma2 semaphore(%arg22 : memref<!tpu.dma_semaphore, #tpu.memory_space<semaphore_mem>>) src(%arg12 : memref<80x128xf32, #tpu.memory_space<vmem>>) dst(%dma_wait3A_361 : memref<80x128xf32, #tpu.memory_space<hbm>>)
      %add3A_362 = arith.constant 3 : i32
      %add3A_363 = arith.addi %add3A_355, %add3A_362 : i32
      %dma_start3A_364 = arith.constant 0 : i32
      %dma_start3A_365 = tpu.memref_slice %arg7[%add3A_363, %dma_start3A_364] : memref<80x80xi32, #tpu.memory_space<vmem>> -> memref<1x80xi32, #tpu.memory_space<vmem>>
      %dma_start3A_366 = tpu.memref_squeeze %dma_start3A_365 : memref<1x80xi32, #tpu.memory_space<vmem>> -> memref<80xi32, #tpu.memory_space<vmem>>
      %dma_start3A_367 = arith.constant 0 : i32
      %dma_start3A_368 = arith.constant 0 : i32
      %dma_start3A_369 = tpu.memref_slice %arg3[%dma_start3A_367, %dma_start3A_368] : memref<100000x128xf32, #tpu.memory_space<hbm>> -> memref<100000x128xf32, #tpu.memory_space<hbm>>
      tpu.enqueue_indirect_dma source(%dma_start3A_369 : memref<100000x128xf32, #tpu.memory_space<hbm>>) target(%arg12 : memref<80x128xf32, #tpu.memory_space<vmem>>) offsets(%dma_start3A_366 : memref<80xi32, #tpu.memory_space<vmem>>) semaphore(%arg17 : memref<!tpu.dma_semaphore, #tpu.memory_space<semaphore_mem>>)
      %dma_wait3A_370 = arith.constant 0 : i32
      %dma_wait3A_371 = arith.constant 0 : i32
      %dma_wait3A_372 = tpu.memref_slice %arg3[%dma_wait3A_370, %dma_wait3A_371] : memref<100000x128xf32, #tpu.memory_space<hbm>> -> memref<80x128xf32, #tpu.memory_space<hbm>>
      %dma_wait3A_373 = arith.constant 0 : i32
      %dma_wait3A_374 = arith.constant 0 : i32
      %dma_wait3A_375 = tpu.memref_slice %arg3[%dma_wait3A_373, %dma_wait3A_374] : memref<100000x128xf32, #tpu.memory_space<hbm>> -> memref<80x128xf32, #tpu.memory_space<hbm>>
      tpu.wait_dma2 semaphore(%arg14 : memref<!tpu.dma_semaphore, #tpu.memory_space<semaphore_mem>>) src(%dma_wait3A_375 : memref<80x128xf32, #tpu.memory_space<hbm>>) dst(%arg9 : memref<80x128xf32, #tpu.memory_space<vmem>>)
      %scan3A_376 = arith.constant 0 : i32
      %scan3A_377 = arith.constant 0 : i32
      %scan3A_378 = arith.constant 80 : i32
      %scan3A_379 = arith.addi %scan3A_377, %scan3A_378 : i32
      %scan3A_380 = arith.constant 1 : i32
      scf.for %scan3A_393 = %scan3A_377 to %scan3A_379 step %scan3A_380  : i32 {
        %get3A = arith.index_cast %scan3A_393 : i32 to index
        %get3A_394 = arith.constant 0 : index
        %get3A_395 = tpu.vector_load %arg9[%get3A, %get3A_394] {strides = array<i32>} : memref<80x128xf32, #tpu.memory_space<vmem>>, vector<1x16xf32>,
        %get3A_396 = vector.shape_cast %get3A_395 : vector<1x16xf32> to vector<16xf32>
        %add3A_397 = arith.constant 80 : i32
        %add3A_398 = arith.addi %add3A_397, %scan3A_393 : i32
        %get3A_399 = arith.index_cast %add3A_398 : i32 to index
        %get3A_400 = arith.constant 0 : index
        %get3A_401 = tpu.vector_load %arg6[%get3A_399, %get3A_400] {strides = array<i32>} : memref<200x128xf32, #tpu.memory_space<vmem>>, vector<1x16xf32>,
        %get3A_402 = vector.shape_cast %get3A_401 : vector<1x16xf32> to vector<16xf32>
        %add3A_403 = arith.addf %get3A_396, %get3A_402 : vector<16xf32>
        %swap3A = arith.index_cast %scan3A_393 : i32 to index
        %swap3A_404 = arith.constant 0 : index
        %swap3A_405 = tpu.vector_load %arg9[%swap3A, %swap3A_404] {strides = array<i32>} : memref<80x128xf32, #tpu.memory_space<vmem>>, vector<1x16xf32>,
        %swap3A_406 = vector.shape_cast %swap3A_405 : vector<1x16xf32> to vector<16xf32>
        %swap3A_407 = vector.shape_cast %add3A_403 : vector<16xf32> to vector<1x16xf32>
        tpu.vector_store %arg9[%swap3A, %swap3A_404], %swap3A_407 {strides = array<i32>} : memref<80x128xf32, #tpu.memory_space<vmem>>, vector<1x16xf32>,
        %get3A_408 = arith.index_cast %scan3A_393 : i32 to index
        %get3A_409 = arith.constant 16 : index
        %get3A_410 = tpu.vector_load %arg9[%get3A_408, %get3A_409] {strides = array<i32>} : memref<80x128xf32, #tpu.memory_space<vmem>>, vector<1x16xf32>,
        %get3A_411 = vector.shape_cast %get3A_410 : vector<1x16xf32> to vector<16xf32>
        %add3A_412 = arith.constant 80 : i32
        %add3A_413 = arith.addi %add3A_412, %scan3A_393 : i32
        %get3A_414 = arith.index_cast %add3A_413 : i32 to index
        %get3A_415 = arith.constant 16 : index
        %get3A_416 = tpu.vector_load %arg6[%get3A_414, %get3A_415] {strides = array<i32>} : memref<200x128xf32, #tpu.memory_space<vmem>>, vector<1x16xf32>,
        %get3A_417 = vector.shape_cast %get3A_416 : vector<1x16xf32> to vector<16xf32>
        %add3A_418 = arith.addf %get3A_411, %get3A_417 : vector<16xf32>
        %swap3A_419 = arith.index_cast %scan3A_393 : i32 to index
        %swap3A_420 = arith.constant 16 : index
        %swap3A_421 = tpu.vector_load %arg9[%swap3A_419, %swap3A_420] {strides = array<i32>} : memref<80x128xf32, #tpu.memory_space<vmem>>, vector<1x16xf32>,
        %swap3A_422 = vector.shape_cast %swap3A_421 : vector<1x16xf32> to vector<16xf32>
        %swap3A_423 = vector.shape_cast %add3A_418 : vector<16xf32> to vector<1x16xf32>
        tpu.vector_store %arg9[%swap3A_419, %swap3A_420], %swap3A_423 {strides = array<i32>} : memref<80x128xf32, #tpu.memory_space<vmem>>, vector<1x16xf32>,
        %get3A_424 = arith.index_cast %scan3A_393 : i32 to index
        %get3A_425 = arith.constant 32 : index
        %get3A_426 = tpu.vector_load %arg9[%get3A_424, %get3A_425] {strides = array<i32>} : memref<80x128xf32, #tpu.memory_space<vmem>>, vector<1x16xf32>,
        %get3A_427 = vector.shape_cast %get3A_426 : vector<1x16xf32> to vector<16xf32>
        %add3A_428 = arith.constant 80 : i32
        %add3A_429 = arith.addi %add3A_428, %scan3A_393 : i32
        %get3A_430 = arith.index_cast %add3A_429 : i32 to index
        %get3A_431 = arith.constant 32 : index
        %get3A_432 = tpu.vector_load %arg6[%get3A_430, %get3A_431] {strides = array<i32>} : memref<200x128xf32, #tpu.memory_space<vmem>>, vector<1x16xf32>,
        %get3A_433 = vector.shape_cast %get3A_432 : vector<1x16xf32> to vector<16xf32>
        %add3A_434 = arith.addf %get3A_427, %get3A_433 : vector<16xf32>
        %swap3A_435 = arith.index_cast %scan3A_393 : i32 to index
        %swap3A_436 = arith.constant 32 : index
        %swap3A_437 = tpu.vector_load %arg9[%swap3A_435, %swap3A_436] {strides = array<i32>} : memref<80x128xf32, #tpu.memory_space<vmem>>, vector<1x16xf32>,
        %swap3A_438 = vector.shape_cast %swap3A_437 : vector<1x16xf32> to vector<16xf32>
        %swap3A_439 = vector.shape_cast %add3A_434 : vector<16xf32> to vector<1x16xf32>
        tpu.vector_store %arg9[%swap3A_435, %swap3A_436], %swap3A_439 {strides = array<i32>} : memref<80x128xf32, #tpu.memory_space<vmem>>, vector<1x16xf32>,
        %get3A_440 = arith.index_cast %scan3A_393 : i32 to index
        %get3A_441 = arith.constant 48 : index
        %get3A_442 = tpu.vector_load %arg9[%get3A_440, %get3A_441] {strides = array<i32>} : memref<80x128xf32, #tpu.memory_space<vmem>>, vector<1x16xf32>,
        %get3A_443 = vector.shape_cast %get3A_442 : vector<1x16xf32> to vector<16xf32>
        %add3A_444 = arith.constant 80 : i32
        %add3A_445 = arith.addi %add3A_444, %scan3A_393 : i32
        %get3A_446 = arith.index_cast %add3A_445 : i32 to index
        %get3A_447 = arith.constant 48 : index
        %get3A_448 = tpu.vector_load %arg6[%get3A_446, %get3A_447] {strides = array<i32>} : memref<200x128xf32, #tpu.memory_space<vmem>>, vector<1x16xf32>,
        %get3A_449 = vector.shape_cast %get3A_448 : vector<1x16xf32> to vector<16xf32>
        %add3A_450 = arith.addf %get3A_443, %get3A_449 : vector<16xf32>
        %swap3A_451 = arith.index_cast %scan3A_393 : i32 to index
        %swap3A_452 = arith.constant 48 : index
        %swap3A_453 = tpu.vector_load %arg9[%swap3A_451, %swap3A_452] {strides = array<i32>} : memref<80x128xf32, #tpu.memory_space<vmem>>, vector<1x16xf32>,
        %swap3A_454 = vector.shape_cast %swap3A_453 : vector<1x16xf32> to vector<16xf32>
        %swap3A_455 = vector.shape_cast %add3A_450 : vector<16xf32> to vector<1x16xf32>
        tpu.vector_store %arg9[%swap3A_451, %swap3A_452], %swap3A_455 {strides = array<i32>} : memref<80x128xf32, #tpu.memory_space<vmem>>, vector<1x16xf32>,
        %get3A_456 = arith.index_cast %scan3A_393 : i32 to index
        %get3A_457 = arith.constant 64 : index
        %get3A_458 = tpu.vector_load %arg9[%get3A_456, %get3A_457] {strides = array<i32>} : memref<80x128xf32, #tpu.memory_space<vmem>>, vector<1x16xf32>,
        %get3A_459 = vector.shape_cast %get3A_458 : vector<1x16xf32> to vector<16xf32>
        %add3A_460 = arith.constant 80 : i32
        %add3A_461 = arith.addi %add3A_460, %scan3A_393 : i32
        %get3A_462 = arith.index_cast %add3A_461 : i32 to index
        %get3A_463 = arith.constant 64 : index
        %get3A_464 = tpu.vector_load %arg6[%get3A_462, %get3A_463] {strides = array<i32>} : memref<200x128xf32, #tpu.memory_space<vmem>>, vector<1x16xf32>,
        %get3A_465 = vector.shape_cast %get3A_464 : vector<1x16xf32> to vector<16xf32>
        %add3A_466 = arith.addf %get3A_459, %get3A_465 : vector<16xf32>
        %swap3A_467 = arith.index_cast %scan3A_393 : i32 to index
        %swap3A_468 = arith.constant 64 : index
        %swap3A_469 = tpu.vector_load %arg9[%swap3A_467, %swap3A_468] {strides = array<i32>} : memref<80x128xf32, #tpu.memory_space<vmem>>, vector<1x16xf32>,
        %swap3A_470 = vector.shape_cast %swap3A_469 : vector<1x16xf32> to vector<16xf32>
        %swap3A_471 = vector.shape_cast %add3A_466 : vector<16xf32> to vector<1x16xf32>
        tpu.vector_store %arg9[%swap3A_467, %swap3A_468], %swap3A_471 {strides = array<i32>} : memref<80x128xf32, #tpu.memory_space<vmem>>, vector<1x16xf32>,
        %get3A_472 = arith.index_cast %scan3A_393 : i32 to index
        %get3A_473 = arith.constant 80 : index
        %get3A_474 = tpu.vector_load %arg9[%get3A_472, %get3A_473] {strides = array<i32>} : memref<80x128xf32, #tpu.memory_space<vmem>>, vector<1x16xf32>,
        %get3A_475 = vector.shape_cast %get3A_474 : vector<1x16xf32> to vector<16xf32>
        %add3A_476 = arith.constant 80 : i32
        %add3A_477 = arith.addi %add3A_476, %scan3A_393 : i32
        %get3A_478 = arith.index_cast %add3A_477 : i32 to index
        %get3A_479 = arith.constant 80 : index
        %get3A_480 = tpu.vector_load %arg6[%get3A_478, %get3A_479] {strides = array<i32>} : memref<200x128xf32, #tpu.memory_space<vmem>>, vector<1x16xf32>,
        %get3A_481 = vector.shape_cast %get3A_480 : vector<1x16xf32> to vector<16xf32>
        %add3A_482 = arith.addf %get3A_475, %get3A_481 : vector<16xf32>
        %swap3A_483 = arith.index_cast %scan3A_393 : i32 to index
        %swap3A_484 = arith.constant 80 : index
        %swap3A_485 = tpu.vector_load %arg9[%swap3A_483, %swap3A_484] {strides = array<i32>} : memref<80x128xf32, #tpu.memory_space<vmem>>, vector<1x16xf32>,
        %swap3A_486 = vector.shape_cast %swap3A_485 : vector<1x16xf32> to vector<16xf32>
        %swap3A_487 = vector.shape_cast %add3A_482 : vector<16xf32> to vector<1x16xf32>
        tpu.vector_store %arg9[%swap3A_483, %swap3A_484], %swap3A_487 {strides = array<i32>} : memref<80x128xf32, #tpu.memory_space<vmem>>, vector<1x16xf32>,
        %get3A_488 = arith.index_cast %scan3A_393 : i32 to index
        %get3A_489 = arith.constant 96 : index
        %get3A_490 = tpu.vector_load %arg9[%get3A_488, %get3A_489] {strides = array<i32>} : memref<80x128xf32, #tpu.memory_space<vmem>>, vector<1x16xf32>,
        %get3A_491 = vector.shape_cast %get3A_490 : vector<1x16xf32> to vector<16xf32>
        %add3A_492 = arith.constant 80 : i32
        %add3A_493 = arith.addi %add3A_492, %scan3A_393 : i32
        %get3A_494 = arith.index_cast %add3A_493 : i32 to index
        %get3A_495 = arith.constant 96 : index
        %get3A_496 = tpu.vector_load %arg6[%get3A_494, %get3A_495] {strides = array<i32>} : memref<200x128xf32, #tpu.memory_space<vmem>>, vector<1x16xf32>,
        %get3A_497 = vector.shape_cast %get3A_496 : vector<1x16xf32> to vector<16xf32>
        %add3A_498 = arith.addf %get3A_491, %get3A_497 : vector<16xf32>
        %swap3A_499 = arith.index_cast %scan3A_393 : i32 to index
        %swap3A_500 = arith.constant 96 : index
        %swap3A_501 = tpu.vector_load %arg9[%swap3A_499, %swap3A_500] {strides = array<i32>} : memref<80x128xf32, #tpu.memory_space<vmem>>, vector<1x16xf32>,
        %swap3A_502 = vector.shape_cast %swap3A_501 : vector<1x16xf32> to vector<16xf32>
        %swap3A_503 = vector.shape_cast %add3A_498 : vector<16xf32> to vector<1x16xf32>
        tpu.vector_store %arg9[%swap3A_499, %swap3A_500], %swap3A_503 {strides = array<i32>} : memref<80x128xf32, #tpu.memory_space<vmem>>, vector<1x16xf32>,
        %get3A_504 = arith.index_cast %scan3A_393 : i32 to index
        %get3A_505 = arith.constant 112 : index
        %get3A_506 = tpu.vector_load %arg9[%get3A_504, %get3A_505] {strides = array<i32>} : memref<80x128xf32, #tpu.memory_space<vmem>>, vector<1x16xf32>,
        %get3A_507 = vector.shape_cast %get3A_506 : vector<1x16xf32> to vector<16xf32>
        %add3A_508 = arith.constant 80 : i32
        %add3A_509 = arith.addi %add3A_508, %scan3A_393 : i32
        %get3A_510 = arith.index_cast %add3A_509 : i32 to index
        %get3A_511 = arith.constant 112 : index
        %get3A_512 = tpu.vector_load %arg6[%get3A_510, %get3A_511] {strides = array<i32>} : memref<200x128xf32, #tpu.memory_space<vmem>>, vector<1x16xf32>,
        %get3A_513 = vector.shape_cast %get3A_512 : vector<1x16xf32> to vector<16xf32>
        %add3A_514 = arith.addf %get3A_507, %get3A_513 : vector<16xf32>
        %swap3A_515 = arith.index_cast %scan3A_393 : i32 to index
        %swap3A_516 = arith.constant 112 : index
        %swap3A_517 = tpu.vector_load %arg9[%swap3A_515, %swap3A_516] {strides = array<i32>} : memref<80x128xf32, #tpu.memory_space<vmem>>, vector<1x16xf32>,
        %swap3A_518 = vector.shape_cast %swap3A_517 : vector<1x16xf32> to vector<16xf32>
        %swap3A_519 = vector.shape_cast %add3A_514 : vector<16xf32> to vector<1x16xf32>
        tpu.vector_store %arg9[%swap3A_515, %swap3A_516], %swap3A_519 {strides = array<i32>} : memref<80x128xf32, #tpu.memory_space<vmem>>, vector<1x16xf32>,
      }
      %scan3A_381 = arith.constant 80 : i32
      %mul3A_382 = arith.constant 32 : i32
      %mul3A_383 = arith.muli %add3A, %mul3A_382 : i32
      %mul3A_384 = arith.constant 200 : i32
      %mul3A_385 = arith.muli %mul3A_383, %mul3A_384 : i32
      %mul3A_386 = arith.constant 80 : i32
      %mul3A_387 = arith.muli %add3A_355, %mul3A_386 : i32
      %add3A_388 = arith.addi %mul3A_385, %mul3A_387 : i32
      %dma_start3A_389 = arith.constant 0 : i32
      %dma_start3A_390 = tpu.memref_slice %arg5[%add3A_388, %dma_start3A_389] : memref<204800x128xf32, #tpu.memory_space<hbm>> -> memref<80x128xf32, #tpu.memory_space<hbm>>
      %dma_start3A_391 = arith.constant 0 : i32
      %dma_start3A_392 = tpu.memref_slice %arg5[%add3A_388, %dma_start3A_391] : memref<204800x128xf32, #tpu.memory_space<hbm>> -> memref<80x128xf32, #tpu.memory_space<hbm>>
      tpu.enqueue_dma source(%arg9 : memref<80x128xf32, #tpu.memory_space<vmem>>) target(%dma_start3A_392 : memref<80x128xf32, #tpu.memory_space<hbm>>) target_semaphore(%arg19 : memref<!tpu.dma_semaphore, #tpu.memory_space<semaphore_mem>>)
    }
    %scan3A_84 = arith.constant 15 : i32
    %dma_wait3A_85 = arith.constant 0 : i32
    %dma_wait3A_86 = arith.constant 0 : i32
    %dma_wait3A_87 = tpu.memref_slice %arg3[%dma_wait3A_85, %dma_wait3A_86] : memref<100000x128xf32, #tpu.memory_space<hbm>> -> memref<80x128xf32, #tpu.memory_space<hbm>>
    %dma_wait3A_88 = arith.constant 0 : i32
    %dma_wait3A_89 = arith.constant 0 : i32
    %dma_wait3A_90 = tpu.memref_slice %arg3[%dma_wait3A_88, %dma_wait3A_89] : memref<100000x128xf32, #tpu.memory_space<hbm>> -> memref<80x128xf32, #tpu.memory_space<hbm>>
    tpu.wait_dma2 semaphore(%arg15 : memref<!tpu.dma_semaphore, #tpu.memory_space<semaphore_mem>>) src(%dma_wait3A_90 : memref<80x128xf32, #tpu.memory_space<hbm>>) dst(%arg10 : memref<80x128xf32, #tpu.memory_space<vmem>>)
    %scan3A_91 = arith.constant 0 : i32
    %scan3A_92 = arith.constant 0 : i32
    %scan3A_93 = arith.constant 40 : i32
    %scan3A_94 = arith.addi %scan3A_92, %scan3A_93 : i32
    %scan3A_95 = arith.constant 1 : i32
    scf.for %scan3A_187 = %scan3A_92 to %scan3A_94 step %scan3A_95  : i32 {
      %get3A = arith.index_cast %scan3A_187 : i32 to index
      %get3A_188 = arith.constant 0 : index
      %get3A_189 = tpu.vector_load %arg10[%get3A, %get3A_188] {strides = array<i32>} : memref<80x128xf32, #tpu.memory_space<vmem>>, vector<1x16xf32>,
      %get3A_190 = vector.shape_cast %get3A_189 : vector<1x16xf32> to vector<16xf32>
      %add3A_191 = arith.constant 160 : i32
      %add3A_192 = arith.addi %add3A_191, %scan3A_187 : i32
      %get3A_193 = arith.index_cast %add3A_192 : i32 to index
      %get3A_194 = arith.constant 0 : index
      %get3A_195 = tpu.vector_load %arg6[%get3A_193, %get3A_194] {strides = array<i32>} : memref<200x128xf32, #tpu.memory_space<vmem>>, vector<1x16xf32>,
      %get3A_196 = vector.shape_cast %get3A_195 : vector<1x16xf32> to vector<16xf32>
      %add3A_197 = arith.addf %get3A_190, %get3A_196 : vector<16xf32>
      %swap3A = arith.index_cast %scan3A_187 : i32 to index
      %swap3A_198 = arith.constant 0 : index
      %swap3A_199 = tpu.vector_load %arg10[%swap3A, %swap3A_198] {strides = array<i32>} : memref<80x128xf32, #tpu.memory_space<vmem>>, vector<1x16xf32>,
      %swap3A_200 = vector.shape_cast %swap3A_199 : vector<1x16xf32> to vector<16xf32>
      %swap3A_201 = vector.shape_cast %add3A_197 : vector<16xf32> to vector<1x16xf32>
      tpu.vector_store %arg10[%swap3A, %swap3A_198], %swap3A_201 {strides = array<i32>} : memref<80x128xf32, #tpu.memory_space<vmem>>, vector<1x16xf32>,
      %get3A_202 = arith.index_cast %scan3A_187 : i32 to index
      %get3A_203 = arith.constant 16 : index
      %get3A_204 = tpu.vector_load %arg10[%get3A_202, %get3A_203] {strides = array<i32>} : memref<80x128xf32, #tpu.memory_space<vmem>>, vector<1x16xf32>,
      %get3A_205 = vector.shape_cast %get3A_204 : vector<1x16xf32> to vector<16xf32>
      %add3A_206 = arith.constant 160 : i32
      %add3A_207 = arith.addi %add3A_206, %scan3A_187 : i32
      %get3A_208 = arith.index_cast %add3A_207 : i32 to index
      %get3A_209 = arith.constant 16 : index
      %get3A_210 = tpu.vector_load %arg6[%get3A_208, %get3A_209] {strides = array<i32>} : memref<200x128xf32, #tpu.memory_space<vmem>>, vector<1x16xf32>,
      %get3A_211 = vector.shape_cast %get3A_210 : vector<1x16xf32> to vector<16xf32>
      %add3A_212 = arith.addf %get3A_205, %get3A_211 : vector<16xf32>
      %swap3A_213 = arith.index_cast %scan3A_187 : i32 to index
      %swap3A_214 = arith.constant 16 : index
      %swap3A_215 = tpu.vector_load %arg10[%swap3A_213, %swap3A_214] {strides = array<i32>} : memref<80x128xf32, #tpu.memory_space<vmem>>, vector<1x16xf32>,
      %swap3A_216 = vector.shape_cast %swap3A_215 : vector<1x16xf32> to vector<16xf32>
      %swap3A_217 = vector.shape_cast %add3A_212 : vector<16xf32> to vector<1x16xf32>
      tpu.vector_store %arg10[%swap3A_213, %swap3A_214], %swap3A_217 {strides = array<i32>} : memref<80x128xf32, #tpu.memory_space<vmem>>, vector<1x16xf32>,
      %get3A_218 = arith.index_cast %scan3A_187 : i32 to index
      %get3A_219 = arith.constant 32 : index
      %get3A_220 = tpu.vector_load %arg10[%get3A_218, %get3A_219] {strides = array<i32>} : memref<80x128xf32, #tpu.memory_space<vmem>>, vector<1x16xf32>,
      %get3A_221 = vector.shape_cast %get3A_220 : vector<1x16xf32> to vector<16xf32>
      %add3A_222 = arith.constant 160 : i32
      %add3A_223 = arith.addi %add3A_222, %scan3A_187 : i32
      %get3A_224 = arith.index_cast %add3A_223 : i32 to index
      %get3A_225 = arith.constant 32 : index
      %get3A_226 = tpu.vector_load %arg6[%get3A_224, %get3A_225] {strides = array<i32>} : memref<200x128xf32, #tpu.memory_space<vmem>>, vector<1x16xf32>,
      %get3A_227 = vector.shape_cast %get3A_226 : vector<1x16xf32> to vector<16xf32>
      %add3A_228 = arith.addf %get3A_221, %get3A_227 : vector<16xf32>
      %swap3A_229 = arith.index_cast %scan3A_187 : i32 to index
      %swap3A_230 = arith.constant 32 : index
      %swap3A_231 = tpu.vector_load %arg10[%swap3A_229, %swap3A_230] {strides = array<i32>} : memref<80x128xf32, #tpu.memory_space<vmem>>, vector<1x16xf32>,
      %swap3A_232 = vector.shape_cast %swap3A_231 : vector<1x16xf32> to vector<16xf32>
      %swap3A_233 = vector.shape_cast %add3A_228 : vector<16xf32> to vector<1x16xf32>
      tpu.vector_store %arg10[%swap3A_229, %swap3A_230], %swap3A_233 {strides = array<i32>} : memref<80x128xf32, #tpu.memory_space<vmem>>, vector<1x16xf32>,
      %get3A_234 = arith.index_cast %scan3A_187 : i32 to index
      %get3A_235 = arith.constant 48 : index
      %get3A_236 = tpu.vector_load %arg10[%get3A_234, %get3A_235] {strides = array<i32>} : memref<80x128xf32, #tpu.memory_space<vmem>>, vector<1x16xf32>,
      %get3A_237 = vector.shape_cast %get3A_236 : vector<1x16xf32> to vector<16xf32>
      %add3A_238 = arith.constant 160 : i32
      %add3A_239 = arith.addi %add3A_238, %scan3A_187 : i32
      %get3A_240 = arith.index_cast %add3A_239 : i32 to index
      %get3A_241 = arith.constant 48 : index
      %get3A_242 = tpu.vector_load %arg6[%get3A_240, %get3A_241] {strides = array<i32>} : memref<200x128xf32, #tpu.memory_space<vmem>>, vector<1x16xf32>,
      %get3A_243 = vector.shape_cast %get3A_242 : vector<1x16xf32> to vector<16xf32>
      %add3A_244 = arith.addf %get3A_237, %get3A_243 : vector<16xf32>
      %swap3A_245 = arith.index_cast %scan3A_187 : i32 to index
      %swap3A_246 = arith.constant 48 : index
      %swap3A_247 = tpu.vector_load %arg10[%swap3A_245, %swap3A_246] {strides = array<i32>} : memref<80x128xf32, #tpu.memory_space<vmem>>, vector<1x16xf32>,
      %swap3A_248 = vector.shape_cast %swap3A_247 : vector<1x16xf32> to vector<16xf32>
      %swap3A_249 = vector.shape_cast %add3A_244 : vector<16xf32> to vector<1x16xf32>
      tpu.vector_store %arg10[%swap3A_245, %swap3A_246], %swap3A_249 {strides = array<i32>} : memref<80x128xf32, #tpu.memory_space<vmem>>, vector<1x16xf32>,
      %get3A_250 = arith.index_cast %scan3A_187 : i32 to index
      %get3A_251 = arith.constant 64 : index
      %get3A_252 = tpu.vector_load %arg10[%get3A_250, %get3A_251] {strides = array<i32>} : memref<80x128xf32, #tpu.memory_space<vmem>>, vector<1x16xf32>,
      %get3A_253 = vector.shape_cast %get3A_252 : vector<1x16xf32> to vector<16xf32>
      %add3A_254 = arith.constant 160 : i32
      %add3A_255 = arith.addi %add3A_254, %scan3A_187 : i32
      %get3A_256 = arith.index_cast %add3A_255 : i32 to index
      %get3A_257 = arith.constant 64 : index
      %get3A_258 = tpu.vector_load %arg6[%get3A_256, %get3A_257] {strides = array<i32>} : memref<200x128xf32, #tpu.memory_space<vmem>>, vector<1x16xf32>,
      %get3A_259 = vector.shape_cast %get3A_258 : vector<1x16xf32> to vector<16xf32>
      %add3A_260 = arith.addf %get3A_253, %get3A_259 : vector<16xf32>
      %swap3A_261 = arith.index_cast %scan3A_187 : i32 to index
      %swap3A_262 = arith.constant 64 : index
      %swap3A_263 = tpu.vector_load %arg10[%swap3A_261, %swap3A_262] {strides = array<i32>} : memref<80x128xf32, #tpu.memory_space<vmem>>, vector<1x16xf32>,
      %swap3A_264 = vector.shape_cast %swap3A_263 : vector<1x16xf32> to vector<16xf32>
      %swap3A_265 = vector.shape_cast %add3A_260 : vector<16xf32> to vector<1x16xf32>
      tpu.vector_store %arg10[%swap3A_261, %swap3A_262], %swap3A_265 {strides = array<i32>} : memref<80x128xf32, #tpu.memory_space<vmem>>, vector<1x16xf32>,
      %get3A_266 = arith.index_cast %scan3A_187 : i32 to index
      %get3A_267 = arith.constant 80 : index
      %get3A_268 = tpu.vector_load %arg10[%get3A_266, %get3A_267] {strides = array<i32>} : memref<80x128xf32, #tpu.memory_space<vmem>>, vector<1x16xf32>,
      %get3A_269 = vector.shape_cast %get3A_268 : vector<1x16xf32> to vector<16xf32>
      %add3A_270 = arith.constant 160 : i32
      %add3A_271 = arith.addi %add3A_270, %scan3A_187 : i32
      %get3A_272 = arith.index_cast %add3A_271 : i32 to index
      %get3A_273 = arith.constant 80 : index
      %get3A_274 = tpu.vector_load %arg6[%get3A_272, %get3A_273] {strides = array<i32>} : memref<200x128xf32, #tpu.memory_space<vmem>>, vector<1x16xf32>,
      %get3A_275 = vector.shape_cast %get3A_274 : vector<1x16xf32> to vector<16xf32>
      %add3A_276 = arith.addf %get3A_269, %get3A_275 : vector<16xf32>
      %swap3A_277 = arith.index_cast %scan3A_187 : i32 to index
      %swap3A_278 = arith.constant 80 : index
      %swap3A_279 = tpu.vector_load %arg10[%swap3A_277, %swap3A_278] {strides = array<i32>} : memref<80x128xf32, #tpu.memory_space<vmem>>, vector<1x16xf32>,
      %swap3A_280 = vector.shape_cast %swap3A_279 : vector<1x16xf32> to vector<16xf32>
      %swap3A_281 = vector.shape_cast %add3A_276 : vector<16xf32> to vector<1x16xf32>
      tpu.vector_store %arg10[%swap3A_277, %swap3A_278], %swap3A_281 {strides = array<i32>} : memref<80x128xf32, #tpu.memory_space<vmem>>, vector<1x16xf32>,
      %get3A_282 = arith.index_cast %scan3A_187 : i32 to index
      %get3A_283 = arith.constant 96 : index
      %get3A_284 = tpu.vector_load %arg10[%get3A_282, %get3A_283] {strides = array<i32>} : memref<80x128xf32, #tpu.memory_space<vmem>>, vector<1x16xf32>,
      %get3A_285 = vector.shape_cast %get3A_284 : vector<1x16xf32> to vector<16xf32>
      %add3A_286 = arith.constant 160 : i32
      %add3A_287 = arith.addi %add3A_286, %scan3A_187 : i32
      %get3A_288 = arith.index_cast %add3A_287 : i32 to index
      %get3A_289 = arith.constant 96 : index
      %get3A_290 = tpu.vector_load %arg6[%get3A_288, %get3A_289] {strides = array<i32>} : memref<200x128xf32, #tpu.memory_space<vmem>>, vector<1x16xf32>,
      %get3A_291 = vector.shape_cast %get3A_290 : vector<1x16xf32> to vector<16xf32>
      %add3A_292 = arith.addf %get3A_285, %get3A_291 : vector<16xf32>
      %swap3A_293 = arith.index_cast %scan3A_187 : i32 to index
      %swap3A_294 = arith.constant 96 : index
      %swap3A_295 = tpu.vector_load %arg10[%swap3A_293, %swap3A_294] {strides = array<i32>} : memref<80x128xf32, #tpu.memory_space<vmem>>, vector<1x16xf32>,
      %swap3A_296 = vector.shape_cast %swap3A_295 : vector<1x16xf32> to vector<16xf32>
      %swap3A_297 = vector.shape_cast %add3A_292 : vector<16xf32> to vector<1x16xf32>
      tpu.vector_store %arg10[%swap3A_293, %swap3A_294], %swap3A_297 {strides = array<i32>} : memref<80x128xf32, #tpu.memory_space<vmem>>, vector<1x16xf32>,
      %get3A_298 = arith.index_cast %scan3A_187 : i32 to index
      %get3A_299 = arith.constant 112 : index
      %get3A_300 = tpu.vector_load %arg10[%get3A_298, %get3A_299] {strides = array<i32>} : memref<80x128xf32, #tpu.memory_space<vmem>>, vector<1x16xf32>,
      %get3A_301 = vector.shape_cast %get3A_300 : vector<1x16xf32> to vector<16xf32>
      %add3A_302 = arith.constant 160 : i32
      %add3A_303 = arith.addi %add3A_302, %scan3A_187 : i32
      %get3A_304 = arith.index_cast %add3A_303 : i32 to index
      %get3A_305 = arith.constant 112 : index
      %get3A_306 = tpu.vector_load %arg6[%get3A_304, %get3A_305] {strides = array<i32>} : memref<200x128xf32, #tpu.memory_space<vmem>>, vector<1x16xf32>,
      %get3A_307 = vector.shape_cast %get3A_306 : vector<1x16xf32> to vector<16xf32>
      %add3A_308 = arith.addf %get3A_301, %get3A_307 : vector<16xf32>
      %swap3A_309 = arith.index_cast %scan3A_187 : i32 to index
      %swap3A_310 = arith.constant 112 : index
      %swap3A_311 = tpu.vector_load %arg10[%swap3A_309, %swap3A_310] {strides = array<i32>} : memref<80x128xf32, #tpu.memory_space<vmem>>, vector<1x16xf32>,
      %swap3A_312 = vector.shape_cast %swap3A_311 : vector<1x16xf32> to vector<16xf32>
      %swap3A_313 = vector.shape_cast %add3A_308 : vector<16xf32> to vector<1x16xf32>
      tpu.vector_store %arg10[%swap3A_309, %swap3A_310], %swap3A_313 {strides = array<i32>} : memref<80x128xf32, #tpu.memory_space<vmem>>, vector<1x16xf32>,
    }
    %scan3A_96 = arith.constant 40 : i32
    %scan3A_97 = arith.constant 0 : i32
    %scan3A_98 = arith.constant 40 : i32
    %scan3A_99 = arith.constant 40 : i32
    %scan3A_100 = arith.addi %scan3A_98, %scan3A_99 : i32
    %scan3A_101 = arith.constant 1 : i32
    scf.for %scan3A_187 = %scan3A_98 to %scan3A_100 step %scan3A_101  : i32 {
      %get3A = arith.index_cast %scan3A_187 : i32 to index
      %get3A_188 = arith.constant 0 : index
      %get3A_189 = tpu.vector_load %arg10[%get3A, %get3A_188] {strides = array<i32>} : memref<80x128xf32, #tpu.memory_space<vmem>>, vector<1x16xf32>,
      %get3A_190 = vector.shape_cast %get3A_189 : vector<1x16xf32> to vector<16xf32>
      %add3A_191 = arith.constant -40 : i32
      %add3A_192 = arith.addi %add3A_191, %scan3A_187 : i32
      %get3A_193 = arith.index_cast %add3A_192 : i32 to index
      %get3A_194 = arith.constant 0 : index
      %get3A_195 = tpu.vector_load %arg6[%get3A_193, %get3A_194] {strides = array<i32>} : memref<200x128xf32, #tpu.memory_space<vmem>>, vector<1x16xf32>,
      %get3A_196 = vector.shape_cast %get3A_195 : vector<1x16xf32> to vector<16xf32>
      %add3A_197 = arith.addf %get3A_190, %get3A_196 : vector<16xf32>
      %swap3A = arith.index_cast %scan3A_187 : i32 to index
      %swap3A_198 = arith.constant 0 : index
      %swap3A_199 = tpu.vector_load %arg10[%swap3A, %swap3A_198] {strides = array<i32>} : memref<80x128xf32, #tpu.memory_space<vmem>>, vector<1x16xf32>,
      %swap3A_200 = vector.shape_cast %swap3A_199 : vector<1x16xf32> to vector<16xf32>
      %swap3A_201 = vector.shape_cast %add3A_197 : vector<16xf32> to vector<1x16xf32>
      tpu.vector_store %arg10[%swap3A, %swap3A_198], %swap3A_201 {strides = array<i32>} : memref<80x128xf32, #tpu.memory_space<vmem>>, vector<1x16xf32>,
      %get3A_202 = arith.index_cast %scan3A_187 : i32 to index
      %get3A_203 = arith.constant 16 : index
      %get3A_204 = tpu.vector_load %arg10[%get3A_202, %get3A_203] {strides = array<i32>} : memref<80x128xf32, #tpu.memory_space<vmem>>, vector<1x16xf32>,
      %get3A_205 = vector.shape_cast %get3A_204 : vector<1x16xf32> to vector<16xf32>
      %add3A_206 = arith.constant -40 : i32
      %add3A_207 = arith.addi %add3A_206, %scan3A_187 : i32
      %get3A_208 = arith.index_cast %add3A_207 : i32 to index
      %get3A_209 = arith.constant 16 : index
      %get3A_210 = tpu.vector_load %arg6[%get3A_208, %get3A_209] {strides = array<i32>} : memref<200x128xf32, #tpu.memory_space<vmem>>, vector<1x16xf32>,
      %get3A_211 = vector.shape_cast %get3A_210 : vector<1x16xf32> to vector<16xf32>
      %add3A_212 = arith.addf %get3A_205, %get3A_211 : vector<16xf32>
      %swap3A_213 = arith.index_cast %scan3A_187 : i32 to index
      %swap3A_214 = arith.constant 16 : index
      %swap3A_215 = tpu.vector_load %arg10[%swap3A_213, %swap3A_214] {strides = array<i32>} : memref<80x128xf32, #tpu.memory_space<vmem>>, vector<1x16xf32>,
      %swap3A_216 = vector.shape_cast %swap3A_215 : vector<1x16xf32> to vector<16xf32>
      %swap3A_217 = vector.shape_cast %add3A_212 : vector<16xf32> to vector<1x16xf32>
      tpu.vector_store %arg10[%swap3A_213, %swap3A_214], %swap3A_217 {strides = array<i32>} : memref<80x128xf32, #tpu.memory_space<vmem>>, vector<1x16xf32>,
      %get3A_218 = arith.index_cast %scan3A_187 : i32 to index
      %get3A_219 = arith.constant 32 : index
      %get3A_220 = tpu.vector_load %arg10[%get3A_218, %get3A_219] {strides = array<i32>} : memref<80x128xf32, #tpu.memory_space<vmem>>, vector<1x16xf32>,
      %get3A_221 = vector.shape_cast %get3A_220 : vector<1x16xf32> to vector<16xf32>
      %add3A_222 = arith.constant -40 : i32
      %add3A_223 = arith.addi %add3A_222, %scan3A_187 : i32
      %get3A_224 = arith.index_cast %add3A_223 : i32 to index
      %get3A_225 = arith.constant 32 : index
      %get3A_226 = tpu.vector_load %arg6[%get3A_224, %get3A_225] {strides = array<i32>} : memref<200x128xf32, #tpu.memory_space<vmem>>, vector<1x16xf32>,
      %get3A_227 = vector.shape_cast %get3A_226 : vector<1x16xf32> to vector<16xf32>
      %add3A_228 = arith.addf %get3A_221, %get3A_227 : vector<16xf32>
      %swap3A_229 = arith.index_cast %scan3A_187 : i32 to index
      %swap3A_230 = arith.constant 32 : index
      %swap3A_231 = tpu.vector_load %arg10[%swap3A_229, %swap3A_230] {strides = array<i32>} : memref<80x128xf32, #tpu.memory_space<vmem>>, vector<1x16xf32>,
      %swap3A_232 = vector.shape_cast %swap3A_231 : vector<1x16xf32> to vector<16xf32>
      %swap3A_233 = vector.shape_cast %add3A_228 : vector<16xf32> to vector<1x16xf32>
      tpu.vector_store %arg10[%swap3A_229, %swap3A_230], %swap3A_233 {strides = array<i32>} : memref<80x128xf32, #tpu.memory_space<vmem>>, vector<1x16xf32>,
      %get3A_234 = arith.index_cast %scan3A_187 : i32 to index
      %get3A_235 = arith.constant 48 : index
      %get3A_236 = tpu.vector_load %arg10[%get3A_234, %get3A_235] {strides = array<i32>} : memref<80x128xf32, #tpu.memory_space<vmem>>, vector<1x16xf32>,
      %get3A_237 = vector.shape_cast %get3A_236 : vector<1x16xf32> to vector<16xf32>
      %add3A_238 = arith.constant -40 : i32
      %add3A_239 = arith.addi %add3A_238, %scan3A_187 : i32
      %get3A_240 = arith.index_cast %add3A_239 : i32 to index
      %get3A_241 = arith.constant 48 : index
      %get3A_242 = tpu.vector_load %arg6[%get3A_240, %get3A_241] {strides = array<i32>} : memref<200x128xf32, #tpu.memory_space<vmem>>, vector<1x16xf32>,
      %get3A_243 = vector.shape_cast %get3A_242 : vector<1x16xf32> to vector<16xf32>
      %add3A_244 = arith.addf %get3A_237, %get3A_243 : vector<16xf32>
      %swap3A_245 = arith.index_cast %scan3A_187 : i32 to index
      %swap3A_246 = arith.constant 48 : index
      %swap3A_247 = tpu.vector_load %arg10[%swap3A_245, %swap3A_246] {strides = array<i32>} : memref<80x128xf32, #tpu.memory_space<vmem>>, vector<1x16xf32>,
      %swap3A_248 = vector.shape_cast %swap3A_247 : vector<1x16xf32> to vector<16xf32>
      %swap3A_249 = vector.shape_cast %add3A_244 : vector<16xf32> to vector<1x16xf32>
      tpu.vector_store %arg10[%swap3A_245, %swap3A_246], %swap3A_249 {strides = array<i32>} : memref<80x128xf32, #tpu.memory_space<vmem>>, vector<1x16xf32>,
      %get3A_250 = arith.index_cast %scan3A_187 : i32 to index
      %get3A_251 = arith.constant 64 : index
      %get3A_252 = tpu.vector_load %arg10[%get3A_250, %get3A_251] {strides = array<i32>} : memref<80x128xf32, #tpu.memory_space<vmem>>, vector<1x16xf32>,
      %get3A_253 = vector.shape_cast %get3A_252 : vector<1x16xf32> to vector<16xf32>
      %add3A_254 = arith.constant -40 : i32
      %add3A_255 = arith.addi %add3A_254, %scan3A_187 : i32
      %get3A_256 = arith.index_cast %add3A_255 : i32 to index
      %get3A_257 = arith.constant 64 : index
      %get3A_258 = tpu.vector_load %arg6[%get3A_256, %get3A_257] {strides = array<i32>} : memref<200x128xf32, #tpu.memory_space<vmem>>, vector<1x16xf32>,
      %get3A_259 = vector.shape_cast %get3A_258 : vector<1x16xf32> to vector<16xf32>
      %add3A_260 = arith.addf %get3A_253, %get3A_259 : vector<16xf32>
      %swap3A_261 = arith.index_cast %scan3A_187 : i32 to index
      %swap3A_262 = arith.constant 64 : index
      %swap3A_263 = tpu.vector_load %arg10[%swap3A_261, %swap3A_262] {strides = array<i32>} : memref<80x128xf32, #tpu.memory_space<vmem>>, vector<1x16xf32>,
      %swap3A_264 = vector.shape_cast %swap3A_263 : vector<1x16xf32> to vector<16xf32>
      %swap3A_265 = vector.shape_cast %add3A_260 : vector<16xf32> to vector<1x16xf32>
      tpu.vector_store %arg10[%swap3A_261, %swap3A_262], %swap3A_265 {strides = array<i32>} : memref<80x128xf32, #tpu.memory_space<vmem>>, vector<1x16xf32>,
      %get3A_266 = arith.index_cast %scan3A_187 : i32 to index
      %get3A_267 = arith.constant 80 : index
      %get3A_268 = tpu.vector_load %arg10[%get3A_266, %get3A_267] {strides = array<i32>} : memref<80x128xf32, #tpu.memory_space<vmem>>, vector<1x16xf32>,
      %get3A_269 = vector.shape_cast %get3A_268 : vector<1x16xf32> to vector<16xf32>
      %add3A_270 = arith.constant -40 : i32
      %add3A_271 = arith.addi %add3A_270, %scan3A_187 : i32
      %get3A_272 = arith.index_cast %add3A_271 : i32 to index
      %get3A_273 = arith.constant 80 : index
      %get3A_274 = tpu.vector_load %arg6[%get3A_272, %get3A_273] {strides = array<i32>} : memref<200x128xf32, #tpu.memory_space<vmem>>, vector<1x16xf32>,
      %get3A_275 = vector.shape_cast %get3A_274 : vector<1x16xf32> to vector<16xf32>
      %add3A_276 = arith.addf %get3A_269, %get3A_275 : vector<16xf32>
      %swap3A_277 = arith.index_cast %scan3A_187 : i32 to index
      %swap3A_278 = arith.constant 80 : index
      %swap3A_279 = tpu.vector_load %arg10[%swap3A_277, %swap3A_278] {strides = array<i32>} : memref<80x128xf32, #tpu.memory_space<vmem>>, vector<1x16xf32>,
      %swap3A_280 = vector.shape_cast %swap3A_279 : vector<1x16xf32> to vector<16xf32>
      %swap3A_281 = vector.shape_cast %add3A_276 : vector<16xf32> to vector<1x16xf32>
      tpu.vector_store %arg10[%swap3A_277, %swap3A_278], %swap3A_281 {strides = array<i32>} : memref<80x128xf32, #tpu.memory_space<vmem>>, vector<1x16xf32>,
      %get3A_282 = arith.index_cast %scan3A_187 : i32 to index
      %get3A_283 = arith.constant 96 : index
      %get3A_284 = tpu.vector_load %arg10[%get3A_282, %get3A_283] {strides = array<i32>} : memref<80x128xf32, #tpu.memory_space<vmem>>, vector<1x16xf32>,
      %get3A_285 = vector.shape_cast %get3A_284 : vector<1x16xf32> to vector<16xf32>
      %add3A_286 = arith.constant -40 : i32
      %add3A_287 = arith.addi %add3A_286, %scan3A_187 : i32
      %get3A_288 = arith.index_cast %add3A_287 : i32 to index
      %get3A_289 = arith.constant 96 : index
      %get3A_290 = tpu.vector_load %arg6[%get3A_288, %get3A_289] {strides = array<i32>} : memref<200x128xf32, #tpu.memory_space<vmem>>, vector<1x16xf32>,
      %get3A_291 = vector.shape_cast %get3A_290 : vector<1x16xf32> to vector<16xf32>
      %add3A_292 = arith.addf %get3A_285, %get3A_291 : vector<16xf32>
      %swap3A_293 = arith.index_cast %scan3A_187 : i32 to index
      %swap3A_294 = arith.constant 96 : index
      %swap3A_295 = tpu.vector_load %arg10[%swap3A_293, %swap3A_294] {strides = array<i32>} : memref<80x128xf32, #tpu.memory_space<vmem>>, vector<1x16xf32>,
      %swap3A_296 = vector.shape_cast %swap3A_295 : vector<1x16xf32> to vector<16xf32>
      %swap3A_297 = vector.shape_cast %add3A_292 : vector<16xf32> to vector<1x16xf32>
      tpu.vector_store %arg10[%swap3A_293, %swap3A_294], %swap3A_297 {strides = array<i32>} : memref<80x128xf32, #tpu.memory_space<vmem>>, vector<1x16xf32>,
      %get3A_298 = arith.index_cast %scan3A_187 : i32 to index
      %get3A_299 = arith.constant 112 : index
      %get3A_300 = tpu.vector_load %arg10[%get3A_298, %get3A_299] {strides = array<i32>} : memref<80x128xf32, #tpu.memory_space<vmem>>, vector<1x16xf32>,
      %get3A_301 = vector.shape_cast %get3A_300 : vector<1x16xf32> to vector<16xf32>
      %add3A_302 = arith.constant -40 : i32
      %add3A_303 = arith.addi %add3A_302, %scan3A_187 : i32
      %get3A_304 = arith.index_cast %add3A_303 : i32 to index
      %get3A_305 = arith.constant 112 : index
      %get3A_306 = tpu.vector_load %arg6[%get3A_304, %get3A_305] {strides = array<i32>} : memref<200x128xf32, #tpu.memory_space<vmem>>, vector<1x16xf32>,
      %get3A_307 = vector.shape_cast %get3A_306 : vector<1x16xf32> to vector<16xf32>
      %add3A_308 = arith.addf %get3A_301, %get3A_307 : vector<16xf32>
      %swap3A_309 = arith.index_cast %scan3A_187 : i32 to index
      %swap3A_310 = arith.constant 112 : index
      %swap3A_311 = tpu.vector_load %arg10[%swap3A_309, %swap3A_310] {strides = array<i32>} : memref<80x128xf32, #tpu.memory_space<vmem>>, vector<1x16xf32>,
      %swap3A_312 = vector.shape_cast %swap3A_311 : vector<1x16xf32> to vector<16xf32>
      %swap3A_313 = vector.shape_cast %add3A_308 : vector<16xf32> to vector<1x16xf32>
      tpu.vector_store %arg10[%swap3A_309, %swap3A_310], %swap3A_313 {strides = array<i32>} : memref<80x128xf32, #tpu.memory_space<vmem>>, vector<1x16xf32>,
    }
    %scan3A_102 = arith.constant 40 : i32
    %mul3A_103 = arith.constant 32 : i32
    %mul3A_104 = arith.muli %add3A, %mul3A_103 : i32
    %mul3A_105 = arith.constant 200 : i32
    %mul3A_106 = arith.muli %mul3A_104, %mul3A_105 : i32
    %add3A_107 = arith.constant 6160 : i32
    %add3A_108 = arith.addi %mul3A_106, %add3A_107 : i32
    %dma_start3A_109 = arith.constant 0 : i32
    %dma_start3A_110 = tpu.memref_slice %arg5[%add3A_108, %dma_start3A_109] : memref<204800x128xf32, #tpu.memory_space<hbm>> -> memref<80x128xf32, #tpu.memory_space<hbm>>
    %dma_start3A_111 = arith.constant 0 : i32
    %dma_start3A_112 = tpu.memref_slice %arg5[%add3A_108, %dma_start3A_111] : memref<204800x128xf32, #tpu.memory_space<hbm>> -> memref<80x128xf32, #tpu.memory_space<hbm>>
    tpu.enqueue_dma source(%arg10 : memref<80x128xf32, #tpu.memory_space<vmem>>) target(%dma_start3A_112 : memref<80x128xf32, #tpu.memory_space<hbm>>) target_semaphore(%arg20 : memref<!tpu.dma_semaphore, #tpu.memory_space<semaphore_mem>>)
    %dma_wait3A_113 = arith.constant 0 : i32
    %dma_wait3A_114 = arith.constant 0 : i32
    %dma_wait3A_115 = tpu.memref_slice %arg3[%dma_wait3A_113, %dma_wait3A_114] : memref<100000x128xf32, #tpu.memory_space<hbm>> -> memref<80x128xf32, #tpu.memory_space<hbm>>
    %dma_wait3A_116 = arith.constant 0 : i32
    %dma_wait3A_117 = arith.constant 0 : i32
    %dma_wait3A_118 = tpu.memref_slice %arg3[%dma_wait3A_116, %dma_wait3A_117] : memref<100000x128xf32, #tpu.memory_space<hbm>> -> memref<80x128xf32, #tpu.memory_space<hbm>>
    tpu.wait_dma2 semaphore(%arg16 : memref<!tpu.dma_semaphore, #tpu.memory_space<semaphore_mem>>) src(%dma_wait3A_118 : memref<80x128xf32, #tpu.memory_space<hbm>>) dst(%arg11 : memref<80x128xf32, #tpu.memory_space<vmem>>)
    %scan3A_119 = arith.constant 0 : i32
    %scan3A_120 = arith.constant 0 : i32
    %scan3A_121 = arith.constant 80 : i32
    %scan3A_122 = arith.addi %scan3A_120, %scan3A_121 : i32
    %scan3A_123 = arith.constant 1 : i32
    scf.for %scan3A_187 = %scan3A_120 to %scan3A_122 step %scan3A_123  : i32 {
      %get3A = arith.index_cast %scan3A_187 : i32 to index
      %get3A_188 = arith.constant 0 : index
      %get3A_189 = tpu.vector_load %arg11[%get3A, %get3A_188] {strides = array<i32>} : memref<80x128xf32, #tpu.memory_space<vmem>>, vector<1x16xf32>,
      %get3A_190 = vector.shape_cast %get3A_189 : vector<1x16xf32> to vector<16xf32>
      %add3A_191 = arith.constant 40 : i32
      %add3A_192 = arith.addi %add3A_191, %scan3A_187 : i32
      %get3A_193 = arith.index_cast %add3A_192 : i32 to index
      %get3A_194 = arith.constant 0 : index
      %get3A_195 = tpu.vector_load %arg6[%get3A_193, %get3A_194] {strides = array<i32>} : memref<200x128xf32, #tpu.memory_space<vmem>>, vector<1x16xf32>,
      %get3A_196 = vector.shape_cast %get3A_195 : vector<1x16xf32> to vector<16xf32>
      %add3A_197 = arith.addf %get3A_190, %get3A_196 : vector<16xf32>
      %swap3A = arith.index_cast %scan3A_187 : i32 to index
      %swap3A_198 = arith.constant 0 : index
      %swap3A_199 = tpu.vector_load %arg11[%swap3A, %swap3A_198] {strides = array<i32>} : memref<80x128xf32, #tpu.memory_space<vmem>>, vector<1x16xf32>,
      %swap3A_200 = vector.shape_cast %swap3A_199 : vector<1x16xf32> to vector<16xf32>
      %swap3A_201 = vector.shape_cast %add3A_197 : vector<16xf32> to vector<1x16xf32>
      tpu.vector_store %arg11[%swap3A, %swap3A_198], %swap3A_201 {strides = array<i32>} : memref<80x128xf32, #tpu.memory_space<vmem>>, vector<1x16xf32>,
      %get3A_202 = arith.index_cast %scan3A_187 : i32 to index
      %get3A_203 = arith.constant 16 : index
      %get3A_204 = tpu.vector_load %arg11[%get3A_202, %get3A_203] {strides = array<i32>} : memref<80x128xf32, #tpu.memory_space<vmem>>, vector<1x16xf32>,
      %get3A_205 = vector.shape_cast %get3A_204 : vector<1x16xf32> to vector<16xf32>
      %add3A_206 = arith.constant 40 : i32
      %add3A_207 = arith.addi %add3A_206, %scan3A_187 : i32
      %get3A_208 = arith.index_cast %add3A_207 : i32 to index
      %get3A_209 = arith.constant 16 : index
      %get3A_210 = tpu.vector_load %arg6[%get3A_208, %get3A_209] {strides = array<i32>} : memref<200x128xf32, #tpu.memory_space<vmem>>, vector<1x16xf32>,
      %get3A_211 = vector.shape_cast %get3A_210 : vector<1x16xf32> to vector<16xf32>
      %add3A_212 = arith.addf %get3A_205, %get3A_211 : vector<16xf32>
      %swap3A_213 = arith.index_cast %scan3A_187 : i32 to index
      %swap3A_214 = arith.constant 16 : index
      %swap3A_215 = tpu.vector_load %arg11[%swap3A_213, %swap3A_214] {strides = array<i32>} : memref<80x128xf32, #tpu.memory_space<vmem>>, vector<1x16xf32>,
      %swap3A_216 = vector.shape_cast %swap3A_215 : vector<1x16xf32> to vector<16xf32>
      %swap3A_217 = vector.shape_cast %add3A_212 : vector<16xf32> to vector<1x16xf32>
      tpu.vector_store %arg11[%swap3A_213, %swap3A_214], %swap3A_217 {strides = array<i32>} : memref<80x128xf32, #tpu.memory_space<vmem>>, vector<1x16xf32>,
      %get3A_218 = arith.index_cast %scan3A_187 : i32 to index
      %get3A_219 = arith.constant 32 : index
      %get3A_220 = tpu.vector_load %arg11[%get3A_218, %get3A_219] {strides = array<i32>} : memref<80x128xf32, #tpu.memory_space<vmem>>, vector<1x16xf32>,
      %get3A_221 = vector.shape_cast %get3A_220 : vector<1x16xf32> to vector<16xf32>
      %add3A_222 = arith.constant 40 : i32
      %add3A_223 = arith.addi %add3A_222, %scan3A_187 : i32
      %get3A_224 = arith.index_cast %add3A_223 : i32 to index
      %get3A_225 = arith.constant 32 : index
      %get3A_226 = tpu.vector_load %arg6[%get3A_224, %get3A_225] {strides = array<i32>} : memref<200x128xf32, #tpu.memory_space<vmem>>, vector<1x16xf32>,
      %get3A_227 = vector.shape_cast %get3A_226 : vector<1x16xf32> to vector<16xf32>
      %add3A_228 = arith.addf %get3A_221, %get3A_227 : vector<16xf32>
      %swap3A_229 = arith.index_cast %scan3A_187 : i32 to index
      %swap3A_230 = arith.constant 32 : index
      %swap3A_231 = tpu.vector_load %arg11[%swap3A_229, %swap3A_230] {strides = array<i32>} : memref<80x128xf32, #tpu.memory_space<vmem>>, vector<1x16xf32>,
      %swap3A_232 = vector.shape_cast %swap3A_231 : vector<1x16xf32> to vector<16xf32>
      %swap3A_233 = vector.shape_cast %add3A_228 : vector<16xf32> to vector<1x16xf32>
      tpu.vector_store %arg11[%swap3A_229, %swap3A_230], %swap3A_233 {strides = array<i32>} : memref<80x128xf32, #tpu.memory_space<vmem>>, vector<1x16xf32>,
      %get3A_234 = arith.index_cast %scan3A_187 : i32 to index
      %get3A_235 = arith.constant 48 : index
      %get3A_236 = tpu.vector_load %arg11[%get3A_234, %get3A_235] {strides = array<i32>} : memref<80x128xf32, #tpu.memory_space<vmem>>, vector<1x16xf32>,
      %get3A_237 = vector.shape_cast %get3A_236 : vector<1x16xf32> to vector<16xf32>
      %add3A_238 = arith.constant 40 : i32
      %add3A_239 = arith.addi %add3A_238, %scan3A_187 : i32
      %get3A_240 = arith.index_cast %add3A_239 : i32 to index
      %get3A_241 = arith.constant 48 : index
      %get3A_242 = tpu.vector_load %arg6[%get3A_240, %get3A_241] {strides = array<i32>} : memref<200x128xf32, #tpu.memory_space<vmem>>, vector<1x16xf32>,
      %get3A_243 = vector.shape_cast %get3A_242 : vector<1x16xf32> to vector<16xf32>
      %add3A_244 = arith.addf %get3A_237, %get3A_243 : vector<16xf32>
      %swap3A_245 = arith.index_cast %scan3A_187 : i32 to index
      %swap3A_246 = arith.constant 48 : index
      %swap3A_247 = tpu.vector_load %arg11[%swap3A_245, %swap3A_246] {strides = array<i32>} : memref<80x128xf32, #tpu.memory_space<vmem>>, vector<1x16xf32>,
      %swap3A_248 = vector.shape_cast %swap3A_247 : vector<1x16xf32> to vector<16xf32>
      %swap3A_249 = vector.shape_cast %add3A_244 : vector<16xf32> to vector<1x16xf32>
      tpu.vector_store %arg11[%swap3A_245, %swap3A_246], %swap3A_249 {strides = array<i32>} : memref<80x128xf32, #tpu.memory_space<vmem>>, vector<1x16xf32>,
      %get3A_250 = arith.index_cast %scan3A_187 : i32 to index
      %get3A_251 = arith.constant 64 : index
      %get3A_252 = tpu.vector_load %arg11[%get3A_250, %get3A_251] {strides = array<i32>} : memref<80x128xf32, #tpu.memory_space<vmem>>, vector<1x16xf32>,
      %get3A_253 = vector.shape_cast %get3A_252 : vector<1x16xf32> to vector<16xf32>
      %add3A_254 = arith.constant 40 : i32
      %add3A_255 = arith.addi %add3A_254, %scan3A_187 : i32
      %get3A_256 = arith.index_cast %add3A_255 : i32 to index
      %get3A_257 = arith.constant 64 : index
      %get3A_258 = tpu.vector_load %arg6[%get3A_256, %get3A_257] {strides = array<i32>} : memref<200x128xf32, #tpu.memory_space<vmem>>, vector<1x16xf32>,
      %get3A_259 = vector.shape_cast %get3A_258 : vector<1x16xf32> to vector<16xf32>
      %add3A_260 = arith.addf %get3A_253, %get3A_259 : vector<16xf32>
      %swap3A_261 = arith.index_cast %scan3A_187 : i32 to index
      %swap3A_262 = arith.constant 64 : index
      %swap3A_263 = tpu.vector_load %arg11[%swap3A_261, %swap3A_262] {strides = array<i32>} : memref<80x128xf32, #tpu.memory_space<vmem>>, vector<1x16xf32>,
      %swap3A_264 = vector.shape_cast %swap3A_263 : vector<1x16xf32> to vector<16xf32>
      %swap3A_265 = vector.shape_cast %add3A_260 : vector<16xf32> to vector<1x16xf32>
      tpu.vector_store %arg11[%swap3A_261, %swap3A_262], %swap3A_265 {strides = array<i32>} : memref<80x128xf32, #tpu.memory_space<vmem>>, vector<1x16xf32>,
      %get3A_266 = arith.index_cast %scan3A_187 : i32 to index
      %get3A_267 = arith.constant 80 : index
      %get3A_268 = tpu.vector_load %arg11[%get3A_266, %get3A_267] {strides = array<i32>} : memref<80x128xf32, #tpu.memory_space<vmem>>, vector<1x16xf32>,
      %get3A_269 = vector.shape_cast %get3A_268 : vector<1x16xf32> to vector<16xf32>
      %add3A_270 = arith.constant 40 : i32
      %add3A_271 = arith.addi %add3A_270, %scan3A_187 : i32
      %get3A_272 = arith.index_cast %add3A_271 : i32 to index
      %get3A_273 = arith.constant 80 : index
      %get3A_274 = tpu.vector_load %arg6[%get3A_272, %get3A_273] {strides = array<i32>} : memref<200x128xf32, #tpu.memory_space<vmem>>, vector<1x16xf32>,
      %get3A_275 = vector.shape_cast %get3A_274 : vector<1x16xf32> to vector<16xf32>
      %add3A_276 = arith.addf %get3A_269, %get3A_275 : vector<16xf32>
      %swap3A_277 = arith.index_cast %scan3A_187 : i32 to index
      %swap3A_278 = arith.constant 80 : index
      %swap3A_279 = tpu.vector_load %arg11[%swap3A_277, %swap3A_278] {strides = array<i32>} : memref<80x128xf32, #tpu.memory_space<vmem>>, vector<1x16xf32>,
      %swap3A_280 = vector.shape_cast %swap3A_279 : vector<1x16xf32> to vector<16xf32>
      %swap3A_281 = vector.shape_cast %add3A_276 : vector<16xf32> to vector<1x16xf32>
      tpu.vector_store %arg11[%swap3A_277, %swap3A_278], %swap3A_281 {strides = array<i32>} : memref<80x128xf32, #tpu.memory_space<vmem>>, vector<1x16xf32>,
      %get3A_282 = arith.index_cast %scan3A_187 : i32 to index
      %get3A_283 = arith.constant 96 : index
      %get3A_284 = tpu.vector_load %arg11[%get3A_282, %get3A_283] {strides = array<i32>} : memref<80x128xf32, #tpu.memory_space<vmem>>, vector<1x16xf32>,
      %get3A_285 = vector.shape_cast %get3A_284 : vector<1x16xf32> to vector<16xf32>
      %add3A_286 = arith.constant 40 : i32
      %add3A_287 = arith.addi %add3A_286, %scan3A_187 : i32
      %get3A_288 = arith.index_cast %add3A_287 : i32 to index
      %get3A_289 = arith.constant 96 : index
      %get3A_290 = tpu.vector_load %arg6[%get3A_288, %get3A_289] {strides = array<i32>} : memref<200x128xf32, #tpu.memory_space<vmem>>, vector<1x16xf32>,
      %get3A_291 = vector.shape_cast %get3A_290 : vector<1x16xf32> to vector<16xf32>
      %add3A_292 = arith.addf %get3A_285, %get3A_291 : vector<16xf32>
      %swap3A_293 = arith.index_cast %scan3A_187 : i32 to index
      %swap3A_294 = arith.constant 96 : index
      %swap3A_295 = tpu.vector_load %arg11[%swap3A_293, %swap3A_294] {strides = array<i32>} : memref<80x128xf32, #tpu.memory_space<vmem>>, vector<1x16xf32>,
      %swap3A_296 = vector.shape_cast %swap3A_295 : vector<1x16xf32> to vector<16xf32>
      %swap3A_297 = vector.shape_cast %add3A_292 : vector<16xf32> to vector<1x16xf32>
      tpu.vector_store %arg11[%swap3A_293, %swap3A_294], %swap3A_297 {strides = array<i32>} : memref<80x128xf32, #tpu.memory_space<vmem>>, vector<1x16xf32>,
      %get3A_298 = arith.index_cast %scan3A_187 : i32 to index
      %get3A_299 = arith.constant 112 : index
      %get3A_300 = tpu.vector_load %arg11[%get3A_298, %get3A_299] {strides = array<i32>} : memref<80x128xf32, #tpu.memory_space<vmem>>, vector<1x16xf32>,
      %get3A_301 = vector.shape_cast %get3A_300 : vector<1x16xf32> to vector<16xf32>
      %add3A_302 = arith.constant 40 : i32
      %add3A_303 = arith.addi %add3A_302, %scan3A_187 : i32
      %get3A_304 = arith.index_cast %add3A_303 : i32 to index
      %get3A_305 = arith.constant 112 : index
      %get3A_306 = tpu.vector_load %arg6[%get3A_304, %get3A_305] {strides = array<i32>} : memref<200x128xf32, #tpu.memory_space<vmem>>, vector<1x16xf32>,
      %get3A_307 = vector.shape_cast %get3A_306 : vector<1x16xf32> to vector<16xf32>
      %add3A_308 = arith.addf %get3A_301, %get3A_307 : vector<16xf32>
      %swap3A_309 = arith.index_cast %scan3A_187 : i32 to index
      %swap3A_310 = arith.constant 112 : index
      %swap3A_311 = tpu.vector_load %arg11[%swap3A_309, %swap3A_310] {strides = array<i32>} : memref<80x128xf32, #tpu.memory_space<vmem>>, vector<1x16xf32>,
      %swap3A_312 = vector.shape_cast %swap3A_311 : vector<1x16xf32> to vector<16xf32>
      %swap3A_313 = vector.shape_cast %add3A_308 : vector<16xf32> to vector<1x16xf32>
      tpu.vector_store %arg11[%swap3A_309, %swap3A_310], %swap3A_313 {strides = array<i32>} : memref<80x128xf32, #tpu.memory_space<vmem>>, vector<1x16xf32>,
    }
    %scan3A_124 = arith.constant 80 : i32
    %mul3A_125 = arith.constant 32 : i32
    %mul3A_126 = arith.muli %add3A, %mul3A_125 : i32
    %mul3A_127 = arith.constant 200 : i32
    %mul3A_128 = arith.muli %mul3A_126, %mul3A_127 : i32
    %add3A_129 = arith.constant 6240 : i32
    %add3A_130 = arith.addi %mul3A_128, %add3A_129 : i32
    %dma_start3A_131 = arith.constant 0 : i32
    %dma_start3A_132 = tpu.memref_slice %arg5[%add3A_130, %dma_start3A_131] : memref<204800x128xf32, #tpu.memory_space<hbm>> -> memref<80x128xf32, #tpu.memory_space<hbm>>
    %dma_start3A_133 = arith.constant 0 : i32
    %dma_start3A_134 = tpu.memref_slice %arg5[%add3A_130, %dma_start3A_133] : memref<204800x128xf32, #tpu.memory_space<hbm>> -> memref<80x128xf32, #tpu.memory_space<hbm>>
    tpu.enqueue_dma source(%arg11 : memref<80x128xf32, #tpu.memory_space<vmem>>) target(%dma_start3A_134 : memref<80x128xf32, #tpu.memory_space<hbm>>) target_semaphore(%arg21 : memref<!tpu.dma_semaphore, #tpu.memory_space<semaphore_mem>>)
    %dma_wait3A_135 = arith.constant 0 : i32
    %dma_wait3A_136 = arith.constant 0 : i32
    %dma_wait3A_137 = tpu.memref_slice %arg3[%dma_wait3A_135, %dma_wait3A_136] : memref<100000x128xf32, #tpu.memory_space<hbm>> -> memref<80x128xf32, #tpu.memory_space<hbm>>
    %dma_wait3A_138 = arith.constant 0 : i32
    %dma_wait3A_139 = arith.constant 0 : i32
    %dma_wait3A_140 = tpu.memref_slice %arg3[%dma_wait3A_138, %dma_wait3A_139] : memref<100000x128xf32, #tpu.memory_space<hbm>> -> memref<80x128xf32, #tpu.memory_space<hbm>>
    tpu.wait_dma2 semaphore(%arg17 : memref<!tpu.dma_semaphore, #tpu.memory_space<semaphore_mem>>) src(%dma_wait3A_140 : memref<80x128xf32, #tpu.memory_space<hbm>>) dst(%arg12 : memref<80x128xf32, #tpu.memory_space<vmem>>)
    %scan3A_141 = arith.constant 0 : i32
    %scan3A_142 = arith.constant 0 : i32
    %scan3A_143 = arith.constant 80 : i32
    %scan3A_144 = arith.addi %scan3A_142, %scan3A_143 : i32
    %scan3A_145 = arith.constant 1 : i32
    scf.for %scan3A_187 = %scan3A_142 to %scan3A_144 step %scan3A_145  : i32 {
      %get3A = arith.index_cast %scan3A_187 : i32 to index
      %get3A_188 = arith.constant 0 : index
      %get3A_189 = tpu.vector_load %arg12[%get3A, %get3A_188] {strides = array<i32>} : memref<80x128xf32, #tpu.memory_space<vmem>>, vector<1x16xf32>,
      %get3A_190 = vector.shape_cast %get3A_189 : vector<1x16xf32> to vector<16xf32>
      %add3A_191 = arith.constant 120 : i32
      %add3A_192 = arith.addi %add3A_191, %scan3A_187 : i32
      %get3A_193 = arith.index_cast %add3A_192 : i32 to index
      %get3A_194 = arith.constant 0 : index
      %get3A_195 = tpu.vector_load %arg6[%get3A_193, %get3A_194] {strides = array<i32>} : memref<200x128xf32, #tpu.memory_space<vmem>>, vector<1x16xf32>,
      %get3A_196 = vector.shape_cast %get3A_195 : vector<1x16xf32> to vector<16xf32>
      %add3A_197 = arith.addf %get3A_190, %get3A_196 : vector<16xf32>
      %swap3A = arith.index_cast %scan3A_187 : i32 to index
      %swap3A_198 = arith.constant 0 : index
      %swap3A_199 = tpu.vector_load %arg12[%swap3A, %swap3A_198] {strides = array<i32>} : memref<80x128xf32, #tpu.memory_space<vmem>>, vector<1x16xf32>,
      %swap3A_200 = vector.shape_cast %swap3A_199 : vector<1x16xf32> to vector<16xf32>
      %swap3A_201 = vector.shape_cast %add3A_197 : vector<16xf32> to vector<1x16xf32>
      tpu.vector_store %arg12[%swap3A, %swap3A_198], %swap3A_201 {strides = array<i32>} : memref<80x128xf32, #tpu.memory_space<vmem>>, vector<1x16xf32>,
      %get3A_202 = arith.index_cast %scan3A_187 : i32 to index
      %get3A_203 = arith.constant 16 : index
      %get3A_204 = tpu.vector_load %arg12[%get3A_202, %get3A_203] {strides = array<i32>} : memref<80x128xf32, #tpu.memory_space<vmem>>, vector<1x16xf32>,
      %get3A_205 = vector.shape_cast %get3A_204 : vector<1x16xf32> to vector<16xf32>
      %add3A_206 = arith.constant 120 : i32
      %add3A_207 = arith.addi %add3A_206, %scan3A_187 : i32
      %get3A_208 = arith.index_cast %add3A_207 : i32 to index
      %get3A_209 = arith.constant 16 : index
      %get3A_210 = tpu.vector_load %arg6[%get3A_208, %get3A_209] {strides = array<i32>} : memref<200x128xf32, #tpu.memory_space<vmem>>, vector<1x16xf32>,
      %get3A_211 = vector.shape_cast %get3A_210 : vector<1x16xf32> to vector<16xf32>
      %add3A_212 = arith.addf %get3A_205, %get3A_211 : vector<16xf32>
      %swap3A_213 = arith.index_cast %scan3A_187 : i32 to index
      %swap3A_214 = arith.constant 16 : index
      %swap3A_215 = tpu.vector_load %arg12[%swap3A_213, %swap3A_214] {strides = array<i32>} : memref<80x128xf32, #tpu.memory_space<vmem>>, vector<1x16xf32>,
      %swap3A_216 = vector.shape_cast %swap3A_215 : vector<1x16xf32> to vector<16xf32>
      %swap3A_217 = vector.shape_cast %add3A_212 : vector<16xf32> to vector<1x16xf32>
      tpu.vector_store %arg12[%swap3A_213, %swap3A_214], %swap3A_217 {strides = array<i32>} : memref<80x128xf32, #tpu.memory_space<vmem>>, vector<1x16xf32>,
      %get3A_218 = arith.index_cast %scan3A_187 : i32 to index
      %get3A_219 = arith.constant 32 : index
      %get3A_220 = tpu.vector_load %arg12[%get3A_218, %get3A_219] {strides = array<i32>} : memref<80x128xf32, #tpu.memory_space<vmem>>, vector<1x16xf32>,
      %get3A_221 = vector.shape_cast %get3A_220 : vector<1x16xf32> to vector<16xf32>
      %add3A_222 = arith.constant 120 : i32
      %add3A_223 = arith.addi %add3A_222, %scan3A_187 : i32
      %get3A_224 = arith.index_cast %add3A_223 : i32 to index
      %get3A_225 = arith.constant 32 : index
      %get3A_226 = tpu.vector_load %arg6[%get3A_224, %get3A_225] {strides = array<i32>} : memref<200x128xf32, #tpu.memory_space<vmem>>, vector<1x16xf32>,
      %get3A_227 = vector.shape_cast %get3A_226 : vector<1x16xf32> to vector<16xf32>
      %add3A_228 = arith.addf %get3A_221, %get3A_227 : vector<16xf32>
      %swap3A_229 = arith.index_cast %scan3A_187 : i32 to index
      %swap3A_230 = arith.constant 32 : index
      %swap3A_231 = tpu.vector_load %arg12[%swap3A_229, %swap3A_230] {strides = array<i32>} : memref<80x128xf32, #tpu.memory_space<vmem>>, vector<1x16xf32>,
      %swap3A_232 = vector.shape_cast %swap3A_231 : vector<1x16xf32> to vector<16xf32>
      %swap3A_233 = vector.shape_cast %add3A_228 : vector<16xf32> to vector<1x16xf32>
      tpu.vector_store %arg12[%swap3A_229, %swap3A_230], %swap3A_233 {strides = array<i32>} : memref<80x128xf32, #tpu.memory_space<vmem>>, vector<1x16xf32>,
      %get3A_234 = arith.index_cast %scan3A_187 : i32 to index
      %get3A_235 = arith.constant 48 : index
      %get3A_236 = tpu.vector_load %arg12[%get3A_234, %get3A_235] {strides = array<i32>} : memref<80x128xf32, #tpu.memory_space<vmem>>, vector<1x16xf32>,
      %get3A_237 = vector.shape_cast %get3A_236 : vector<1x16xf32> to vector<16xf32>
      %add3A_238 = arith.constant 120 : i32
      %add3A_239 = arith.addi %add3A_238, %scan3A_187 : i32
      %get3A_240 = arith.index_cast %add3A_239 : i32 to index
      %get3A_241 = arith.constant 48 : index
      %get3A_242 = tpu.vector_load %arg6[%get3A_240, %get3A_241] {strides = array<i32>} : memref<200x128xf32, #tpu.memory_space<vmem>>, vector<1x16xf32>,
      %get3A_243 = vector.shape_cast %get3A_242 : vector<1x16xf32> to vector<16xf32>
      %add3A_244 = arith.addf %get3A_237, %get3A_243 : vector<16xf32>
      %swap3A_245 = arith.index_cast %scan3A_187 : i32 to index
      %swap3A_246 = arith.constant 48 : index
      %swap3A_247 = tpu.vector_load %arg12[%swap3A_245, %swap3A_246] {strides = array<i32>} : memref<80x128xf32, #tpu.memory_space<vmem>>, vector<1x16xf32>,
      %swap3A_248 = vector.shape_cast %swap3A_247 : vector<1x16xf32> to vector<16xf32>
      %swap3A_249 = vector.shape_cast %add3A_244 : vector<16xf32> to vector<1x16xf32>
      tpu.vector_store %arg12[%swap3A_245, %swap3A_246], %swap3A_249 {strides = array<i32>} : memref<80x128xf32, #tpu.memory_space<vmem>>, vector<1x16xf32>,
      %get3A_250 = arith.index_cast %scan3A_187 : i32 to index
      %get3A_251 = arith.constant 64 : index
      %get3A_252 = tpu.vector_load %arg12[%get3A_250, %get3A_251] {strides = array<i32>} : memref<80x128xf32, #tpu.memory_space<vmem>>, vector<1x16xf32>,
      %get3A_253 = vector.shape_cast %get3A_252 : vector<1x16xf32> to vector<16xf32>
      %add3A_254 = arith.constant 120 : i32
      %add3A_255 = arith.addi %add3A_254, %scan3A_187 : i32
      %get3A_256 = arith.index_cast %add3A_255 : i32 to index
      %get3A_257 = arith.constant 64 : index
      %get3A_258 = tpu.vector_load %arg6[%get3A_256, %get3A_257] {strides = array<i32>} : memref<200x128xf32, #tpu.memory_space<vmem>>, vector<1x16xf32>,
      %get3A_259 = vector.shape_cast %get3A_258 : vector<1x16xf32> to vector<16xf32>
      %add3A_260 = arith.addf %get3A_253, %get3A_259 : vector<16xf32>
      %swap3A_261 = arith.index_cast %scan3A_187 : i32 to index
      %swap3A_262 = arith.constant 64 : index
      %swap3A_263 = tpu.vector_load %arg12[%swap3A_261, %swap3A_262] {strides = array<i32>} : memref<80x128xf32, #tpu.memory_space<vmem>>, vector<1x16xf32>,
      %swap3A_264 = vector.shape_cast %swap3A_263 : vector<1x16xf32> to vector<16xf32>
      %swap3A_265 = vector.shape_cast %add3A_260 : vector<16xf32> to vector<1x16xf32>
      tpu.vector_store %arg12[%swap3A_261, %swap3A_262], %swap3A_265 {strides = array<i32>} : memref<80x128xf32, #tpu.memory_space<vmem>>, vector<1x16xf32>,
      %get3A_266 = arith.index_cast %scan3A_187 : i32 to index
      %get3A_267 = arith.constant 80 : index
      %get3A_268 = tpu.vector_load %arg12[%get3A_266, %get3A_267] {strides = array<i32>} : memref<80x128xf32, #tpu.memory_space<vmem>>, vector<1x16xf32>,
      %get3A_269 = vector.shape_cast %get3A_268 : vector<1x16xf32> to vector<16xf32>
      %add3A_270 = arith.constant 120 : i32
      %add3A_271 = arith.addi %add3A_270, %scan3A_187 : i32
      %get3A_272 = arith.index_cast %add3A_271 : i32 to index
      %get3A_273 = arith.constant 80 : index
      %get3A_274 = tpu.vector_load %arg6[%get3A_272, %get3A_273] {strides = array<i32>} : memref<200x128xf32, #tpu.memory_space<vmem>>, vector<1x16xf32>,
      %get3A_275 = vector.shape_cast %get3A_274 : vector<1x16xf32> to vector<16xf32>
      %add3A_276 = arith.addf %get3A_269, %get3A_275 : vector<16xf32>
      %swap3A_277 = arith.index_cast %scan3A_187 : i32 to index
      %swap3A_278 = arith.constant 80 : index
      %swap3A_279 = tpu.vector_load %arg12[%swap3A_277, %swap3A_278] {strides = array<i32>} : memref<80x128xf32, #tpu.memory_space<vmem>>, vector<1x16xf32>,
      %swap3A_280 = vector.shape_cast %swap3A_279 : vector<1x16xf32> to vector<16xf32>
      %swap3A_281 = vector.shape_cast %add3A_276 : vector<16xf32> to vector<1x16xf32>
      tpu.vector_store %arg12[%swap3A_277, %swap3A_278], %swap3A_281 {strides = array<i32>} : memref<80x128xf32, #tpu.memory_space<vmem>>, vector<1x16xf32>,
      %get3A_282 = arith.index_cast %scan3A_187 : i32 to index
      %get3A_283 = arith.constant 96 : index
      %get3A_284 = tpu.vector_load %arg12[%get3A_282, %get3A_283] {strides = array<i32>} : memref<80x128xf32, #tpu.memory_space<vmem>>, vector<1x16xf32>,
      %get3A_285 = vector.shape_cast %get3A_284 : vector<1x16xf32> to vector<16xf32>
      %add3A_286 = arith.constant 120 : i32
      %add3A_287 = arith.addi %add3A_286, %scan3A_187 : i32
      %get3A_288 = arith.index_cast %add3A_287 : i32 to index
      %get3A_289 = arith.constant 96 : index
      %get3A_290 = tpu.vector_load %arg6[%get3A_288, %get3A_289] {strides = array<i32>} : memref<200x128xf32, #tpu.memory_space<vmem>>, vector<1x16xf32>,
      %get3A_291 = vector.shape_cast %get3A_290 : vector<1x16xf32> to vector<16xf32>
      %add3A_292 = arith.addf %get3A_285, %get3A_291 : vector<16xf32>
      %swap3A_293 = arith.index_cast %scan3A_187 : i32 to index
      %swap3A_294 = arith.constant 96 : index
      %swap3A_295 = tpu.vector_load %arg12[%swap3A_293, %swap3A_294] {strides = array<i32>} : memref<80x128xf32, #tpu.memory_space<vmem>>, vector<1x16xf32>,
      %swap3A_296 = vector.shape_cast %swap3A_295 : vector<1x16xf32> to vector<16xf32>
      %swap3A_297 = vector.shape_cast %add3A_292 : vector<16xf32> to vector<1x16xf32>
      tpu.vector_store %arg12[%swap3A_293, %swap3A_294], %swap3A_297 {strides = array<i32>} : memref<80x128xf32, #tpu.memory_space<vmem>>, vector<1x16xf32>,
      %get3A_298 = arith.index_cast %scan3A_187 : i32 to index
      %get3A_299 = arith.constant 112 : index
      %get3A_300 = tpu.vector_load %arg12[%get3A_298, %get3A_299] {strides = array<i32>} : memref<80x128xf32, #tpu.memory_space<vmem>>, vector<1x16xf32>,
      %get3A_301 = vector.shape_cast %get3A_300 : vector<1x16xf32> to vector<16xf32>
      %add3A_302 = arith.constant 120 : i32
      %add3A_303 = arith.addi %add3A_302, %scan3A_187 : i32
      %get3A_304 = arith.index_cast %add3A_303 : i32 to index
      %get3A_305 = arith.constant 112 : index
      %get3A_306 = tpu.vector_load %arg6[%get3A_304, %get3A_305] {strides = array<i32>} : memref<200x128xf32, #tpu.memory_space<vmem>>, vector<1x16xf32>,
      %get3A_307 = vector.shape_cast %get3A_306 : vector<1x16xf32> to vector<16xf32>
      %add3A_308 = arith.addf %get3A_301, %get3A_307 : vector<16xf32>
      %swap3A_309 = arith.index_cast %scan3A_187 : i32 to index
      %swap3A_310 = arith.constant 112 : index
      %swap3A_311 = tpu.vector_load %arg12[%swap3A_309, %swap3A_310] {strides = array<i32>} : memref<80x128xf32, #tpu.memory_space<vmem>>, vector<1x16xf32>,
      %swap3A_312 = vector.shape_cast %swap3A_311 : vector<1x16xf32> to vector<16xf32>
      %swap3A_313 = vector.shape_cast %add3A_308 : vector<16xf32> to vector<1x16xf32>
      tpu.vector_store %arg12[%swap3A_309, %swap3A_310], %swap3A_313 {strides = array<i32>} : memref<80x128xf32, #tpu.memory_space<vmem>>, vector<1x16xf32>,
    }
    %scan3A_146 = arith.constant 80 : i32
    %mul3A_147 = arith.constant 32 : i32
    %mul3A_148 = arith.muli %add3A, %mul3A_147 : i32
    %mul3A_149 = arith.constant 200 : i32
    %mul3A_150 = arith.muli %mul3A_148, %mul3A_149 : i32
    %add3A_151 = arith.constant 6320 : i32
    %add3A_152 = arith.addi %mul3A_150, %add3A_151 : i32
    %dma_start3A_153 = arith.constant 0 : i32
    %dma_start3A_154 = tpu.memref_slice %arg5[%add3A_152, %dma_start3A_153] : memref<204800x128xf32, #tpu.memory_space<hbm>> -> memref<80x128xf32, #tpu.memory_space<hbm>>
    %dma_start3A_155 = arith.constant 0 : i32
    %dma_start3A_156 = tpu.memref_slice %arg5[%add3A_152, %dma_start3A_155] : memref<204800x128xf32, #tpu.memory_space<hbm>> -> memref<80x128xf32, #tpu.memory_space<hbm>>
    tpu.enqueue_dma source(%arg12 : memref<80x128xf32, #tpu.memory_space<vmem>>) target(%dma_start3A_156 : memref<80x128xf32, #tpu.memory_space<hbm>>) target_semaphore(%arg22 : memref<!tpu.dma_semaphore, #tpu.memory_space<semaphore_mem>>)
    %dma_wait3A_157 = arith.constant 0 : i32
    %dma_wait3A_158 = arith.constant 0 : i32
    %dma_wait3A_159 = tpu.memref_slice %arg5[%dma_wait3A_157, %dma_wait3A_158] : memref<204800x128xf32, #tpu.memory_space<hbm>> -> memref<80x128xf32, #tpu.memory_space<hbm>>
    %dma_wait3A_160 = arith.constant 0 : i32
    %dma_wait3A_161 = arith.constant 0 : i32
    %dma_wait3A_162 = tpu.memref_slice %arg5[%dma_wait3A_160, %dma_wait3A_161] : memref<204800x128xf32, #tpu.memory_space<hbm>> -> memref<80x128xf32, #tpu.memory_space<hbm>>
    tpu.wait_dma2 semaphore(%arg18 : memref<!tpu.dma_semaphore, #tpu.memory_space<semaphore_mem>>) src(%arg8 : memref<80x128xf32, #tpu.memory_space<vmem>>) dst(%dma_wait3A_162 : memref<80x128xf32, #tpu.memory_space<hbm>>)
    %dma_wait3A_163 = arith.constant 0 : i32
    %dma_wait3A_164 = arith.constant 0 : i32
    %dma_wait3A_165 = tpu.memref_slice %arg5[%dma_wait3A_163, %dma_wait3A_164] : memref<204800x128xf32, #tpu.memory_space<hbm>> -> memref<80x128xf32, #tpu.memory_space<hbm>>
    %dma_wait3A_166 = arith.constant 0 : i32
    %dma_wait3A_167 = arith.constant 0 : i32
    %dma_wait3A_168 = tpu.memref_slice %arg5[%dma_wait3A_166, %dma_wait3A_167] : memref<204800x128xf32, #tpu.memory_space<hbm>> -> memref<80x128xf32, #tpu.memory_space<hbm>>
    tpu.wait_dma2 semaphore(%arg19 : memref<!tpu.dma_semaphore, #tpu.memory_space<semaphore_mem>>) src(%arg9 : memref<80x128xf32, #tpu.memory_space<vmem>>) dst(%dma_wait3A_168 : memref<80x128xf32, #tpu.memory_space<hbm>>)
    %dma_wait3A_169 = arith.constant 0 : i32
    %dma_wait3A_170 = arith.constant 0 : i32
    %dma_wait3A_171 = tpu.memref_slice %arg5[%dma_wait3A_169, %dma_wait3A_170] : memref<204800x128xf32, #tpu.memory_space<hbm>> -> memref<80x128xf32, #tpu.memory_space<hbm>>
    %dma_wait3A_172 = arith.constant 0 : i32
    %dma_wait3A_173 = arith.constant 0 : i32
    %dma_wait3A_174 = tpu.memref_slice %arg5[%dma_wait3A_172, %dma_wait3A_173] : memref<204800x128xf32, #tpu.memory_space<hbm>> -> memref<80x128xf32, #tpu.memory_space<hbm>>
    tpu.wait_dma2 semaphore(%arg20 : memref<!tpu.dma_semaphore, #tpu.memory_space<semaphore_mem>>) src(%arg10 : memref<80x128xf32, #tpu.memory_space<vmem>>) dst(%dma_wait3A_174 : memref<80x128xf32, #tpu.memory_space<hbm>>)
    %dma_wait3A_175 = arith.constant 0 : i32
    %dma_wait3A_176 = arith.constant 0 : i32
    %dma_wait3A_177 = tpu.memref_slice %arg5[%dma_wait3A_175, %dma_wait3A_176] : memref<204800x128xf32, #tpu.memory_space<hbm>> -> memref<80x128xf32, #tpu.memory_space<hbm>>
    %dma_wait3A_178 = arith.constant 0 : i32
    %dma_wait3A_179 = arith.constant 0 : i32
    %dma_wait3A_180 = tpu.memref_slice %arg5[%dma_wait3A_178, %dma_wait3A_179] : memref<204800x128xf32, #tpu.memory_space<hbm>> -> memref<80x128xf32, #tpu.memory_space<hbm>>
    tpu.wait_dma2 semaphore(%arg21 : memref<!tpu.dma_semaphore, #tpu.memory_space<semaphore_mem>>) src(%arg11 : memref<80x128xf32, #tpu.memory_space<vmem>>) dst(%dma_wait3A_180 : memref<80x128xf32, #tpu.memory_space<hbm>>)
    %dma_wait3A_181 = arith.constant 0 : i32
    %dma_wait3A_182 = arith.constant 0 : i32
    %dma_wait3A_183 = tpu.memref_slice %arg5[%dma_wait3A_181, %dma_wait3A_182] : memref<204800x128xf32, #tpu.memory_space<hbm>> -> memref<80x128xf32, #tpu.memory_space<hbm>>
    %dma_wait3A_184 = arith.constant 0 : i32
    %dma_wait3A_185 = arith.constant 0 : i32
    %dma_wait3A_186 = tpu.memref_slice %arg5[%dma_wait3A_184, %dma_wait3A_185] : memref<204800x128xf32, #tpu.memory_space<hbm>> -> memref<80x128xf32, #tpu.memory_space<hbm>>
    tpu.wait_dma2 semaphore(%arg22 : memref<!tpu.dma_semaphore, #tpu.memory_space<semaphore_mem>>) src(%arg12 : memref<80x128xf32, #tpu.memory_space<vmem>>) dst(%dma_wait3A_186 : memref<80x128xf32, #tpu.memory_space<hbm>>)
    return
  }
}

</mosaic_0001>

<sc_bundles>
// kernel: kernel.3.cloned.1.call-start
scs
__scs_entry_jumppad:
0x0: {  	(pc) =	sbr.rel $0x88, $3  }
0x1: {  	(tag) =	ssettag $0x0;
	lr =	simm.s32 $0x1  }
0x2: {  	[smem:$0x3F9E] =	sst lr;
	_ =	strace $0xD0000000  }
0x3: {  	_ = 	snop  }
0x4: {  	_ = 	snop  }
0x5: {  	_ = 	snop  }
0x6: {  	_ = 	snop  }
0x7: {  	_ = 	snop  }
__scs_overlays_trampoline_lowered:
0x8: {  	[smem:$0x3FAD] =	sst s0  }
0x9: {  	[smem:$0x3FAE] =	sst s1  }
0xa: {  	[smem:$0x3FAF] =	sst s2  }
0xb: {  	[smem:$0x3FB0] =	sst s3  }
0xc: {  	[smem:$0x3FB1] =	sst s4  }
0xd: {  	[smem:$0x3FB2] =	sst s5  }
0xe: {  	[smem:$0x3FB3] =	sst s6  }
0xf: {  	[smem:$0x3FB4] =	sst s7  }
0x10: {  	[smem:$0x3FB5] =	sst s8  }
0x11: {  	[smem:$0x3FB6] =	sst s9;
	s0 =	simm.s32 @!p0 $0x0  }
0x12: {  	s1 =	sld [smem:$0x3F9C];
	s0 =	simm.s32 @p0 $0x1  }
0x13: {  	[smem:$0x3FB7] =	sst s0;
	s0 =	simm.s32 @!p1 $0x0  }
0x14: {  	s2 =	sld [smem:$0x3F9B];
	s0 =	simm.s32 @p1 $0x1  }
0x15: {  	[smem:$0x3FB8] =	sst s0;
	s0 =	simm.s32 @!p2 $0x0  }
0x16: {  	s3 =	sld [smem:$0x3FDB];
	s0 =	simm.s32 @p2 $0x1  }
0x17: {  	s4 =	simm.s32 $0x1BF5;
	[smem:$0x3FBA] =	sst s0  }
0x18: {  	s0 =	sld [smem:$0x3F9D];
	_ =	swait.ge [sflag:s4], $0x0  }
0x19: {  	s7 =	sld [smem:$0x3F9E]  }
0x1a: {  	s8 =	sadd.s32 $0xFFFFE003, lr  }
0x1b: {  	s9 =	sadd.s32 $0xFFFFFEF7, lr;
	s5 =	simm.s32 $0xFFFFFFFF;
	p2 =	slt.u32 s8, $0xFFFFF086  }
0x1c: {  	p1 =	slt.u32 s9, $0xF7A;
	s5 =	simm.s32 @!p2 $0x0  }
0x1d: {  	s5 =	simm.s32 @p1 $0x1;
	p0 =	seq.s32 s7, s2  }
0x1e: {  	s7 =	smul.u32 @!p0 $0xF7A, s2;
	p2 =	seq.s32 @!p0 s5, $0x0  }
0x1f: {  	s9 =	smul.u32 $0xF7A, s1;
	s8 =	simm.s32 @!p0 $0x1BF5;
	p2 =	por !p2, p0  }
0x20: {  	[sflag:s8] =	ssyncset.s32 @!p0 $0xFFFFF086;
	s6 =	sadd.s32 @!p0 s3, s7;
	s7 =	simm.s32 @!p0 $0x108  }
0x21: {  	s3 =	sadd.s32 s3, s9;
	s6 =	sadd.s32 @!p0 $0x88, s6;
	s7 =	simm.s32 @p2 $0x1082  }
0x22: {  	[simem:s7], [sflag:s8] =	dma.local @!p0 [hbm:s6], $0xF7A  }
0x23: {  	s9 =	sor.u32 $0xD0000000, s2;
	s6 =	simm.s32 $0x108;
	_ =	swait.ge @!p0 [sflag:s8], $0x0  }
0x24: {  	s3 =	sadd.s32 $0x88, s3;
	s6 =	simm.s32 @!p1 $0x1082;
	[sflag:s4] =	ssyncset.s32 $0xFFFFF086  }
0x25: {  	[simem:s6], [sflag:s4] =	dma.local [hbm:s3], $0xF7A  }
0x26: {  	[smem:$0x3F9E] =	sst s1;
	(tag) =	ssettag s2;
	_ =	strace s9  }
0x27: {  	s1 =	sld [smem:$0x3FAE]  }
0x28: {  	s2 =	sld [smem:$0x3FAF]  }
0x29: {  	s4 =	sld [smem:$0x3FB1]  }
0x2a: {  	p0 =	seq.s32 s5, $0x0;
	s5 =	sld [smem:$0x3FB2]  }
0x2b: {  	s6 =	sld [smem:$0x3FB3]  }
0x2c: {  	s7 =	sld [smem:$0x3FB4]  }
0x2d: {  	s3 =	simm.s32 $0x108;
	s8 =	sld [smem:$0x3FB5]  }
0x2e: {  	s3 =	simm.s32 @!p0 $0x1082;
	s9 =	sld [smem:$0x3FB6]  }
0x2f: {  	lr =	sadd.s32 s0, s3;
	s0 =	sld [smem:$0x3FAD]  }
0x30: {  	s3 =	sld [smem:$0x3FB0]  }
0x31: {  	[smem:$0x3FB9] =	sst s10  }
0x32: {  	s10 =	sld [smem:$0x3FB7];
	_ =	sdelay $0x3  }
0x33: {  	p0 =	seq.s32 s10, $0x1;
	s10 =	sld [smem:$0x3FB9];
	_ =	sdelay $0x3  }
0x34: {  	[smem:$0x3FB9] =	sst s10  }
0x35: {  	s10 =	sld [smem:$0x3FB8];
	_ =	sdelay $0x3  }
0x36: {  	p1 =	seq.s32 s10, $0x1;
	s10 =	sld [smem:$0x3FB9];
	_ =	sdelay $0x3  }
0x37: {  	[smem:$0x3FB9] =	sst s10  }
0x38: {  	s10 =	sld [smem:$0x3FBA]  }
0x39: {  	_ = 	snop;
	(pc) =	sbr.ind lr, $3  }
0x3a: {  	_ = 	snop  }
0x3b: {  	_ = 	snop  }
0x3c: {  	p2 =	seq.s32 s10, $0x1;
	s10 =	sld [smem:$0x3FB9]  }
0x3d: {  	_ =	shalt  }
0x3e: {  	_ =	shalt  }
0x3f: {  	_ =	shalt  }
0x40: {  	_ =	shalt  }
0x41: {  	_ =	shalt  }
0x42: {  	_ =	shalt  }
0x43: {  	_ =	shalt  }
0x44: {  	_ =	shalt  }
0x45: {  	_ =	shalt  }
0x46: {  	_ =	shalt  }
0x47: {  	_ =	shalt  }
0x48: {  	_ =	shalt  }
0x49: {  	_ =	shalt  }
0x4a: {  	_ =	shalt  }
0x4b: {  	_ =	shalt  }
0x4c: {  	_ =	shalt  }
0x4d: {  	_ =	shalt  }
0x4e: {  	_ =	shalt  }
0x4f: {  	_ =	shalt  }
0x50: {  	_ =	shalt  }
0x51: {  	_ =	shalt  }
0x52: {  	_ =	shalt  }
0x53: {  	_ =	shalt  }
0x54: {  	_ =	shalt  }
0x55: {  	_ =	shalt  }
0x56: {  	_ =	shalt  }
0x57: {  	_ =	shalt  }
0x58: {  	_ =	shalt  }
0x59: {  	_ =	shalt  }
0x5a: {  	_ =	shalt  }
0x5b: {  	_ =	shalt  }
0x5c: {  	_ =	shalt  }
0x5d: {  	_ =	shalt  }
0x5e: {  	_ =	shalt  }
0x5f: {  	_ =	shalt  }
0x60: {  	_ =	shalt  }
0x61: {  	_ =	shalt  }
0x62: {  	_ =	shalt  }
0x63: {  	_ =	shalt  }
0x64: {  	_ =	shalt  }
0x65: {  	_ =	shalt  }
0x66: {  	_ =	shalt  }
0x67: {  	_ =	shalt  }
0x68: {  	_ =	shalt  }
0x69: {  	_ =	shalt  }
0x6a: {  	_ =	shalt  }
0x6b: {  	_ =	shalt  }
0x6c: {  	_ =	shalt  }
0x6d: {  	_ =	shalt  }
0x6e: {  	_ =	shalt  }
0x6f: {  	_ =	shalt  }
0x70: {  	_ =	shalt  }
0x71: {  	_ =	shalt  }
0x72: {  	_ =	shalt  }
0x73: {  	_ =	shalt  }
0x74: {  	_ =	shalt  }
0x75: {  	_ =	shalt  }
0x76: {  	_ =	shalt  }
0x77: {  	_ =	shalt  }
0x78: {  	_ =	shalt  }
0x79: {  	_ =	shalt  }
0x7a: {  	_ =	shalt  }
0x7b: {  	_ =	shalt  }
0x7c: {  	_ =	shalt  }
0x7d: {  	_ =	shalt  }
0x7e: {  	_ =	shalt  }
0x7f: {  	_ =	shalt  }
0x80: {  	_ =	shalt  }
0x81: {  	_ =	shalt  }
0x82: {  	_ =	shalt  }
0x83: {  	_ =	shalt  }
0x84: {  	_ =	shalt  }
0x85: {  	_ =	shalt  }
0x86: {  	_ =	shalt  }
0x87: {  	_ =	shalt  }
.Lfunc_end0:
.L_simem_size_0:
called_computation_lowered:
.L_overlay_start_0:
0x88: {  	s2 =	sld [smem:$0x3FD9]  }
0x89: {  	s3 =	sld [smem:$0x3FFE];
	_ =	sdelay $0x1  }
0x8a: {  	s1 =	srdreg.scid  }
0x8b: {  	s0 =	sand.u32 $0x1, s1  }
0x8c: {  	s17 =	sshll.u32 s0, $0xA;
	s2 =	sadd.s32 s3, s2  }
0x8d: {  	s2 =	sadd.s32 s2, s17  }
0x8e: {  	[smem:$0x3FC5] =	sst s2  }
0x8f: {  	_ = 	snop  }
0x90: {  	s2 =	sld [smem:$0x3FC8]  }
0x91: {  	s18 =	sld [smem:$0x3FC7]  }
0x92: {  	s4 =	sld [smem:$0x3FD0];
	(tm) =	ssettm $0x1  }
0x93: {  	s5 =	sld [smem:$0x3FFB];
	_ =	sdelay $0x3  }
0x94: {  	_ =	strace s5  }
0x95: {  	s5 =	sld [smem:$0x3FFC];
	_ =	sdelay $0x3  }
0x96: {  	_ =	strace s5  }
0x97: {  	s5 =	sld [smem:$0x3FFD];
	_ =	sdelay $0x3  }
0x98: {  	_ =	strace s5  }
0x99: {  	_ =	strace $0x8FFFFFFF  }
0x9a: {  	s19 =	sld [smem:$0x3FDB];
	_ =	sdelay $0x1  }
0x9b: {  	s6 =	simm.s32 $_scs_section_size  }
0x9c: {  	s7 =	simm.s32 $_size__tile_overlayer_lowered;
	s8 =	simm.s32 $_tile_overlayer_lowered  }
0x9d: {  	s22 =	simm.s32 $0x1BFF;
	s21 =	sshll.u32 s8, $0x1;
	s5 =	sadd.s32 s6, s19  }
0x9e: {  	s9 =	simm.s32 $0x0;
	s20 =	sshll.u32 s7, $0x1;
	s7 =	sadd.s32 s21, s5  }
0x9f: {  	[timem:s9], [sflag:s22] =	dma.local [hbm:s7], s20  }
0xa0: {  	_ =	swait.ge [sflag:s22], s20  }
0xa1: {  	s6 =	ssub.s32 $0x0, s20;
	[sflag:s22] =	ssyncset.done $0x0  }
0xa2: {  	[sflag:s22] =	ssyncadd.s32 s6;
	_ =	sdelay $0x1  }
0xa3: {  	s23 =	simm.s32 $0x1B8B  }
0xa4: {  	_ =	swait.ge [sflag:s23], $0x1  }
0xa5: {  	[sflag:s23] =	ssyncset.done $0x0  }
0xa6: {  	s25 =	simm.s32 $0x1B8E;
	s24 =	sld [smem:$0x3FFE];
	[sflag:s23] =	ssyncadd.s32 $0xFFFFFFFF  }
0xa7: {  	s26 =	simm.s32 $execute0_lowered;
	[smem:$0x3FD2] =	sst s25  }
0xa8: {  	s7 =	sshll.u32 s26, $0x1;
	_ =	strace $0x80000046;
	[dreg:$0x1] =	wrdreg $0xFFFFFFFF  }
0xa9: {  	s28 =	simm.s32 $_size_execute0_lowered;
	s5 =	sadd.s32 s5, s7;
	[dreg:$0x0] =	wrdreg $0x0  }
0xaa: {  	s7 =	sshll.u32 s28, $0x1;
	[dreg:$0x2] =	wrdreg s5  }
0xab: {  	[dreg:$0x3] =	wrdreg s7  }
0xac: {  	[dreg:$0x4] =	wrdreg $0xC0  }
0xad: {  	_ =	task [dreg:s9], $0x5FFFF  }
0xae: {  	[dreg:$0x1] =	wrdreg $0xFFFFFFFF  }
0xaf: {  	[dreg:$0x0] =	wrdreg $0x60  }
0xb0: {  	[dreg:$0x2] =	wrdreg s24  }
0xb1: {  	[dreg:$0x3] =	wrdreg s2  }
0xb2: {  	[dreg:$0x4] =	wrdreg s18  }
0xb3: {  	[dreg:$0x5] =	wrdreg s4  }
0xb4: {  	[dreg:$0x6] =	wrdreg $0x9  }
0xb5: {  	_ =	task.clear_ibuf [dreg:s9], $0x7FFFF;
	_ =	strace $0x90000046  }
0xb6: {  	s29 =	simm.s32 $0x9;
	_ =	strace $0x80000048  }
0xb7: {  	_ =	swait.ge [sflag:s29], $0x1  }
0xb8: {  	[sflag:s29] =	ssyncadd.s32 $0xFFFFFFFF  }
0xb9: {  	_ =	strace $0x90000048  }
0xba: {  	_ =	sfence  }
0xbb: {  	s30 =	sld [smem:$0x0];
	_ =	sdelay $0x2  }
0xbc: {  	s31 =	sshll.u32 s1, $0xD;
	s1 =	sshrl.u32 s1, $0x2  }
0xbd: {  	s3 =	sand.u32 $0x4000, s31;
	s1 =	sadd.s32 s1, s30  }
0xbe: {  	s0 =	sor.u32 s3, s0;
	s1 =	sshll.u32 s1, $0x11  }
0xbf: {  	s0 =	sor.u32 s1, s0  }
0xc0: {  	s0 =	sadd.s32 $0x8F2B, s0  }
0xc1: {  	[sflag:s0] =	ssyncadd.remote.s32 $0x1  }
0xc2: {  	_ =	sfence.sel $0xFFFF  }
0xc3: {  	[dreg:$0x0] =	wrdreg $0xFFFFFFFF;
	(pc) =	sbr.abs _section_cstart, $3  }
0xc4: {  	[dreg:$0x1] =	wrdreg $0xFFFFFFFF  }
0xc5: {  	_ =	task.clear_ibuf [dreg:s9], $0x2FFFF;
	_ =	strace $0x9FFFFFFF  }
0xc6: {  	(tm) =	ssettm $0x7FFFFFFF  }
0xc7: {  	_ =	shalt  }
tec
execute0_lowered:
.L_overlay_start_1:
0x0: {  	(tag) =	ssettag $0x1  }
0x1: {  	s0 =	rddreg [dreg:$0x0]  }
0x2: {  	s1 =	rddreg [dreg:$0x1]  }
0x3: {  	s2 =	srdreg.scid;
	s3 =	stileid.u32  }
0x4: {  	s4 =	rddreg [dreg:$0x3];
	s5 =	simm.s32 $0x0;
	s19 =	simm.s32 $0x50  }
0x5: {  	s20 =	simm.s32 $0x8C00;
	s2 =	sand.u32 $0x1, s2;
	s3 =	sshll.u32 s3, $0x1  }
0x6: {  	s28 =	simm.s32 $0x1;
	s30 =	simm.s32 $0x12C00;
	s3 =	sor.u32 s2, s3  }
0x7: {  	s31 =	simm.s32 $0x2;
	s29 =	simm.s32 $0x9;
	s7 =	smul.u32 $0x500, s3  }
0x8: {  	s18 =	simm.s32 $0xA;
	s2 =	ssub.s32 $0x2, s2;
	s6 =	smul.u32 $0x1900, s3  }
0x9: {  	[smem:$0x7FF] =	sst s5;
	s8 =	smul.u32 $0x19000, s3;
	s21 =	sshrl.u32 s2, $0x1  }
0xa: {  	_ =	strace $0x80000047;
	s3 =	smul.u32 $0xC8000, s3;
	s2 =	ssub.s32 s2, s21  }
0xb: {  	s21 =	simm.s32 $0x4;
	s0 =	sadd.s32 s7, s0;
	s22 =	sadd.s32 s4, s8  }
0xc: {  	s10 =	sor.u32 $0xA0, s6;
	s23 =	sshrl.u32 s3, $0x3;
	s11 =	sor.u32 $0xF0, s6  }
0xd: {  	s12 =	sadd.s32 $0x140, s6;
	s0 =	sadd.s32 $0x400, s0;
	[dreg:$0x6] =	wrdreg s22  }
0xe: {  	s26 =	smax.u32 s2, $0x1;
	[dreg:$0x5] =	wrdreg s0;
	s0 =	sadd.s32 $0x500, s22  }
0xf: {  	s2 =	simm.s32 $0x6;
	[dreg:$0x7] =	wrdreg s0;
	s0 =	sadd.s32 s4, s23  }
0x10: {  	s3 =	simm.s32 $0x7;
	[dreg:$0xb] =	wrdreg s26;
	s24 =	sadd.s32 $0x18100, s0  }
0x11: {  	s8 =	simm.s32 $0x0;
	s25 =	sadd.s32 $0x18600, s0;
	[dreg:$0x8] =	wrdreg s24  }
0x12: {  	s26 =	simm.s32 $0x10400;
	s0 =	sadd.s32 $0x18B00, s0;
	[dreg:$0x9] =	wrdreg s25  }
0x13: {  	s22 =	simm.s32 $0xB400;
	s23 =	simm.s32 $0x8;
	[dreg:$0xa] =	wrdreg s0  }
0x14: {  	s24 =	simm.s32 $0xDC00;
	s0 =	simm.s32 $0x3;
	s25 =	simm.s32 $0x5  }
.LBB2_1:
0x15: {  	[dreg:$0xc] =	wrdreg s8  }
0x16: {  	s7 =	rddreg [dreg:$0x2];
	s13 =	simm.s32 $0xB  }
0x17: {  	[tilespmem:s5], [sflag:$0xB] =	stream.linear.gather [hbm4b:s7+s5], $0x6400, $0x38;
	[tilespmem:$0x15400] =	vst v63  }
0x18: {  	_ =	swait.ge [sflag:s13], $0x6400  }
0x19: {  	[sflag:s13] =	ssyncset.done $0x0  }
0x1a: {  	s9 =	simm.s32 $0x6400;
	s14 =	rddreg [dreg:$0x5];
	[sflag:s13] =	ssyncadd.s32 $0xFFFF9C00  }
0x1b: {  	[tilespmem:s9], [sflag:$0xB] =	stream.linear.gather [hbm4b:s14+s5], $0x2800, $0x38;
	[tilespmem:$0x15400] =	vst v63  }
0x1c: {  	_ =	swait.ge [sflag:s13], $0x2800  }
0x1d: {  	[sflag:s13] =	ssyncset.done $0x0  }
0x1e: {  	[sflag:s13] =	ssyncadd.s32 $0xFFFFD800  }
0x1f: {  	[tilespmem:s20], [sflag:$0x1] =	stream.indirect.gather [hbm4b:s1+s19], $0x80, s9, s19, $0xb8;
	[tilespmem:$0x15400] =	vst v63  }
0x20: {  	s15 =	simm.s32 $0x6480  }
0x21: {  	[tilespmem:s22], [sflag:$0x2] =	stream.indirect.gather [hbm4b:s1+s19], $0x80, s15, s19, $0xb8;
	[tilespmem:$0x15400] =	vst v63  }
0x22: {  	s16 =	simm.s32 $0x6500  }
0x23: {  	[tilespmem:s24], [sflag:$0x3] =	stream.indirect.gather [hbm4b:s1+s19], $0x80, s16, s19, $0xb8;
	[tilespmem:$0x15400] =	vst v63  }
0x24: {  	s17 =	simm.s32 $0x6580  }
0x25: {  	[tilespmem:s26], [sflag:$0x4] =	stream.indirect.gather [hbm4b:s1+s19], $0x80, s17, s19, $0xb8;
	[tilespmem:$0x15400] =	vst v63  }
0x26: {  	_ =	swait.ge [sflag:s28], $0x2800  }
0x27: {  	[sflag:s28] =	ssyncset.done $0x0  }
0x28: {  	s8 =	simm.s32 $0x0;
	[sflag:s28] =	ssyncadd.s32 $0xFFFFD800  }
0x29: {  	v7 =	vld [tilespmem:s8+$0x0]  }
0x2a: {  	v11 =	vld [tilespmem:s8+$0x10]  }
0x2b: {  	v5 =	vld [tilespmem:s8+$0x20]  }
0x2c: {  	v4 =	vld [tilespmem:s8+$0x30]  }
0x2d: {  	v3 =	vld [tilespmem:s8+$0x40]  }
0x2e: {  	v2 =	vld [tilespmem:s8+$0x50]  }
0x2f: {  	v1 =	vld [tilespmem:s8+$0x60]  }
0x30: {  	v0 =	vld [tilespmem:s8+$0x70]  }
0x31: {  	v12 =	vld [tilespmem:s8+$0x8C00]  }
0x32: {  	v13 =	vld [tilespmem:s8+$0x8C10]  }
0x33: {  	v10 =	vld [tilespmem:s8+$0x8C20]  }
0x34: {  	v9 =	vld [tilespmem:s8+$0x8C30]  }
0x35: {  	v8 =	vld [tilespmem:s8+$0x8C40]  }
0x36: {  	v6 =	vld [tilespmem:s8+$0x8C50];
	v12 =	vadd.f32 v7, v12  }
0x37: {  	s9 =	simm.s32 $0x200;
	v11 =	vadd.f32 v11, v13;
	v7 =	vld [tilespmem:s8+$0x8C60]  }
.LBB2_2:
0x38: {  	s13 =	sshra.s32 s9, $0x2;
	p0 =	sne.s32 s9, $0x9E00;
	[tilespmem:s8+$0x8C00] =	vst v12;
	v5 =	vadd.f32 v5, v10;
	v10 =	vld [tilespmem:s8+$0x8C70]  }
0x39: {  	v12 =	vld [tilespmem:s13+$0x0];
	[tilespmem:s8+$0x8C10] =	vst v11;
	v4 =	vadd.f32 v4, v9  }
0x3a: {  	v11 =	vld [tilespmem:s13+$0x10];
	[tilespmem:s8+$0x8C20] =	vst v5;
	v3 =	vadd.f32 v3, v8  }
0x3b: {  	v5 =	vld [tilespmem:s13+$0x20];
	[tilespmem:s8+$0x8C30] =	vst v4;
	v2 =	vadd.f32 v2, v6  }
0x3c: {  	v4 =	vld [tilespmem:s13+$0x30];
	[tilespmem:s8+$0x8C40] =	vst v3;
	v1 =	vadd.f32 v1, v7  }
0x3d: {  	v3 =	vld [tilespmem:s13+$0x40];
	[tilespmem:s8+$0x8C50] =	vst v2;
	v0 =	vadd.f32 v0, v10  }
0x3e: {  	v2 =	vld [tilespmem:s13+$0x50];
	[tilespmem:s8+$0x8C60] =	vst v1  }
0x3f: {  	v1 =	vld [tilespmem:s13+$0x60];
	[tilespmem:s8+$0x8C70] =	vst v0;
	s8 =	smov.u32 s13  }
0x40: {  	v0 =	vld [tilespmem:s8+$0x70]  }
0x41: {  	v6 =	vld [tilespmem:s8+$0x8C00]  }
0x42: {  	v7 =	vld [tilespmem:s8+$0x8C10]  }
.Ltmp0:
0x43: {  	v10 =	vld [tilespmem:s8+$0x8C20];
	(pc) =	sbr.rel @p0 .LBB2_2-.Ltmp0, $4  }
0x44: {  	v9 =	vld [tilespmem:s8+$0x8C30]  }
0x45: {  	v8 =	vld [tilespmem:s8+$0x8C40]  }
0x46: {  	v12 =	vadd.f32 v12, v6;
	v6 =	vld [tilespmem:s8+$0x8C50]  }
0x47: {  	s9 =	sadd.s32 $0x200, s9;
	v11 =	vadd.f32 v11, v7;
	v7 =	vld [tilespmem:s8+$0x8C60]  }
0x48: {  	[tilespmem:s8+$0x8C00] =	vst v12;
	v5 =	vadd.f32 v5, v10;
	v10 =	vld [tilespmem:s8+$0x8C70]  }
0x49: {  	[tilespmem:s8+$0x8C10] =	vst v11;
	v4 =	vadd.f32 v4, v9  }
0x4a: {  	[tilespmem:s8+$0x8C20] =	vst v5;
	v3 =	vadd.f32 v3, v8  }
0x4b: {  	[tilespmem:s8+$0x8C30] =	vst v4;
	v2 =	vadd.f32 v2, v6  }
0x4c: {  	[tilespmem:s8+$0x8C40] =	vst v3;
	v1 =	vadd.f32 v1, v7  }
0x4d: {  	[tilespmem:s8+$0x8C50] =	vst v2;
	v0 =	vadd.f32 v0, v10  }
0x4e: {  	[tilespmem:s8+$0x8C60] =	vst v1  }
0x4f: {  	s16 =	simm.s32 $0x0;
	s7 =	rddreg [dreg:$0x6];
	[tilespmem:s8+$0x8C70] =	vst v0  }
0x50: {  	[hbm4b:s7+s16] =	stream.linear.scatter [tilespmem:s20], [sflag:$0x6], $0x2800, $0x38;
	[tilespmem:$0x15400] =	vst v63  }
0x51: {  	s17 =	simm.s32 $0x6600  }
0x52: {  	[tilespmem:s30], [sflag:$0x5] =	stream.indirect.gather [hbm4b:s1+s19], $0x80, s17, s19, $0xb8;
	[tilespmem:$0x15400] =	vst v63  }
0x53: {  	_ =	swait.ge [sflag:s31], $0x2800  }
0x54: {  	[sflag:s31] =	ssyncset.done $0x0  }
0x55: {  	s8 =	simm.s32 $0x0;
	[sflag:s31] =	ssyncadd.s32 $0xFFFFD800  }
0x56: {  	v7 =	vld [tilespmem:s8+$0x2800]  }
0x57: {  	v11 =	vld [tilespmem:s8+$0x2810]  }
0x58: {  	v5 =	vld [tilespmem:s8+$0x2820]  }
0x59: {  	v4 =	vld [tilespmem:s8+$0x2830]  }
0x5a: {  	v3 =	vld [tilespmem:s8+$0x2840]  }
0x5b: {  	v2 =	vld [tilespmem:s8+$0x2850]  }
0x5c: {  	v1 =	vld [tilespmem:s8+$0x2860]  }
0x5d: {  	v0 =	vld [tilespmem:s8+$0x2870]  }
0x5e: {  	v12 =	vld [tilespmem:s8+$0xB400]  }
0x5f: {  	v13 =	vld [tilespmem:s8+$0xB410]  }
0x60: {  	v10 =	vld [tilespmem:s8+$0xB420]  }
0x61: {  	v9 =	vld [tilespmem:s8+$0xB430]  }
0x62: {  	v8 =	vld [tilespmem:s8+$0xB440]  }
0x63: {  	v6 =	vld [tilespmem:s8+$0xB450];
	v12 =	vadd.f32 v7, v12  }
0x64: {  	s9 =	simm.s32 $0x200;
	v11 =	vadd.f32 v11, v13;
	v7 =	vld [tilespmem:s8+$0xB460]  }
.LBB2_4:
0x65: {  	s13 =	sshra.s32 s9, $0x2;
	p0 =	sne.s32 s9, $0x9E00;
	[tilespmem:s8+$0xB400] =	vst v12;
	v5 =	vadd.f32 v5, v10;
	v10 =	vld [tilespmem:s8+$0xB470]  }
0x66: {  	v12 =	vld [tilespmem:s13+$0x2800];
	[tilespmem:s8+$0xB410] =	vst v11;
	v4 =	vadd.f32 v4, v9  }
0x67: {  	v11 =	vld [tilespmem:s13+$0x2810];
	[tilespmem:s8+$0xB420] =	vst v5;
	v3 =	vadd.f32 v3, v8  }
0x68: {  	v5 =	vld [tilespmem:s13+$0x2820];
	[tilespmem:s8+$0xB430] =	vst v4;
	v2 =	vadd.f32 v2, v6  }
0x69: {  	v4 =	vld [tilespmem:s13+$0x2830];
	[tilespmem:s8+$0xB440] =	vst v3;
	v1 =	vadd.f32 v1, v7  }
0x6a: {  	v3 =	vld [tilespmem:s13+$0x2840];
	[tilespmem:s8+$0xB450] =	vst v2;
	v0 =	vadd.f32 v0, v10  }
0x6b: {  	v2 =	vld [tilespmem:s13+$0x2850];
	[tilespmem:s8+$0xB460] =	vst v1  }
0x6c: {  	v1 =	vld [tilespmem:s13+$0x2860];
	[tilespmem:s8+$0xB470] =	vst v0;
	s8 =	smov.u32 s13  }
0x6d: {  	v0 =	vld [tilespmem:s8+$0x2870]  }
0x6e: {  	v6 =	vld [tilespmem:s8+$0xB400]  }
0x6f: {  	v7 =	vld [tilespmem:s8+$0xB410]  }
.Ltmp1:
0x70: {  	v10 =	vld [tilespmem:s8+$0xB420];
	(pc) =	sbr.rel @p0 .LBB2_4-.Ltmp1, $4  }
0x71: {  	v9 =	vld [tilespmem:s8+$0xB430]  }
0x72: {  	v8 =	vld [tilespmem:s8+$0xB440]  }
0x73: {  	v12 =	vadd.f32 v12, v6;
	v6 =	vld [tilespmem:s8+$0xB450]  }
0x74: {  	s9 =	sadd.s32 $0x200, s9;
	v11 =	vadd.f32 v11, v7;
	v7 =	vld [tilespmem:s8+$0xB460]  }
0x75: {  	[tilespmem:s8+$0xB400] =	vst v12;
	v5 =	vadd.f32 v5, v10;
	v63 =	vld [tilespmem:s8+$0xB470]  }
0x76: {  	[tilespmem:s8+$0xB410] =	vst v11;
	v4 =	vadd.f32 v4, v9  }
0x77: {  	[tilespmem:s8+$0xB420] =	vst v5;
	v3 =	vadd.f32 v3, v8  }
0x78: {  	[tilespmem:s8+$0xB430] =	vst v4;
	v2 =	vadd.f32 v2, v6  }
0x79: {  	[tilespmem:s8+$0xB440] =	vst v3;
	v1 =	vadd.f32 v1, v7  }
0x7a: {  	[tilespmem:s8+$0xB450] =	vst v2;
	v0 =	vadd.f32 v0, v63  }
0x7b: {  	[tilespmem:s8+$0xB460] =	vst v1  }
0x7c: {  	s9 =	simm.s32 $0x0;
	s7 =	rddreg [dreg:$0x7];
	[tilespmem:s8+$0xB470] =	vst v0  }
0x7d: {  	[hbm4b:s7+s9] =	stream.linear.scatter [tilespmem:s22], [sflag:$0x7], $0x2800, $0x38;
	[tilespmem:$0x15400] =	vst v63  }
.LBB2_6:
0x7e: {  	s14 =	smul.u32 $0x5, s9;
	_ =	sdelay $0x1  }
0x7f: {  	s13 =	sadd.s32 $0x5, s14  }
0x80: {  	_ =	swait.ge [sflag:s2], $0x2800;
	s8 =	sshll.u32 s13, $0x7  }
0x81: {  	[sflag:s2] =	ssyncset.done $0x0;
	s8 =	sand.u32 $0x3FFFFF80, s8  }
0x82: {  	[sflag:s2] =	ssyncadd.s32 $0xFFFFD800;
	s8 =	sadd.s32 $0x6400, s8  }
0x83: {  	[tilespmem:s20], [sflag:$0x1] =	stream.indirect.gather [hbm4b:s1+s19], $0x80, s8, s19, $0xb8;
	[tilespmem:$0x15400] =	vst v63  }
0x84: {  	_ =	swait.ge [sflag:s0], $0x2800  }
0x85: {  	[sflag:s0] =	ssyncset.done $0x0  }
0x86: {  	s8 =	simm.s32 $0x0;
	[sflag:s0] =	ssyncadd.s32 $0xFFFFD800  }
0x87: {  	v7 =	vld [tilespmem:s8+$0x5000]  }
0x88: {  	v11 =	vld [tilespmem:s8+$0x5010]  }
0x89: {  	v5 =	vld [tilespmem:s8+$0x5020]  }
0x8a: {  	v4 =	vld [tilespmem:s8+$0x5030]  }
0x8b: {  	v3 =	vld [tilespmem:s8+$0x5040]  }
0x8c: {  	v2 =	vld [tilespmem:s8+$0x5050]  }
0x8d: {  	v1 =	vld [tilespmem:s8+$0x5060]  }
0x8e: {  	v0 =	vld [tilespmem:s8+$0x5070]  }
0x8f: {  	v12 =	vld [tilespmem:s8+$0xDC00]  }
0x90: {  	v13 =	vld [tilespmem:s8+$0xDC10]  }
0x91: {  	v10 =	vld [tilespmem:s8+$0xDC20]  }
0x92: {  	v9 =	vld [tilespmem:s8+$0xDC30]  }
0x93: {  	v8 =	vld [tilespmem:s8+$0xDC40]  }
0x94: {  	v6 =	vld [tilespmem:s8+$0xDC50];
	v12 =	vadd.f32 v7, v12  }
0x95: {  	s15 =	simm.s32 $0x200;
	v11 =	vadd.f32 v11, v13;
	v7 =	vld [tilespmem:s8+$0xDC60]  }
.LBB2_7:
0x96: {  	s16 =	sshra.s32 s15, $0x2;
	p0 =	sne.s32 s15, $0x4E00;
	[tilespmem:s8+$0xDC00] =	vst v12;
	v5 =	vadd.f32 v5, v10;
	v10 =	vld [tilespmem:s8+$0xDC70]  }
0x97: {  	v12 =	vld [tilespmem:s16+$0x5000];
	[tilespmem:s8+$0xDC10] =	vst v11;
	v4 =	vadd.f32 v4, v9  }
0x98: {  	v11 =	vld [tilespmem:s16+$0x5010];
	[tilespmem:s8+$0xDC20] =	vst v5;
	v3 =	vadd.f32 v3, v8  }
0x99: {  	v5 =	vld [tilespmem:s16+$0x5020];
	[tilespmem:s8+$0xDC30] =	vst v4;
	v2 =	vadd.f32 v2, v6  }
0x9a: {  	v4 =	vld [tilespmem:s16+$0x5030];
	[tilespmem:s8+$0xDC40] =	vst v3;
	v1 =	vadd.f32 v1, v7  }
0x9b: {  	v3 =	vld [tilespmem:s16+$0x5040];
	[tilespmem:s8+$0xDC50] =	vst v2;
	v0 =	vadd.f32 v0, v10  }
0x9c: {  	v2 =	vld [tilespmem:s16+$0x5050];
	[tilespmem:s8+$0xDC60] =	vst v1  }
0x9d: {  	v1 =	vld [tilespmem:s16+$0x5060];
	[tilespmem:s8+$0xDC70] =	vst v0;
	s8 =	smov.u32 s16  }
0x9e: {  	v0 =	vld [tilespmem:s8+$0x5070]  }
0x9f: {  	v6 =	vld [tilespmem:s8+$0xDC00]  }
0xa0: {  	v7 =	vld [tilespmem:s8+$0xDC10]  }
.Ltmp2:
0xa1: {  	v10 =	vld [tilespmem:s8+$0xDC20];
	(pc) =	sbr.rel @p0 .LBB2_7-.Ltmp2, $4  }
0xa2: {  	v9 =	vld [tilespmem:s8+$0xDC30]  }
0xa3: {  	v8 =	vld [tilespmem:s8+$0xDC40]  }
0xa4: {  	v12 =	vadd.f32 v12, v6;
	v6 =	vld [tilespmem:s8+$0xDC50]  }
0xa5: {  	s15 =	sadd.s32 $0x200, s15;
	v11 =	vadd.f32 v11, v7;
	v7 =	vld [tilespmem:s8+$0xDC60]  }
0xa6: {  	[tilespmem:s8+$0xDC00] =	vst v12;
	v5 =	vadd.f32 v5, v10;
	v10 =	vld [tilespmem:s8+$0xDC70]  }
0xa7: {  	[tilespmem:s8+$0xDC10] =	vst v11;
	v4 =	vadd.f32 v4, v9  }
0xa8: {  	[tilespmem:s8+$0xDC20] =	vst v5;
	v3 =	vadd.f32 v3, v8  }
0xa9: {  	[tilespmem:s8+$0xDC30] =	vst v4;
	v2 =	vadd.f32 v2, v6  }
0xaa: {  	[tilespmem:s8+$0xDC40] =	vst v3;
	v1 =	vadd.f32 v1, v7  }
0xab: {  	[tilespmem:s8+$0xDC50] =	vst v2;
	v0 =	vadd.f32 v0, v10  }
0xac: {  	[tilespmem:s8+$0xDC60] =	vst v1  }
0xad: {  	s16 =	simm.s32 $0x0;
	[tilespmem:s8+$0xDC70] =	vst v0  }
0xae: {  	v6 =	vld [tilespmem:s16+$0x0]  }
0xaf: {  	v11 =	vld [tilespmem:s16+$0x10]  }
0xb0: {  	v5 =	vld [tilespmem:s16+$0x20]  }
0xb1: {  	v4 =	vld [tilespmem:s16+$0x30]  }
0xb2: {  	v3 =	vld [tilespmem:s16+$0x40]  }
0xb3: {  	v2 =	vld [tilespmem:s16+$0x50]  }
0xb4: {  	v1 =	vld [tilespmem:s16+$0x60]  }
0xb5: {  	v0 =	vld [tilespmem:s16+$0x70]  }
0xb6: {  	v12 =	vld [tilespmem:s16+$0xF000]  }
0xb7: {  	v13 =	vld [tilespmem:s16+$0xF010]  }
0xb8: {  	v10 =	vld [tilespmem:s16+$0xF020]  }
0xb9: {  	v9 =	vld [tilespmem:s16+$0xF030]  }
0xba: {  	v8 =	vld [tilespmem:s16+$0xF040]  }
0xbb: {  	v7 =	vld [tilespmem:s16+$0xF050];
	v12 =	vadd.f32 v6, v12  }
0xbc: {  	s8 =	simm.s32 $0x200;
	v11 =	vadd.f32 v11, v13;
	v6 =	vld [tilespmem:s16+$0xF060]  }
.LBB2_9:
0xbd: {  	s15 =	sshra.s32 s8, $0x2;
	p0 =	sne.s32 s8, $0x4E00;
	[tilespmem:s16+$0xF000] =	vst v12;
	v5 =	vadd.f32 v5, v10;
	v10 =	vld [tilespmem:s16+$0xF070]  }
0xbe: {  	v12 =	vld [tilespmem:s15+$0x0];
	[tilespmem:s16+$0xF010] =	vst v11;
	v4 =	vadd.f32 v4, v9  }
0xbf: {  	v11 =	vld [tilespmem:s15+$0x10];
	[tilespmem:s16+$0xF020] =	vst v5;
	v3 =	vadd.f32 v3, v8  }
0xc0: {  	v5 =	vld [tilespmem:s15+$0x20];
	[tilespmem:s16+$0xF030] =	vst v4;
	v2 =	vadd.f32 v2, v7  }
0xc1: {  	v4 =	vld [tilespmem:s15+$0x30];
	[tilespmem:s16+$0xF040] =	vst v3;
	v1 =	vadd.f32 v1, v6  }
0xc2: {  	v3 =	vld [tilespmem:s15+$0x40];
	[tilespmem:s16+$0xF050] =	vst v2;
	v0 =	vadd.f32 v0, v10  }
0xc3: {  	v2 =	vld [tilespmem:s15+$0x50];
	[tilespmem:s16+$0xF060] =	vst v1  }
0xc4: {  	v1 =	vld [tilespmem:s15+$0x60];
	[tilespmem:s16+$0xF070] =	vst v0;
	s16 =	smov.u32 s15  }
0xc5: {  	v0 =	vld [tilespmem:s16+$0x70]  }
0xc6: {  	v6 =	vld [tilespmem:s16+$0xF000]  }
0xc7: {  	v13 =	vld [tilespmem:s16+$0xF010]  }
.Ltmp3:
0xc8: {  	v10 =	vld [tilespmem:s16+$0xF020];
	(pc) =	sbr.rel @p0 .LBB2_9-.Ltmp3, $4  }
0xc9: {  	v9 =	vld [tilespmem:s16+$0xF030]  }
0xca: {  	v8 =	vld [tilespmem:s16+$0xF040]  }
0xcb: {  	v12 =	vadd.f32 v12, v6;
	v7 =	vld [tilespmem:s16+$0xF050]  }
0xcc: {  	s8 =	sadd.s32 $0x200, s8;
	v11 =	vadd.f32 v11, v13;
	v6 =	vld [tilespmem:s16+$0xF060]  }
0xcd: {  	[tilespmem:s16+$0xF000] =	vst v12;
	v5 =	vadd.f32 v5, v10;
	v10 =	vld [tilespmem:s16+$0xF070]  }
0xce: {  	[tilespmem:s16+$0xF010] =	vst v11;
	v4 =	vadd.f32 v4, v9  }
0xcf: {  	[tilespmem:s16+$0xF020] =	vst v5;
	v3 =	vadd.f32 v3, v8  }
0xd0: {  	s15 =	smul.u32 $0x190, s9;
	[tilespmem:s16+$0xF030] =	vst v4;
	v2 =	vadd.f32 v2, v7  }
0xd1: {  	[tilespmem:s16+$0xF040] =	vst v3;
	v1 =	vadd.f32 v1, v6  }
0xd2: {  	s8 =	sadd.s32 s15, s10;
	[tilespmem:s16+$0xF050] =	vst v2;
	v0 =	vadd.f32 v0, v10  }
0xd3: {  	s8 =	sshll.u32 s8, $0x4;
	[tilespmem:s16+$0xF060] =	vst v1  }
0xd4: {  	s7 =	simm.s32 $0x0;
	s14 =	sadd.s32 $0x6, s14;
	s8 =	sadd.s32 s4, s8;
	[tilespmem:s16+$0xF070] =	vst v0  }
0xd5: {  	[hbm4b:s8+s7] =	stream.linear.scatter [tilespmem:s24], [sflag:$0x8], $0x2800, $0x38;
	[tilespmem:$0x15400] =	vst v63  }
0xd6: {  	s17 =	sshll.u32 s14, $0x7;
	_ =	swait.ge [sflag:s3], $0x2800  }
0xd7: {  	s8 =	sand.u32 $0x3FFFFF80, s17;
	[sflag:s3] =	ssyncset.done $0x0  }
0xd8: {  	s8 =	sadd.s32 $0x6400, s8;
	[sflag:s3] =	ssyncadd.s32 $0xFFFFD800  }
0xd9: {  	[tilespmem:s22], [sflag:$0x2] =	stream.indirect.gather [hbm4b:s1+s19], $0x80, s8, s19, $0xb8;
	[tilespmem:$0x15400] =	vst v63  }
0xda: {  	_ =	swait.ge [sflag:s21], $0x2800  }
0xdb: {  	[sflag:s21] =	ssyncset.done $0x0  }
0xdc: {  	s16 =	simm.s32 $0x0;
	[sflag:s21] =	ssyncadd.s32 $0xFFFFD800  }
0xdd: {  	v7 =	vld [tilespmem:s16+$0x1400]  }
0xde: {  	v11 =	vld [tilespmem:s16+$0x1410]  }
0xdf: {  	v5 =	vld [tilespmem:s16+$0x1420]  }
0xe0: {  	v4 =	vld [tilespmem:s16+$0x1430]  }
0xe1: {  	v3 =	vld [tilespmem:s16+$0x1440]  }
0xe2: {  	v2 =	vld [tilespmem:s16+$0x1450]  }
0xe3: {  	v1 =	vld [tilespmem:s16+$0x1460]  }
0xe4: {  	v0 =	vld [tilespmem:s16+$0x1470]  }
0xe5: {  	v12 =	vld [tilespmem:s16+$0x10400]  }
0xe6: {  	v13 =	vld [tilespmem:s16+$0x10410]  }
0xe7: {  	v10 =	vld [tilespmem:s16+$0x10420]  }
0xe8: {  	v9 =	vld [tilespmem:s16+$0x10430]  }
0xe9: {  	v8 =	vld [tilespmem:s16+$0x10440]  }
0xea: {  	v6 =	vld [tilespmem:s16+$0x10450];
	v12 =	vadd.f32 v7, v12  }
0xeb: {  	s8 =	simm.s32 $0x200;
	v11 =	vadd.f32 v11, v13;
	v7 =	vld [tilespmem:s16+$0x10460]  }
.LBB2_11:
0xec: {  	s17 =	sshra.s32 s8, $0x2;
	p0 =	sne.s32 s8, $0x9E00;
	[tilespmem:s16+$0x10400] =	vst v12;
	v5 =	vadd.f32 v5, v10;
	v10 =	vld [tilespmem:s16+$0x10470]  }
0xed: {  	v12 =	vld [tilespmem:s17+$0x1400];
	[tilespmem:s16+$0x10410] =	vst v11;
	v4 =	vadd.f32 v4, v9  }
0xee: {  	v11 =	vld [tilespmem:s17+$0x1410];
	[tilespmem:s16+$0x10420] =	vst v5;
	v3 =	vadd.f32 v3, v8  }
0xef: {  	v5 =	vld [tilespmem:s17+$0x1420];
	[tilespmem:s16+$0x10430] =	vst v4;
	v2 =	vadd.f32 v2, v6  }
0xf0: {  	v4 =	vld [tilespmem:s17+$0x1430];
	[tilespmem:s16+$0x10440] =	vst v3;
	v1 =	vadd.f32 v1, v7  }
0xf1: {  	v3 =	vld [tilespmem:s17+$0x1440];
	[tilespmem:s16+$0x10450] =	vst v2;
	v0 =	vadd.f32 v0, v10  }
0xf2: {  	v2 =	vld [tilespmem:s17+$0x1450];
	[tilespmem:s16+$0x10460] =	vst v1  }
0xf3: {  	v1 =	vld [tilespmem:s17+$0x1460];
	[tilespmem:s16+$0x10470] =	vst v0;
	s16 =	smov.u32 s17  }
0xf4: {  	v0 =	vld [tilespmem:s16+$0x1470]  }
0xf5: {  	v6 =	vld [tilespmem:s16+$0x10400]  }
0xf6: {  	v7 =	vld [tilespmem:s16+$0x10410]  }
.Ltmp4:
0xf7: {  	v10 =	vld [tilespmem:s16+$0x10420];
	(pc) =	sbr.rel @p0 .LBB2_11-.Ltmp4, $4  }
0xf8: {  	v9 =	vld [tilespmem:s16+$0x10430]  }
0xf9: {  	v8 =	vld [tilespmem:s16+$0x10440]  }
0xfa: {  	v12 =	vadd.f32 v12, v6;
	v6 =	vld [tilespmem:s16+$0x10450]  }
0xfb: {  	s8 =	sadd.s32 $0x200, s8;
	v11 =	vadd.f32 v11, v7;
	v7 =	vld [tilespmem:s16+$0x10460]  }
0xfc: {  	[tilespmem:s16+$0x10400] =	vst v12;
	v5 =	vadd.f32 v5, v10;
	v10 =	vld [tilespmem:s16+$0x10470]  }
0xfd: {  	[tilespmem:s16+$0x10410] =	vst v11;
	v4 =	vadd.f32 v4, v9  }
0xfe: {  	[tilespmem:s16+$0x10420] =	vst v5;
	v3 =	vadd.f32 v3, v8  }
0xff: {  	[tilespmem:s16+$0x10430] =	vst v4;
	v2 =	vadd.f32 v2, v6  }
0x100: {  	[tilespmem:s16+$0x10440] =	vst v3;
	v1 =	vadd.f32 v1, v7  }
0x101: {  	s8 =	sadd.s32 s15, s11;
	[tilespmem:s16+$0x10450] =	vst v2;
	v0 =	vadd.f32 v0, v10  }
0x102: {  	s8 =	sshll.u32 s8, $0x4;
	[tilespmem:s16+$0x10460] =	vst v1  }
0x103: {  	s7 =	simm.s32 $0x0;
	s17 =	smul.u32 $0xA00, s9;
	s8 =	sadd.s32 s4, s8;
	[tilespmem:s16+$0x10470] =	vst v0  }
0x104: {  	[hbm4b:s8+s7] =	stream.linear.scatter [tilespmem:s26], [sflag:$0x9], $0x2800, $0x38;
	[tilespmem:$0x15400] =	vst v63  }
0x105: {  	_ =	swait.ge [sflag:s23], $0x2800  }
0x106: {  	s16 =	sshra.s32 s17, $0x2;
	[sflag:s23] =	ssyncset.done $0x0  }
0x107: {  	s8 =	sadd.s32 $0x6780, s16;
	[sflag:s23] =	ssyncadd.s32 $0xFFFFD800  }
0x108: {  	[tilespmem:s24], [sflag:$0x3] =	stream.indirect.gather [hbm4b:s1+s19], $0x80, s8, s19, $0xb8;
	[tilespmem:$0x15400] =	vst v63  }
0x109: {  	_ =	swait.ge [sflag:s25], $0x2800  }
0x10a: {  	[sflag:s25] =	ssyncset.done $0x0  }
0x10b: {  	s8 =	simm.s32 $0x0;
	[sflag:s25] =	ssyncadd.s32 $0xFFFFD800  }
0x10c: {  	v7 =	vld [tilespmem:s8+$0x3C00]  }
0x10d: {  	v11 =	vld [tilespmem:s8+$0x3C10]  }
0x10e: {  	v5 =	vld [tilespmem:s8+$0x3C20]  }
0x10f: {  	v4 =	vld [tilespmem:s8+$0x3C30]  }
0x110: {  	v3 =	vld [tilespmem:s8+$0x3C40]  }
0x111: {  	v2 =	vld [tilespmem:s8+$0x3C50]  }
0x112: {  	v1 =	vld [tilespmem:s8+$0x3C60]  }
0x113: {  	v0 =	vld [tilespmem:s8+$0x3C70]  }
0x114: {  	v12 =	vld [tilespmem:s8+$0x12C00]  }
0x115: {  	v13 =	vld [tilespmem:s8+$0x12C10]  }
0x116: {  	v10 =	vld [tilespmem:s8+$0x12C20]  }
0x117: {  	v9 =	vld [tilespmem:s8+$0x12C30]  }
0x118: {  	v8 =	vld [tilespmem:s8+$0x12C40]  }
0x119: {  	v6 =	vld [tilespmem:s8+$0x12C50];
	v12 =	vadd.f32 v7, v12  }
0x11a: {  	s17 =	simm.s32 $0x200;
	v11 =	vadd.f32 v11, v13;
	v7 =	vld [tilespmem:s8+$0x12C60]  }
.LBB2_13:
0x11b: {  	s7 =	sshra.s32 s17, $0x2;
	p0 =	sne.s32 s17, $0x9E00;
	[tilespmem:s8+$0x12C00] =	vst v12;
	v5 =	vadd.f32 v5, v10;
	v10 =	vld [tilespmem:s8+$0x12C70]  }
0x11c: {  	v12 =	vld [tilespmem:s7+$0x3C00];
	[tilespmem:s8+$0x12C10] =	vst v11;
	v4 =	vadd.f32 v4, v9  }
0x11d: {  	v11 =	vld [tilespmem:s7+$0x3C10];
	[tilespmem:s8+$0x12C20] =	vst v5;
	v3 =	vadd.f32 v3, v8  }
0x11e: {  	v5 =	vld [tilespmem:s7+$0x3C20];
	[tilespmem:s8+$0x12C30] =	vst v4;
	v2 =	vadd.f32 v2, v6  }
0x11f: {  	v4 =	vld [tilespmem:s7+$0x3C30];
	[tilespmem:s8+$0x12C40] =	vst v3;
	v1 =	vadd.f32 v1, v7  }
0x120: {  	v3 =	vld [tilespmem:s7+$0x3C40];
	[tilespmem:s8+$0x12C50] =	vst v2;
	v0 =	vadd.f32 v0, v10  }
0x121: {  	v2 =	vld [tilespmem:s7+$0x3C50];
	[tilespmem:s8+$0x12C60] =	vst v1  }
0x122: {  	v1 =	vld [tilespmem:s7+$0x3C60];
	[tilespmem:s8+$0x12C70] =	vst v0;
	s8 =	smov.u32 s7  }
0x123: {  	v0 =	vld [tilespmem:s8+$0x3C70]  }
0x124: {  	v6 =	vld [tilespmem:s8+$0x12C00]  }
0x125: {  	v7 =	vld [tilespmem:s8+$0x12C10]  }
.Ltmp5:
0x126: {  	v10 =	vld [tilespmem:s8+$0x12C20];
	(pc) =	sbr.rel @p0 .LBB2_13-.Ltmp5, $4  }
0x127: {  	v9 =	vld [tilespmem:s8+$0x12C30]  }
0x128: {  	v8 =	vld [tilespmem:s8+$0x12C40]  }
0x129: {  	v12 =	vadd.f32 v12, v6;
	v6 =	vld [tilespmem:s8+$0x12C50]  }
0x12a: {  	s17 =	sadd.s32 $0x200, s17;
	v11 =	vadd.f32 v11, v7;
	v7 =	vld [tilespmem:s8+$0x12C60]  }
0x12b: {  	[tilespmem:s8+$0x12C00] =	vst v12;
	v5 =	vadd.f32 v5, v10;
	v10 =	vld [tilespmem:s8+$0x12C70]  }
0x12c: {  	[tilespmem:s8+$0x12C10] =	vst v11;
	v4 =	vadd.f32 v4, v9  }
0x12d: {  	[tilespmem:s8+$0x12C20] =	vst v5;
	v3 =	vadd.f32 v3, v8  }
0x12e: {  	[tilespmem:s8+$0x12C30] =	vst v4;
	v2 =	vadd.f32 v2, v6  }
0x12f: {  	[tilespmem:s8+$0x12C40] =	vst v3;
	v1 =	vadd.f32 v1, v7  }
0x130: {  	s7 =	sadd.s32 s15, s12;
	[tilespmem:s8+$0x12C50] =	vst v2;
	v0 =	vadd.f32 v0, v10  }
0x131: {  	s7 =	sshll.u32 s7, $0x4;
	[tilespmem:s8+$0x12C60] =	vst v1  }
0x132: {  	s15 =	simm.s32 $0x0;
	s7 =	sadd.s32 s4, s7;
	[tilespmem:s8+$0x12C70] =	vst v0  }
0x133: {  	[hbm4b:s7+s15] =	stream.linear.scatter [tilespmem:s30], [sflag:$0xA], $0x2800, $0x38;
	[tilespmem:$0x15400] =	vst v63  }
0x134: {  	_ =	swait.ge [sflag:s29], $0x2800  }
0x135: {  	[sflag:s29] =	ssyncset.done $0x0  }
0x136: {  	s17 =	sadd.s32 $0x6800, s16;
	[sflag:s29] =	ssyncadd.s32 $0xFFFFD800  }
0x137: {  	[tilespmem:s26], [sflag:$0x4] =	stream.indirect.gather [hbm4b:s1+s19], $0x80, s17, s19, $0xb8;
	[tilespmem:$0x15400] =	vst v63  }
0x138: {  	_ =	swait.ge [sflag:s28], $0x2800  }
0x139: {  	[sflag:s28] =	ssyncset.done $0x0  }
0x13a: {  	s15 =	simm.s32 $0x0;
	[sflag:s28] =	ssyncadd.s32 $0xFFFFD800  }
0x13b: {  	v6 =	vld [tilespmem:s15+$0x0]  }
0x13c: {  	v11 =	vld [tilespmem:s15+$0x10]  }
0x13d: {  	v5 =	vld [tilespmem:s15+$0x20]  }
0x13e: {  	v4 =	vld [tilespmem:s15+$0x30]  }
0x13f: {  	v3 =	vld [tilespmem:s15+$0x40]  }
0x140: {  	v2 =	vld [tilespmem:s15+$0x50]  }
0x141: {  	v1 =	vld [tilespmem:s15+$0x60]  }
0x142: {  	v0 =	vld [tilespmem:s15+$0x70]  }
0x143: {  	v12 =	vld [tilespmem:s15+$0x8C00]  }
0x144: {  	v13 =	vld [tilespmem:s15+$0x8C10]  }
0x145: {  	v10 =	vld [tilespmem:s15+$0x8C20]  }
0x146: {  	v9 =	vld [tilespmem:s15+$0x8C30]  }
0x147: {  	v8 =	vld [tilespmem:s15+$0x8C40]  }
0x148: {  	v7 =	vld [tilespmem:s15+$0x8C50];
	v12 =	vadd.f32 v6, v12  }
0x149: {  	s8 =	simm.s32 $0x200;
	v11 =	vadd.f32 v11, v13;
	v6 =	vld [tilespmem:s15+$0x8C60]  }
.LBB2_15:
0x14a: {  	s7 =	sshra.s32 s8, $0x2;
	p0 =	sne.s32 s8, $0x9E00;
	[tilespmem:s15+$0x8C00] =	vst v12;
	v5 =	vadd.f32 v5, v10;
	v10 =	vld [tilespmem:s15+$0x8C70]  }
0x14b: {  	v12 =	vld [tilespmem:s7+$0x0];
	[tilespmem:s15+$0x8C10] =	vst v11;
	v4 =	vadd.f32 v4, v9  }
0x14c: {  	v11 =	vld [tilespmem:s7+$0x10];
	[tilespmem:s15+$0x8C20] =	vst v5;
	v3 =	vadd.f32 v3, v8  }
0x14d: {  	v5 =	vld [tilespmem:s7+$0x20];
	[tilespmem:s15+$0x8C30] =	vst v4;
	v2 =	vadd.f32 v2, v7  }
0x14e: {  	v4 =	vld [tilespmem:s7+$0x30];
	[tilespmem:s15+$0x8C40] =	vst v3;
	v1 =	vadd.f32 v1, v6  }
0x14f: {  	v3 =	vld [tilespmem:s7+$0x40];
	[tilespmem:s15+$0x8C50] =	vst v2;
	v0 =	vadd.f32 v0, v10  }
0x150: {  	v2 =	vld [tilespmem:s7+$0x50];
	[tilespmem:s15+$0x8C60] =	vst v1  }
0x151: {  	v1 =	vld [tilespmem:s7+$0x60];
	[tilespmem:s15+$0x8C70] =	vst v0;
	s15 =	smov.u32 s7  }
0x152: {  	v0 =	vld [tilespmem:s15+$0x70]  }
0x153: {  	v6 =	vld [tilespmem:s15+$0x8C00]  }
0x154: {  	v13 =	vld [tilespmem:s15+$0x8C10]  }
.Ltmp6:
0x155: {  	v10 =	vld [tilespmem:s15+$0x8C20];
	(pc) =	sbr.rel @p0 .LBB2_15-.Ltmp6, $4  }
0x156: {  	v9 =	vld [tilespmem:s15+$0x8C30]  }
0x157: {  	v8 =	vld [tilespmem:s15+$0x8C40]  }
0x158: {  	v12 =	vadd.f32 v12, v6;
	v7 =	vld [tilespmem:s15+$0x8C50]  }
0x159: {  	s8 =	sadd.s32 $0x200, s8;
	v11 =	vadd.f32 v11, v13;
	v6 =	vld [tilespmem:s15+$0x8C60]  }
0x15a: {  	[tilespmem:s15+$0x8C00] =	vst v12;
	v5 =	vadd.f32 v5, v10;
	v10 =	vld [tilespmem:s15+$0x8C70]  }
0x15b: {  	[tilespmem:s15+$0x8C10] =	vst v11;
	v4 =	vadd.f32 v4, v9  }
0x15c: {  	[tilespmem:s15+$0x8C20] =	vst v5;
	v3 =	vadd.f32 v3, v8  }
0x15d: {  	s7 =	smul.u32 $0x50, s13;
	[tilespmem:s15+$0x8C30] =	vst v4;
	v2 =	vadd.f32 v2, v7  }
0x15e: {  	[tilespmem:s15+$0x8C40] =	vst v3;
	v1 =	vadd.f32 v1, v6  }
0x15f: {  	s7 =	sadd.s32 s6, s7;
	[tilespmem:s15+$0x8C50] =	vst v2;
	v0 =	vadd.f32 v0, v10  }
0x160: {  	s7 =	sshll.u32 s7, $0x4;
	[tilespmem:s15+$0x8C60] =	vst v1  }
0x161: {  	s8 =	simm.s32 $0x0;
	s7 =	sadd.s32 s4, s7;
	[tilespmem:s15+$0x8C70] =	vst v0  }
0x162: {  	[hbm4b:s7+s8] =	stream.linear.scatter [tilespmem:s20], [sflag:$0x6], $0x2800, $0x38;
	[tilespmem:$0x15400] =	vst v63  }
0x163: {  	_ =	swait.ge [sflag:s18], $0x2800  }
0x164: {  	[sflag:s18] =	ssyncset.done $0x0  }
0x165: {  	s17 =	sadd.s32 $0x6880, s16;
	[sflag:s18] =	ssyncadd.s32 $0xFFFFD800  }
0x166: {  	[tilespmem:s30], [sflag:$0x5] =	stream.indirect.gather [hbm4b:s1+s19], $0x80, s17, s19, $0xb8;
	[tilespmem:$0x15400] =	vst v63  }
0x167: {  	_ =	swait.ge [sflag:s31], $0x2800  }
0x168: {  	[sflag:s31] =	ssyncset.done $0x0  }
0x169: {  	s13 =	simm.s32 $0x0;
	[sflag:s31] =	ssyncadd.s32 $0xFFFFD800  }
0x16a: {  	v6 =	vld [tilespmem:s13+$0x2800]  }
0x16b: {  	v11 =	vld [tilespmem:s13+$0x2810]  }
0x16c: {  	v5 =	vld [tilespmem:s13+$0x2820]  }
0x16d: {  	v4 =	vld [tilespmem:s13+$0x2830]  }
0x16e: {  	v3 =	vld [tilespmem:s13+$0x2840]  }
0x16f: {  	v2 =	vld [tilespmem:s13+$0x2850]  }
0x170: {  	v1 =	vld [tilespmem:s13+$0x2860]  }
0x171: {  	v0 =	vld [tilespmem:s13+$0x2870]  }
0x172: {  	v12 =	vld [tilespmem:s13+$0xB400]  }
0x173: {  	v13 =	vld [tilespmem:s13+$0xB410]  }
0x174: {  	v10 =	vld [tilespmem:s13+$0xB420]  }
0x175: {  	v9 =	vld [tilespmem:s13+$0xB430]  }
0x176: {  	v8 =	vld [tilespmem:s13+$0xB440]  }
0x177: {  	v7 =	vld [tilespmem:s13+$0xB450];
	v12 =	vadd.f32 v6, v12  }
0x178: {  	s8 =	simm.s32 $0x200;
	v11 =	vadd.f32 v11, v13;
	v6 =	vld [tilespmem:s13+$0xB460]  }
.LBB2_17:
0x179: {  	s7 =	sshra.s32 s8, $0x2;
	p0 =	sne.s32 s8, $0x9E00;
	[tilespmem:s13+$0xB400] =	vst v12;
	v5 =	vadd.f32 v5, v10;
	v10 =	vld [tilespmem:s13+$0xB470]  }
0x17a: {  	v12 =	vld [tilespmem:s7+$0x2800];
	[tilespmem:s13+$0xB410] =	vst v11;
	v4 =	vadd.f32 v4, v9  }
0x17b: {  	v11 =	vld [tilespmem:s7+$0x2810];
	[tilespmem:s13+$0xB420] =	vst v5;
	v3 =	vadd.f32 v3, v8  }
0x17c: {  	v5 =	vld [tilespmem:s7+$0x2820];
	[tilespmem:s13+$0xB430] =	vst v4;
	v2 =	vadd.f32 v2, v7  }
0x17d: {  	v4 =	vld [tilespmem:s7+$0x2830];
	[tilespmem:s13+$0xB440] =	vst v3;
	v1 =	vadd.f32 v1, v6  }
0x17e: {  	v3 =	vld [tilespmem:s7+$0x2840];
	[tilespmem:s13+$0xB450] =	vst v2;
	v0 =	vadd.f32 v0, v10  }
0x17f: {  	v2 =	vld [tilespmem:s7+$0x2850];
	[tilespmem:s13+$0xB460] =	vst v1  }
0x180: {  	v1 =	vld [tilespmem:s7+$0x2860];
	[tilespmem:s13+$0xB470] =	vst v0;
	s13 =	smov.u32 s7  }
0x181: {  	v0 =	vld [tilespmem:s13+$0x2870]  }
0x182: {  	v6 =	vld [tilespmem:s13+$0xB400]  }
0x183: {  	v13 =	vld [tilespmem:s13+$0xB410]  }
.Ltmp7:
0x184: {  	v10 =	vld [tilespmem:s13+$0xB420];
	(pc) =	sbr.rel @p0 .LBB2_17-.Ltmp7, $4  }
0x185: {  	v9 =	vld [tilespmem:s13+$0xB430]  }
0x186: {  	v8 =	vld [tilespmem:s13+$0xB440]  }
0x187: {  	v12 =	vadd.f32 v12, v6;
	v7 =	vld [tilespmem:s13+$0xB450]  }
0x188: {  	s8 =	sadd.s32 $0x200, s8;
	v11 =	vadd.f32 v11, v13;
	v6 =	vld [tilespmem:s13+$0xB460]  }
0x189: {  	[tilespmem:s13+$0xB400] =	vst v12;
	v5 =	vadd.f32 v5, v10;
	v63 =	vld [tilespmem:s13+$0xB470]  }
0x18a: {  	[tilespmem:s13+$0xB410] =	vst v11;
	v4 =	vadd.f32 v4, v9  }
0x18b: {  	s9 =	sadd.s32 $0x1, s9;
	[tilespmem:s13+$0xB420] =	vst v5;
	v3 =	vadd.f32 v3, v8  }
0x18c: {  	s7 =	smul.u32 $0x50, s14;
	p0 =	sne.s32 s9, $0xF;
	[tilespmem:s13+$0xB430] =	vst v4;
	v2 =	vadd.f32 v2, v7  }
.Ltmp8:
0x18d: {  	[tilespmem:s13+$0xB440] =	vst v3;
	v1 =	vadd.f32 v1, v6;
	(pc) =	sbr.rel @p0 .LBB2_6-.Ltmp8, $4  }
0x18e: {  	s7 =	sadd.s32 s6, s7;
	[tilespmem:s13+$0xB450] =	vst v2;
	v0 =	vadd.f32 v0, v63  }
0x18f: {  	s7 =	sshll.u32 s7, $0x4;
	[tilespmem:s13+$0xB460] =	vst v1  }
0x190: {  	s7 =	sadd.s32 s4, s7;
	[tilespmem:s13+$0xB470] =	vst v0  }
0x191: {  	[hbm4b:s7+s5] =	stream.linear.scatter [tilespmem:s22], [sflag:$0x7], $0x2800, $0x38;
	[tilespmem:$0x15400] =	vst v63  }
0x192: {  	_ =	swait.ge [sflag:s0], $0x2800  }
0x193: {  	[sflag:s0] =	ssyncset.done $0x0  }
0x194: {  	s9 =	simm.s32 $0x0;
	[sflag:s0] =	ssyncadd.s32 $0xFFFFD800  }
0x195: {  	v7 =	vld [tilespmem:s9+$0x5000]  }
0x196: {  	v11 =	vld [tilespmem:s9+$0x5010]  }
0x197: {  	v5 =	vld [tilespmem:s9+$0x5020]  }
0x198: {  	v4 =	vld [tilespmem:s9+$0x5030]  }
0x199: {  	v3 =	vld [tilespmem:s9+$0x5040]  }
0x19a: {  	v2 =	vld [tilespmem:s9+$0x5050]  }
0x19b: {  	v1 =	vld [tilespmem:s9+$0x5060]  }
0x19c: {  	v0 =	vld [tilespmem:s9+$0x5070]  }
0x19d: {  	v12 =	vld [tilespmem:s9+$0xDC00]  }
0x19e: {  	v13 =	vld [tilespmem:s9+$0xDC10]  }
0x19f: {  	v10 =	vld [tilespmem:s9+$0xDC20]  }
0x1a0: {  	v9 =	vld [tilespmem:s9+$0xDC30]  }
0x1a1: {  	v8 =	vld [tilespmem:s9+$0xDC40]  }
0x1a2: {  	v6 =	vld [tilespmem:s9+$0xDC50];
	v12 =	vadd.f32 v7, v12  }
0x1a3: {  	s13 =	simm.s32 $0x200;
	s8 =	simm.s32 $0x0;
	v11 =	vadd.f32 v11, v13;
	v7 =	vld [tilespmem:s9+$0xDC60]  }
.LBB2_20:
0x1a4: {  	s7 =	sshra.s32 s13, $0x2;
	p0 =	sne.s32 s13, $0x4E00;
	[tilespmem:s8+$0xDC00] =	vst v12;
	v5 =	vadd.f32 v5, v10;
	v10 =	vld [tilespmem:s8+$0xDC70]  }
0x1a5: {  	v12 =	vld [tilespmem:s7+$0x5000];
	[tilespmem:s8+$0xDC10] =	vst v11;
	v4 =	vadd.f32 v4, v9  }
0x1a6: {  	v11 =	vld [tilespmem:s7+$0x5010];
	[tilespmem:s8+$0xDC20] =	vst v5;
	v3 =	vadd.f32 v3, v8  }
0x1a7: {  	v5 =	vld [tilespmem:s7+$0x5020];
	[tilespmem:s8+$0xDC30] =	vst v4;
	v2 =	vadd.f32 v2, v6  }
0x1a8: {  	v4 =	vld [tilespmem:s7+$0x5030];
	[tilespmem:s8+$0xDC40] =	vst v3;
	v1 =	vadd.f32 v1, v7  }
0x1a9: {  	v3 =	vld [tilespmem:s7+$0x5040];
	[tilespmem:s8+$0xDC50] =	vst v2;
	v0 =	vadd.f32 v0, v10  }
0x1aa: {  	v2 =	vld [tilespmem:s7+$0x5050];
	[tilespmem:s8+$0xDC60] =	vst v1  }
0x1ab: {  	v1 =	vld [tilespmem:s7+$0x5060];
	[tilespmem:s8+$0xDC70] =	vst v0;
	s8 =	smov.u32 s7  }
0x1ac: {  	v0 =	vld [tilespmem:s8+$0x5070]  }
0x1ad: {  	v6 =	vld [tilespmem:s8+$0xDC00]  }
0x1ae: {  	v7 =	vld [tilespmem:s8+$0xDC10]  }
.Ltmp9:
0x1af: {  	v10 =	vld [tilespmem:s8+$0xDC20];
	(pc) =	sbr.rel @p0 .LBB2_20-.Ltmp9, $4  }
0x1b0: {  	v9 =	vld [tilespmem:s8+$0xDC30]  }
0x1b1: {  	v8 =	vld [tilespmem:s8+$0xDC40]  }
0x1b2: {  	v12 =	vadd.f32 v12, v6;
	v6 =	vld [tilespmem:s8+$0xDC50]  }
0x1b3: {  	s13 =	sadd.s32 $0x200, s13;
	v11 =	vadd.f32 v11, v7;
	v7 =	vld [tilespmem:s8+$0xDC60]  }
0x1b4: {  	[tilespmem:s8+$0xDC00] =	vst v12;
	v5 =	vadd.f32 v5, v10;
	v10 =	vld [tilespmem:s8+$0xDC70]  }
0x1b5: {  	[tilespmem:s8+$0xDC10] =	vst v11;
	v4 =	vadd.f32 v4, v9  }
0x1b6: {  	[tilespmem:s8+$0xDC20] =	vst v5;
	v3 =	vadd.f32 v3, v8  }
0x1b7: {  	[tilespmem:s8+$0xDC30] =	vst v4;
	v2 =	vadd.f32 v2, v6  }
0x1b8: {  	[tilespmem:s8+$0xDC40] =	vst v3;
	v1 =	vadd.f32 v1, v7  }
0x1b9: {  	[tilespmem:s8+$0xDC50] =	vst v2;
	v0 =	vadd.f32 v0, v10  }
0x1ba: {  	[tilespmem:s8+$0xDC60] =	vst v1  }
0x1bb: {  	[tilespmem:s8+$0xDC70] =	vst v0  }
0x1bc: {  	v7 =	vld [tilespmem:s9+$0x0]  }
0x1bd: {  	v11 =	vld [tilespmem:s9+$0x10]  }
0x1be: {  	v5 =	vld [tilespmem:s9+$0x20]  }
0x1bf: {  	v4 =	vld [tilespmem:s9+$0x30]  }
0x1c0: {  	v3 =	vld [tilespmem:s9+$0x40]  }
0x1c1: {  	v2 =	vld [tilespmem:s9+$0x50]  }
0x1c2: {  	v1 =	vld [tilespmem:s9+$0x60]  }
0x1c3: {  	v0 =	vld [tilespmem:s9+$0x70]  }
0x1c4: {  	v12 =	vld [tilespmem:s9+$0xF000]  }
0x1c5: {  	v13 =	vld [tilespmem:s9+$0xF010]  }
0x1c6: {  	v10 =	vld [tilespmem:s9+$0xF020]  }
0x1c7: {  	v9 =	vld [tilespmem:s9+$0xF030]  }
0x1c8: {  	v8 =	vld [tilespmem:s9+$0xF040]  }
0x1c9: {  	v6 =	vld [tilespmem:s9+$0xF050];
	v12 =	vadd.f32 v7, v12  }
0x1ca: {  	s8 =	simm.s32 $0x200;
	v11 =	vadd.f32 v11, v13;
	v7 =	vld [tilespmem:s9+$0xF060]  }
.LBB2_22:
0x1cb: {  	s7 =	sshra.s32 s8, $0x2;
	p0 =	sne.s32 s8, $0x4E00;
	[tilespmem:s9+$0xF000] =	vst v12;
	v5 =	vadd.f32 v5, v10;
	v10 =	vld [tilespmem:s9+$0xF070]  }
0x1cc: {  	v12 =	vld [tilespmem:s7+$0x0];
	[tilespmem:s9+$0xF010] =	vst v11;
	v4 =	vadd.f32 v4, v9  }
0x1cd: {  	v11 =	vld [tilespmem:s7+$0x10];
	[tilespmem:s9+$0xF020] =	vst v5;
	v3 =	vadd.f32 v3, v8  }
0x1ce: {  	v5 =	vld [tilespmem:s7+$0x20];
	[tilespmem:s9+$0xF030] =	vst v4;
	v2 =	vadd.f32 v2, v6  }
0x1cf: {  	v4 =	vld [tilespmem:s7+$0x30];
	[tilespmem:s9+$0xF040] =	vst v3;
	v1 =	vadd.f32 v1, v7  }
0x1d0: {  	v3 =	vld [tilespmem:s7+$0x40];
	[tilespmem:s9+$0xF050] =	vst v2;
	v0 =	vadd.f32 v0, v10  }
0x1d1: {  	v2 =	vld [tilespmem:s7+$0x50];
	[tilespmem:s9+$0xF060] =	vst v1  }
0x1d2: {  	v1 =	vld [tilespmem:s7+$0x60];
	[tilespmem:s9+$0xF070] =	vst v0;
	s9 =	smov.u32 s7  }
0x1d3: {  	v0 =	vld [tilespmem:s9+$0x70]  }
0x1d4: {  	v6 =	vld [tilespmem:s9+$0xF000]  }
0x1d5: {  	v7 =	vld [tilespmem:s9+$0xF010]  }
.Ltmp10:
0x1d6: {  	v10 =	vld [tilespmem:s9+$0xF020];
	(pc) =	sbr.rel @p0 .LBB2_22-.Ltmp10, $4  }
0x1d7: {  	v9 =	vld [tilespmem:s9+$0xF030]  }
0x1d8: {  	v8 =	vld [tilespmem:s9+$0xF040]  }
0x1d9: {  	v12 =	vadd.f32 v12, v6;
	v6 =	vld [tilespmem:s9+$0xF050]  }
0x1da: {  	s8 =	sadd.s32 $0x200, s8;
	v11 =	vadd.f32 v11, v7;
	v7 =	vld [tilespmem:s9+$0xF060]  }
0x1db: {  	[tilespmem:s9+$0xF000] =	vst v12;
	v5 =	vadd.f32 v5, v10;
	v10 =	vld [tilespmem:s9+$0xF070]  }
0x1dc: {  	[tilespmem:s9+$0xF010] =	vst v11;
	v4 =	vadd.f32 v4, v9  }
0x1dd: {  	[tilespmem:s9+$0xF020] =	vst v5;
	v3 =	vadd.f32 v3, v8  }
0x1de: {  	[tilespmem:s9+$0xF030] =	vst v4;
	v2 =	vadd.f32 v2, v6  }
0x1df: {  	[tilespmem:s9+$0xF040] =	vst v3;
	v1 =	vadd.f32 v1, v7  }
0x1e0: {  	[tilespmem:s9+$0xF050] =	vst v2;
	v0 =	vadd.f32 v0, v10  }
0x1e1: {  	[tilespmem:s9+$0xF060] =	vst v1  }
0x1e2: {  	s7 =	simm.s32 $0x0;
	s8 =	rddreg [dreg:$0x8];
	[tilespmem:s9+$0xF070] =	vst v0  }
0x1e3: {  	[hbm4b:s8+s7] =	stream.linear.scatter [tilespmem:s24], [sflag:$0x8], $0x2800, $0x38;
	[tilespmem:$0x15400] =	vst v63  }
0x1e4: {  	_ =	swait.ge [sflag:s21], $0x2800  }
0x1e5: {  	[sflag:s21] =	ssyncset.done $0x0  }
0x1e6: {  	s8 =	simm.s32 $0x0;
	[sflag:s21] =	ssyncadd.s32 $0xFFFFD800  }
0x1e7: {  	v7 =	vld [tilespmem:s8+$0x1400]  }
0x1e8: {  	v11 =	vld [tilespmem:s8+$0x1410]  }
0x1e9: {  	v5 =	vld [tilespmem:s8+$0x1420]  }
0x1ea: {  	v4 =	vld [tilespmem:s8+$0x1430]  }
0x1eb: {  	v3 =	vld [tilespmem:s8+$0x1440]  }
0x1ec: {  	v2 =	vld [tilespmem:s8+$0x1450]  }
0x1ed: {  	v1 =	vld [tilespmem:s8+$0x1460]  }
0x1ee: {  	v0 =	vld [tilespmem:s8+$0x1470]  }
0x1ef: {  	v12 =	vld [tilespmem:s8+$0x10400]  }
0x1f0: {  	v13 =	vld [tilespmem:s8+$0x10410]  }
0x1f1: {  	v10 =	vld [tilespmem:s8+$0x10420]  }
0x1f2: {  	v9 =	vld [tilespmem:s8+$0x10430]  }
0x1f3: {  	v8 =	vld [tilespmem:s8+$0x10440]  }
0x1f4: {  	v6 =	vld [tilespmem:s8+$0x10450];
	v12 =	vadd.f32 v7, v12  }
0x1f5: {  	s9 =	simm.s32 $0x200;
	v11 =	vadd.f32 v11, v13;
	v7 =	vld [tilespmem:s8+$0x10460]  }
.LBB2_24:
0x1f6: {  	s7 =	sshra.s32 s9, $0x2;
	p0 =	sne.s32 s9, $0x9E00;
	[tilespmem:s8+$0x10400] =	vst v12;
	v5 =	vadd.f32 v5, v10;
	v10 =	vld [tilespmem:s8+$0x10470]  }
0x1f7: {  	v12 =	vld [tilespmem:s7+$0x1400];
	[tilespmem:s8+$0x10410] =	vst v11;
	v4 =	vadd.f32 v4, v9  }
0x1f8: {  	v11 =	vld [tilespmem:s7+$0x1410];
	[tilespmem:s8+$0x10420] =	vst v5;
	v3 =	vadd.f32 v3, v8  }
0x1f9: {  	v5 =	vld [tilespmem:s7+$0x1420];
	[tilespmem:s8+$0x10430] =	vst v4;
	v2 =	vadd.f32 v2, v6  }
0x1fa: {  	v4 =	vld [tilespmem:s7+$0x1430];
	[tilespmem:s8+$0x10440] =	vst v3;
	v1 =	vadd.f32 v1, v7  }
0x1fb: {  	v3 =	vld [tilespmem:s7+$0x1440];
	[tilespmem:s8+$0x10450] =	vst v2;
	v0 =	vadd.f32 v0, v10  }
0x1fc: {  	v2 =	vld [tilespmem:s7+$0x1450];
	[tilespmem:s8+$0x10460] =	vst v1  }
0x1fd: {  	v1 =	vld [tilespmem:s7+$0x1460];
	[tilespmem:s8+$0x10470] =	vst v0;
	s8 =	smov.u32 s7  }
0x1fe: {  	v0 =	vld [tilespmem:s8+$0x1470]  }
0x1ff: {  	v6 =	vld [tilespmem:s8+$0x10400]  }
0x200: {  	v7 =	vld [tilespmem:s8+$0x10410]  }
.Ltmp11:
0x201: {  	v10 =	vld [tilespmem:s8+$0x10420];
	(pc) =	sbr.rel @p0 .LBB2_24-.Ltmp11, $4  }
0x202: {  	v9 =	vld [tilespmem:s8+$0x10430]  }
0x203: {  	v8 =	vld [tilespmem:s8+$0x10440]  }
0x204: {  	v12 =	vadd.f32 v12, v6;
	v6 =	vld [tilespmem:s8+$0x10450]  }
0x205: {  	s9 =	sadd.s32 $0x200, s9;
	v11 =	vadd.f32 v11, v7;
	v7 =	vld [tilespmem:s8+$0x10460]  }
0x206: {  	[tilespmem:s8+$0x10400] =	vst v12;
	v5 =	vadd.f32 v5, v10;
	v10 =	vld [tilespmem:s8+$0x10470]  }
0x207: {  	[tilespmem:s8+$0x10410] =	vst v11;
	v4 =	vadd.f32 v4, v9  }
0x208: {  	[tilespmem:s8+$0x10420] =	vst v5;
	v3 =	vadd.f32 v3, v8  }
0x209: {  	[tilespmem:s8+$0x10430] =	vst v4;
	v2 =	vadd.f32 v2, v6  }
0x20a: {  	[tilespmem:s8+$0x10440] =	vst v3;
	v1 =	vadd.f32 v1, v7  }
0x20b: {  	[tilespmem:s8+$0x10450] =	vst v2;
	v0 =	vadd.f32 v0, v10  }
0x20c: {  	[tilespmem:s8+$0x10460] =	vst v1  }
0x20d: {  	s7 =	simm.s32 $0x0;
	s17 =	rddreg [dreg:$0x9];
	[tilespmem:s8+$0x10470] =	vst v0  }
0x20e: {  	[hbm4b:s17+s7] =	stream.linear.scatter [tilespmem:s26], [sflag:$0x9], $0x2800, $0x38;
	[tilespmem:$0x15400] =	vst v63  }
0x20f: {  	_ =	swait.ge [sflag:s25], $0x2800  }
0x210: {  	[sflag:s25] =	ssyncset.done $0x0  }
0x211: {  	s8 =	simm.s32 $0x0;
	[sflag:s25] =	ssyncadd.s32 $0xFFFFD800  }
0x212: {  	v7 =	vld [tilespmem:s8+$0x3C00]  }
0x213: {  	v11 =	vld [tilespmem:s8+$0x3C10]  }
0x214: {  	v5 =	vld [tilespmem:s8+$0x3C20]  }
0x215: {  	v4 =	vld [tilespmem:s8+$0x3C30]  }
0x216: {  	v3 =	vld [tilespmem:s8+$0x3C40]  }
0x217: {  	v2 =	vld [tilespmem:s8+$0x3C50]  }
0x218: {  	v1 =	vld [tilespmem:s8+$0x3C60]  }
0x219: {  	v0 =	vld [tilespmem:s8+$0x3C70]  }
0x21a: {  	v12 =	vld [tilespmem:s8+$0x12C00]  }
0x21b: {  	v13 =	vld [tilespmem:s8+$0x12C10]  }
0x21c: {  	v10 =	vld [tilespmem:s8+$0x12C20]  }
0x21d: {  	v9 =	vld [tilespmem:s8+$0x12C30]  }
0x21e: {  	v8 =	vld [tilespmem:s8+$0x12C40]  }
0x21f: {  	v6 =	vld [tilespmem:s8+$0x12C50];
	v12 =	vadd.f32 v7, v12  }
0x220: {  	s9 =	simm.s32 $0x200;
	v11 =	vadd.f32 v11, v13;
	v7 =	vld [tilespmem:s8+$0x12C60]  }
.LBB2_26:
0x221: {  	s7 =	sshra.s32 s9, $0x2;
	p0 =	sne.s32 s9, $0x9E00;
	[tilespmem:s8+$0x12C00] =	vst v12;
	v5 =	vadd.f32 v5, v10;
	v10 =	vld [tilespmem:s8+$0x12C70]  }
0x222: {  	v12 =	vld [tilespmem:s7+$0x3C00];
	[tilespmem:s8+$0x12C10] =	vst v11;
	v4 =	vadd.f32 v4, v9  }
0x223: {  	v11 =	vld [tilespmem:s7+$0x3C10];
	[tilespmem:s8+$0x12C20] =	vst v5;
	v3 =	vadd.f32 v3, v8  }
0x224: {  	v5 =	vld [tilespmem:s7+$0x3C20];
	[tilespmem:s8+$0x12C30] =	vst v4;
	v2 =	vadd.f32 v2, v6  }
0x225: {  	v4 =	vld [tilespmem:s7+$0x3C30];
	[tilespmem:s8+$0x12C40] =	vst v3;
	v1 =	vadd.f32 v1, v7  }
0x226: {  	v3 =	vld [tilespmem:s7+$0x3C40];
	[tilespmem:s8+$0x12C50] =	vst v2;
	v0 =	vadd.f32 v0, v10  }
0x227: {  	v2 =	vld [tilespmem:s7+$0x3C50];
	[tilespmem:s8+$0x12C60] =	vst v1  }
0x228: {  	v1 =	vld [tilespmem:s7+$0x3C60];
	[tilespmem:s8+$0x12C70] =	vst v0;
	s8 =	smov.u32 s7  }
0x229: {  	v0 =	vld [tilespmem:s8+$0x3C70]  }
0x22a: {  	v6 =	vld [tilespmem:s8+$0x12C00]  }
0x22b: {  	v7 =	vld [tilespmem:s8+$0x12C10]  }
.Ltmp12:
0x22c: {  	v10 =	vld [tilespmem:s8+$0x12C20];
	(pc) =	sbr.rel @p0 .LBB2_26-.Ltmp12, $4  }
0x22d: {  	v9 =	vld [tilespmem:s8+$0x12C30]  }
0x22e: {  	v8 =	vld [tilespmem:s8+$0x12C40]  }
0x22f: {  	v12 =	vadd.f32 v12, v6;
	v6 =	vld [tilespmem:s8+$0x12C50]  }
0x230: {  	s9 =	sadd.s32 $0x200, s9;
	v11 =	vadd.f32 v11, v7;
	v7 =	vld [tilespmem:s8+$0x12C60]  }
0x231: {  	[tilespmem:s8+$0x12C00] =	vst v12;
	v5 =	vadd.f32 v5, v10;
	v63 =	vld [tilespmem:s8+$0x12C70]  }
0x232: {  	[tilespmem:s8+$0x12C10] =	vst v11;
	v4 =	vadd.f32 v4, v9  }
0x233: {  	[tilespmem:s8+$0x12C20] =	vst v5;
	v3 =	vadd.f32 v3, v8  }
0x234: {  	[tilespmem:s8+$0x12C30] =	vst v4;
	v2 =	vadd.f32 v2, v6  }
0x235: {  	[tilespmem:s8+$0x12C40] =	vst v3;
	v1 =	vadd.f32 v1, v7  }
0x236: {  	[tilespmem:s8+$0x12C50] =	vst v2;
	v0 =	vadd.f32 v0, v63  }
0x237: {  	[tilespmem:s8+$0x12C60] =	vst v1  }
0x238: {  	s7 =	rddreg [dreg:$0xa];
	[tilespmem:s8+$0x12C70] =	vst v0  }
0x239: {  	[hbm4b:s7+s5] =	stream.linear.scatter [tilespmem:s30], [sflag:$0xA], $0x2800, $0x38;
	[tilespmem:$0x15400] =	vst v63  }
0x23a: {  	_ =	swait.ge [sflag:s2], $0x2800  }
0x23b: {  	[sflag:s2] =	ssyncset.done $0x0  }
0x23c: {  	[sflag:s2] =	ssyncadd.s32 $0xFFFFD800  }
0x23d: {  	_ =	swait.ge [sflag:s3], $0x2800  }
0x23e: {  	[sflag:s3] =	ssyncset.done $0x0  }
0x23f: {  	[sflag:s3] =	ssyncadd.s32 $0xFFFFD800  }
0x240: {  	_ =	swait.ge [sflag:s23], $0x2800  }
0x241: {  	[sflag:s23] =	ssyncset.done $0x0  }
0x242: {  	[sflag:s23] =	ssyncadd.s32 $0xFFFFD800  }
0x243: {  	_ =	swait.ge [sflag:s29], $0x2800  }
0x244: {  	[sflag:s29] =	ssyncset.done $0x0  }
0x245: {  	[sflag:s29] =	ssyncadd.s32 $0xFFFFD800  }
0x246: {  	_ =	swait.ge [sflag:s18], $0x2800  }
0x247: {  	s16 =	rddreg [dreg:$0xc]  }
0x248: {  	s17 =	rddreg [dreg:$0xb];
	s8 =	sadd.s32 $0x1, s16  }
0x249: {  	p0 =	sne.s32 s8, s17  }
.Ltmp13:
0x24a: {  	_ = 	snop;
	(pc) =	sbr.rel @p0 .LBB2_1-.Ltmp13, $3  }
0x24b: {  	_ =	sdelay $0x1  }
0x24c: {  	[sflag:s18] =	ssyncset.done $0x0  }
0x24d: {  	[sflag:s18] =	ssyncadd.s32 $0xFFFFD800  }
0x24e: {  	_ =	sfence.sel $0x180000  }
0x24f: {  	[bflag:$0x0] =	sbarrier.arrive $0xFFFF  }
0x250: {  	_ =	strace $0x90000047  }
0x251: {  	s0 =	stileid.u32;
	[bflag:$0x2] =	sbarrier.arrive $0xFFFF  }
0x252: {  	p0 =	sne.s32 s0, $0x0;
	s0 =	rddreg [dreg:$0x4]  }
0x253: {  	s0 =	sadd.s32 @!p0 $0x100000, s0  }
0x254: {  	[sflag:s0] =	ssyncadd.tile.s32 @!p0 $0x1;
	_ =	shalt  }
.Lfunc_end2:
_tile_overlayer_lowered:
.L_overlay_start_2:
0x255: {  	(tag) =	ssettag $0x2  }
0x256: {  	s0 =	rddreg [dreg:$0x0];
	s2 =	stileid.u32  }
0x257: {  	s1 =	rddreg [dreg:$0x1];
	p0 =	sne.s32 s2, $0x0  }
0x258: {  	s3 =	rddreg [dreg:$0x2];
	[bflag:$0x3] =	sbarrier.arrive $0xFFFF;
	s2 =	simm.s32 @!p0 $0x1C0B  }
0x259: {  	[timem:s3], [sflag:s2] =	dma.local @!p0 [hbm:s0], s1  }
0x25a: {  	s0 =	simm.s32 @!p0 $0xB  }
0x25b: {  	_ =	swait.ge @!p0 [sflag:s0], s1  }
0x25c: {  	s1 =	ssub.s32 @!p0 $0x0, s1;
	[sflag:s0] =	ssyncset.done @!p0 $0x0  }
0x25d: {  	[sflag:s0] =	ssyncadd.s32 @!p0 s1  }
0x25e: {  	[bflag:$0x3] =	sbarrier.arrive $0xFFFF  }
0x25f: {  	_ =	shalt  }

</sc_bundles>
